<compile_context>
chip_gen: v7x
topology: tpu7x:2x2x1
jax: 0.10.2.dev20260603
libtpu: 0.0.44.dev20260713+nightly
codegen_flags: <defaults>
</compile_context>

<pallas_src>
import functools

import jax
import jax.numpy as jnp
from jax import lax
from jax.experimental import pallas as pl
from jax.experimental.pallas import tpu as pltpu
from jax.experimental.pallas import tpu_sc as plsc

T = 8192
D_MODEL = 1024
D_OUT = 1024
N_LEAF = 16
N_INT = 15

BT_A = 512
NT_A = T // BT_A
BT_B = 512
NT_B = T // BT_B
BT_MM = 256
S = T + N_LEAF * BT_MM
NT_MM = S // BT_MM
TL_PAD = 128


def _ab_body(x_ref, w_ref, b_ref, m_ref, tri_ref, pos_ref, tl_ref, leafbuf, scr):
    p = pl.program_id(0)
    i = pl.program_id(1)

    @pl.when(p == 0)
    def _():
        x = x_ref[...]
        logits = lax.dot_general(w_ref[...], x, (((1,), (1,)), ((), ())),
                                 preferred_element_type=jnp.float32) + b_ref[...]
        lp = jnp.concatenate(
            [jax.nn.log_sigmoid(-logits), jax.nn.log_sigmoid(logits)], axis=0)
        log_probs = lax.dot_general(m_ref[...], lp, (((1,), (0,)), ((), ())),
                                    preferred_element_type=jnp.float32)
        row = lax.broadcasted_iota(jnp.int32, (N_LEAF, BT_A), 0)
        mx = jnp.max(log_probs, axis=0, keepdims=True)
        leaf = jnp.min(jnp.where(log_probs == mx, row, N_LEAF), axis=0,
                       keepdims=True)
        leafbuf[pl.ds(i, 1), :] = leaf
        onehot = (leaf == row).astype(jnp.float32)
        tile_cnt = jnp.sum(onehot, axis=1, keepdims=True).astype(jnp.int32)

        @pl.when(i == 0)
        def _():
            scr[...] = jnp.zeros_like(scr)

        scr[0:N_LEAF, 0:1] = scr[0:N_LEAF, 0:1] + tile_cnt

    @pl.when((p == 1) & (i == 0))
    def _():
        cnt = scr[0:N_LEAF, 0:1]
        padded = ((cnt + BT_MM - 1) // BT_MM) * BT_MM
        rowj = lax.broadcasted_iota(jnp.int32, (N_LEAF, N_LEAF), 0)
        colk = lax.broadcasted_iota(jnp.int32, (N_LEAF, N_LEAF), 1)
        low = (colk < rowj).astype(jnp.float32)
        gs = lax.dot_general(low, padded.astype(jnp.float32),
                             (((1,), (0,)), ((), ())),
                             preferred_element_type=jnp.float32
                             ).astype(jnp.int32)
        scr[0:N_LEAF, 1:2] = gs
        ends = gs + padded
        rr = lax.broadcasted_iota(jnp.int32, (N_LEAF, TL_PAD), 1) * BT_MM
        tl = jnp.sum((rr >= ends).astype(jnp.int32), axis=0, keepdims=True)
        tl_ref[0, 0, :] = jnp.minimum(tl, N_LEAF - 1)[0]
        scr[0:N_LEAF, 0:1] = jnp.zeros((N_LEAF, 1), jnp.int32)

    @pl.when(p == 1)
    def _():
        lf = leafbuf[pl.ds(i, 1), :]
        row = lax.broadcasted_iota(jnp.int32, (N_LEAF, BT_B), 0)
        onehot = (lf == row).astype(jnp.float32)
        tile_cnt = jnp.sum(onehot, axis=1, keepdims=True).astype(jnp.int32)
        prev = scr[0:N_LEAF, 0:1]
        gs = scr[0:N_LEAF, 1:2]
        rank = lax.dot_general(onehot, tri_ref[...], (((1,), (0,)), ((), ())),
                               preferred_element_type=jnp.float32)
        basef = (gs + prev).astype(jnp.float32)
        posv = jnp.sum(onehot * (basef + rank), axis=0, keepdims=True)
        pos_ref[0, 0, :] = posv.astype(jnp.int32)[0]
        scr[0:N_LEAF, 0:1] = prev + tile_cnt


def _ab(xs, weights, b2, mperm, tri):
    return pl.pallas_call(
        _ab_body,
        grid=(2, NT_B),
        in_specs=[
            pl.BlockSpec((BT_A, D_MODEL),
                         lambda p, i: (jnp.where(p == 0, i, 0), 0)),
            pl.BlockSpec((N_INT, D_MODEL), lambda p, i: (0, 0)),
            pl.BlockSpec((N_INT, 1), lambda p, i: (0, 0)),
            pl.BlockSpec((N_LEAF, 2 * N_INT), lambda p, i: (0, 0)),
            pl.BlockSpec((BT_B, BT_B), lambda p, i: (0, 0)),
        ],
        out_specs=[
            pl.BlockSpec((1, 1, BT_B), lambda p, i: (i, 0, 0)),
            pl.BlockSpec((1, 1, TL_PAD), lambda p, i: (0, 0, 0)),
        ],
        out_shape=[
            jax.ShapeDtypeStruct((NT_B, 1, BT_B), jnp.int32),
            jax.ShapeDtypeStruct((1, 1, TL_PAD), jnp.int32),
        ],
        scratch_shapes=[pltpu.VMEM((NT_B, BT_B), jnp.int32),
                        pltpu.VMEM((N_LEAF, 128), jnp.int32)],
    )(xs, weights, b2, mperm, tri)


_NC = 2
_NS = 16
_NW = _NC * _NS
_PER_W = T // _NW
_SC_CHUNK = 32
_NCH = _PER_W // _SC_CHUNK


def _sc_permute(src, pos, out_rows, scatter):
    mesh = plsc.VectorSubcoreMesh(core_axis_name="c", subcore_axis_name="s")

    @functools.partial(
        pl.kernel, mesh=mesh,
        out_type=jax.ShapeDtypeStruct((out_rows, D_OUT), jnp.float32),
        scratch_types=(
            [pltpu.VMEM((_SC_CHUNK,), jnp.int32) for _ in range(_NCH)]
            + [pltpu.VMEM((_SC_CHUNK, D_OUT), jnp.float32)
               for _ in range(3)]
            + [pltpu.SemaphoreType.DMA for _ in range(7)]),
    )
    def k(src_hbm, pos_hbm, out_hbm, i0, i1, i2, i3, i4, i5, i6, i7,
          b0, b1, b2, sem_idx, si0, si1, si2, so0, so1, so2):
        wid = lax.axis_index("s") * _NC + lax.axis_index("c")
        base = wid * _PER_W
        idx = [i0, i1, i2, i3, i4, i5, i6, i7]
        bufs = [b0, b1, b2]
        sin = [si0, si1, si2]
        sout = [so0, so1, so2]
        hidx = [pltpu.async_copy(
                    pos_hbm.at[pl.ds(base + c * _SC_CHUNK, _SC_CHUNK)],
                    idx[c], sem_idx) for c in range(_NCH)]
        for h in hidx:
            h.wait()

        def start_in(c):
            lin = pl.ds(base + c * _SC_CHUNK, _SC_CHUNK)
            if scatter:
                return pltpu.async_copy(src_hbm.at[lin], bufs[c % 3],
                                        sin[c % 3])
            return pltpu.async_copy(src_hbm.at[idx[c]], bufs[c % 3],
                                    sin[c % 3])

        def start_out(c):
            lin = pl.ds(base + c * _SC_CHUNK, _SC_CHUNK)
            if scatter:
                return pltpu.async_copy(bufs[c % 3], out_hbm.at[idx[c]],
                                        sout[c % 3])
            return pltpu.async_copy(bufs[c % 3], out_hbm.at[lin], sout[c % 3])

        ins = [None] * _NCH
        outs = [None] * _NCH
        ins[0] = start_in(0)
        ins[1] = start_in(1)
        ins[2] = start_in(2)
        for c in range(_NCH):
            ins[c].wait()
            outs[c] = start_out(c)
            if c + 3 < _NCH:
                outs[c].wait()
                ins[c + 3] = start_in(c + 3)
        outs[_NCH - 3].wait()
        outs[_NCH - 2].wait()
        outs[_NCH - 1].wait()

    return k(src, pos)


def _mm_body(tl_ref, x_ref, w_ref, b_ref, o_ref):
    del tl_ref
    o_ref[...] = lax.dot_general(
        x_ref[...], w_ref[0], (((1,), (0,)), ((), ())),
        preferred_element_type=jnp.float32) + b_ref[0]


def _grouped_mm(tile_leaf, xs_sorted, leaf_W, leaf_b):
    grid_spec = pltpu.PrefetchScalarGridSpec(
        num_scalar_prefetch=1,
        grid=(NT_MM,),
        in_specs=[
            pl.BlockSpec((BT_MM, D_MODEL), lambda i, tl: (i, 0)),
            pl.BlockSpec((1, D_MODEL, D_OUT), lambda i, tl: (tl[i], 0, 0)),
            pl.BlockSpec((1, 1, D_OUT), lambda i, tl: (tl[i], 0, 0)),
        ],
        out_specs=pl.BlockSpec((BT_MM, D_OUT), lambda i, tl: (i, 0)),
    )
    return pl.pallas_call(
        _mm_body,
        grid_spec=grid_spec,
        out_shape=jax.ShapeDtypeStruct((S, D_OUT), jnp.float32),
    )(tile_leaf, xs_sorted, leaf_W, leaf_b.reshape(N_LEAF, 1, D_OUT))


def kernel(xs, weights, biases, masks, leaf_W, leaf_b):
    mperm = jnp.concatenate([masks[:, 0::2], masks[:, 1::2]], axis=1)
    b2 = biases.reshape(N_INT, 1)
    tri = jnp.triu(jnp.ones((BT_B, BT_B), jnp.float32), 1)
    pos3, tl3 = _ab(xs, weights, b2, mperm, tri)
    pos = pos3.reshape(T)
    tile_leaf = tl3.reshape(TL_PAD)
    xs_sorted = _sc_permute(xs, pos, S, scatter=True)
    out_sorted = _grouped_mm(tile_leaf, xs_sorted, leaf_W, leaf_b)
    return _sc_permute(out_sorted, pos, T, scatter=False)

# --- scband reference (transcript-rebuilt; emitter-appended) ---
"""Pipeline reference for scband-soft-tree-42872363548690 (READ-ONLY COPY).

The authoritative reference and input builder live on the scoring server;
editing this copy changes nothing except your own understanding.
"""

import jax, jax.numpy as jnp
import numpy as np

DEPTH = 4
N_INT = 2 ** DEPTH - 1
N_LEAF = 2 ** DEPTH
D_MODEL = 1024
D_OUT = 1024
T = 8192


def _build_masks(depth):
    # Complete oblique tree, heap-style node numbering. mask[leaf, 2*node+side]=1
    # along the root-to-leaf path, matching SoftTree.from_oblique's layout where
    # column 2j is logsigmoid(-logit_j) (go side 0) and 2j+1 is logsigmoid(logit_j).
    n_int = 2 ** depth - 1
    n_leaf = 2 ** depth
    masks = np.zeros((n_leaf, 2 * n_int), dtype=np.float32)
    for leaf in range(n_leaf):
        node = 0
        for lvl in range(depth):
            side = (leaf >> (depth - 1 - lvl)) & 1
            masks[leaf, 2 * node + side] = 1.0
            node = 2 * node + 1 + side
    return jnp.asarray(masks)


def setup_inputs(seed: int = 0):
    key = jax.random.key(seed)
    ks = jax.random.split(key, 5)
    xs = jax.random.normal(ks[0], (T, D_MODEL), dtype=jnp.float32)
    weights = jax.random.normal(ks[1], (N_INT, D_MODEL), dtype=jnp.float32) / np.sqrt(D_MODEL)
    biases = 0.1 * jax.random.normal(ks[2], (N_INT,), dtype=jnp.float32)
    masks = _build_masks(DEPTH)
    # Leaves modeled as per-leaf linear CascadeModules: x -> x @ W_i + b_i
    leaf_W = jax.random.normal(ks[3], (N_LEAF, D_MODEL, D_OUT), dtype=jnp.float32) / np.sqrt(D_MODEL)
    leaf_b = 0.01 * jax.random.normal(ks[4], (N_LEAF, D_OUT), dtype=jnp.float32)
    return {"xs": xs, "weights": weights, "biases": biases, "masks": masks, "leaf_W": leaf_W, "leaf_b": leaf_b}


def reference(xs, weights, biases, masks, leaf_W, leaf_b):
    # --- leaf_log_probs ---
    logits = xs @ weights.T + biases
    lp = jnp.stack([jax.nn.log_sigmoid(-logits), jax.nn.log_sigmoid(logits)], axis=-1)
    lp = lp.reshape(logits.shape[0], logits.shape[1] * 2)
    log_probs = lp @ masks.T  # [T, N_LEAF]
    # --- hard routing (argmax leaf) ---
    leaf_idx = jnp.argmax(log_probs, axis=-1)
    # --- leaf_outputs: each token gets the affine map of its argmax leaf;
    #     per-row matmul results are identical to the grouped-slice matmuls,
    #     so selecting rows from the full-batch per-leaf outputs matches the
    #     original sort/group/inverse-permutation construction exactly ---
    n_leaf = leaf_W.shape[0]
    out = jnp.zeros((xs.shape[0], leaf_W.shape[2]), dtype=xs.dtype)
    for i in range(n_leaf):
        leaf_out = xs @ leaf_W[i] + leaf_b[i]
        out = jnp.where((leaf_idx == i)[:, None], leaf_out, out)
    return out

if __name__ == "__main__":
    import jax
    _d = setup_inputs()
    print(jax.jit(kernel)(*tuple(_d.values())))

</pallas_src>

<mosaic_0001>
#map = affine_map<(d0, d1) -> (0, 0)>
#map1 = affine_map<(d0, d1) -> (0)>
module attributes {stable_mosaic.version = 14 : i64} {
  func.func @k(%arg0: i32, %arg1: i32, %arg2: memref<12288x1024xf32, #tpu.memory_space<hbm>>, %arg3: memref<8192xi32, #tpu.memory_space<hbm>>, %arg4: memref<8192x1024xf32, #tpu.memory_space<hbm>>, %arg5: memref<32xi32, #tpu.memory_space<vmem>>, %arg6: memref<32xi32, #tpu.memory_space<vmem>>, %arg7: memref<32xi32, #tpu.memory_space<vmem>>, %arg8: memref<32xi32, #tpu.memory_space<vmem>>, %arg9: memref<32xi32, #tpu.memory_space<vmem>>, %arg10: memref<32xi32, #tpu.memory_space<vmem>>, %arg11: memref<32xi32, #tpu.memory_space<vmem>>, %arg12: memref<32xi32, #tpu.memory_space<vmem>>, %arg13: memref<32x1024xf32, #tpu.memory_space<vmem>>, %arg14: memref<32x1024xf32, #tpu.memory_space<vmem>>, %arg15: memref<32x1024xf32, #tpu.memory_space<vmem>>, %arg16: memref<!tpu.dma_semaphore, #tpu.memory_space<semaphore_mem>>, %arg17: memref<!tpu.dma_semaphore, #tpu.memory_space<semaphore_mem>>, %arg18: memref<!tpu.dma_semaphore, #tpu.memory_space<semaphore_mem>>, %arg19: memref<!tpu.dma_semaphore, #tpu.memory_space<semaphore_mem>>, %arg20: memref<!tpu.dma_semaphore, #tpu.memory_space<semaphore_mem>>, %arg21: memref<!tpu.dma_semaphore, #tpu.memory_space<semaphore_mem>>, %arg22: memref<!tpu.dma_semaphore, #tpu.memory_space<semaphore_mem>>) attributes {dimension_semantics = [#tpu.dimension_semantics<core_parallel>, #tpu.dimension_semantics<subcore_parallel>], iteration_bounds = array<i64: 2, 16>, scalar_prefetch = 0 : i64, scratch_operands = 18 : i64, tpu.core_type = #tpu.core_type<sc_vector_subcore>, window_params = [{transform_indices = #map}, {transform_indices = #map1}, {transform_indices = #map}]} {
    %mul3A = arith.constant 2 : i32
    %mul3A_0 = arith.muli %arg1, %mul3A : i32
    %add3A = arith.addi %mul3A_0, %arg0 : i32
    %mul3A_1 = arith.constant 256 : i32
    %mul3A_2 = arith.muli %add3A, %mul3A_1 : i32
    %add3A_3 = arith.constant 0 : i32
    %add3A_4 = arith.addi %mul3A_2, %add3A_3 : i32
    %dma_start3A = tpu.memref_slice %arg3[%add3A_4] : memref<8192xi32, #tpu.memory_space<hbm>> -> memref<32xi32, #tpu.memory_space<hbm>>
    %dma_start3A_5 = tpu.memref_slice %arg3[%add3A_4] : memref<8192xi32, #tpu.memory_space<hbm>> -> memref<32xi32, #tpu.memory_space<hbm>>
    tpu.enqueue_dma source(%dma_start3A_5 : memref<32xi32, #tpu.memory_space<hbm>>) target(%arg5 : memref<32xi32, #tpu.memory_space<vmem>>) target_semaphore(%arg16 : memref<!tpu.dma_semaphore, #tpu.memory_space<semaphore_mem>>)
    %add3A_6 = arith.constant 32 : i32
    %add3A_7 = arith.addi %mul3A_2, %add3A_6 : i32
    %dma_start3A_8 = tpu.memref_slice %arg3[%add3A_7] : memref<8192xi32, #tpu.memory_space<hbm>> -> memref<32xi32, #tpu.memory_space<hbm>>
    %dma_start3A_9 = tpu.memref_slice %arg3[%add3A_7] : memref<8192xi32, #tpu.memory_space<hbm>> -> memref<32xi32, #tpu.memory_space<hbm>>
    tpu.enqueue_dma source(%dma_start3A_9 : memref<32xi32, #tpu.memory_space<hbm>>) target(%arg6 : memref<32xi32, #tpu.memory_space<vmem>>) target_semaphore(%arg16 : memref<!tpu.dma_semaphore, #tpu.memory_space<semaphore_mem>>)
    %add3A_10 = arith.constant 64 : i32
    %add3A_11 = arith.addi %mul3A_2, %add3A_10 : i32
    %dma_start3A_12 = tpu.memref_slice %arg3[%add3A_11] : memref<8192xi32, #tpu.memory_space<hbm>> -> memref<32xi32, #tpu.memory_space<hbm>>
    %dma_start3A_13 = tpu.memref_slice %arg3[%add3A_11] : memref<8192xi32, #tpu.memory_space<hbm>> -> memref<32xi32, #tpu.memory_space<hbm>>
    tpu.enqueue_dma source(%dma_start3A_13 : memref<32xi32, #tpu.memory_space<hbm>>) target(%arg7 : memref<32xi32, #tpu.memory_space<vmem>>) target_semaphore(%arg16 : memref<!tpu.dma_semaphore, #tpu.memory_space<semaphore_mem>>)
    %add3A_14 = arith.constant 96 : i32
    %add3A_15 = arith.addi %mul3A_2, %add3A_14 : i32
    %dma_start3A_16 = tpu.memref_slice %arg3[%add3A_15] : memref<8192xi32, #tpu.memory_space<hbm>> -> memref<32xi32, #tpu.memory_space<hbm>>
    %dma_start3A_17 = tpu.memref_slice %arg3[%add3A_15] : memref<8192xi32, #tpu.memory_space<hbm>> -> memref<32xi32, #tpu.memory_space<hbm>>
    tpu.enqueue_dma source(%dma_start3A_17 : memref<32xi32, #tpu.memory_space<hbm>>) target(%arg8 : memref<32xi32, #tpu.memory_space<vmem>>) target_semaphore(%arg16 : memref<!tpu.dma_semaphore, #tpu.memory_space<semaphore_mem>>)
    %add3A_18 = arith.constant 128 : i32
    %add3A_19 = arith.addi %mul3A_2, %add3A_18 : i32
    %dma_start3A_20 = tpu.memref_slice %arg3[%add3A_19] : memref<8192xi32, #tpu.memory_space<hbm>> -> memref<32xi32, #tpu.memory_space<hbm>>
    %dma_start3A_21 = tpu.memref_slice %arg3[%add3A_19] : memref<8192xi32, #tpu.memory_space<hbm>> -> memref<32xi32, #tpu.memory_space<hbm>>
    tpu.enqueue_dma source(%dma_start3A_21 : memref<32xi32, #tpu.memory_space<hbm>>) target(%arg9 : memref<32xi32, #tpu.memory_space<vmem>>) target_semaphore(%arg16 : memref<!tpu.dma_semaphore, #tpu.memory_space<semaphore_mem>>)
    %add3A_22 = arith.constant 160 : i32
    %add3A_23 = arith.addi %mul3A_2, %add3A_22 : i32
    %dma_start3A_24 = tpu.memref_slice %arg3[%add3A_23] : memref<8192xi32, #tpu.memory_space<hbm>> -> memref<32xi32, #tpu.memory_space<hbm>>
    %dma_start3A_25 = tpu.memref_slice %arg3[%add3A_23] : memref<8192xi32, #tpu.memory_space<hbm>> -> memref<32xi32, #tpu.memory_space<hbm>>
    tpu.enqueue_dma source(%dma_start3A_25 : memref<32xi32, #tpu.memory_space<hbm>>) target(%arg10 : memref<32xi32, #tpu.memory_space<vmem>>) target_semaphore(%arg16 : memref<!tpu.dma_semaphore, #tpu.memory_space<semaphore_mem>>)
    %add3A_26 = arith.constant 192 : i32
    %add3A_27 = arith.addi %mul3A_2, %add3A_26 : i32
    %dma_start3A_28 = tpu.memref_slice %arg3[%add3A_27] : memref<8192xi32, #tpu.memory_space<hbm>> -> memref<32xi32, #tpu.memory_space<hbm>>
    %dma_start3A_29 = tpu.memref_slice %arg3[%add3A_27] : memref<8192xi32, #tpu.memory_space<hbm>> -> memref<32xi32, #tpu.memory_space<hbm>>
    tpu.enqueue_dma source(%dma_start3A_29 : memref<32xi32, #tpu.memory_space<hbm>>) target(%arg11 : memref<32xi32, #tpu.memory_space<vmem>>) target_semaphore(%arg16 : memref<!tpu.dma_semaphore, #tpu.memory_space<semaphore_mem>>)
    %add3A_30 = arith.constant 224 : i32
    %add3A_31 = arith.addi %mul3A_2, %add3A_30 : i32
    %dma_start3A_32 = tpu.memref_slice %arg3[%add3A_31] : memref<8192xi32, #tpu.memory_space<hbm>> -> memref<32xi32, #tpu.memory_space<hbm>>
    %dma_start3A_33 = tpu.memref_slice %arg3[%add3A_31] : memref<8192xi32, #tpu.memory_space<hbm>> -> memref<32xi32, #tpu.memory_space<hbm>>
    tpu.enqueue_dma source(%dma_start3A_33 : memref<32xi32, #tpu.memory_space<hbm>>) target(%arg12 : memref<32xi32, #tpu.memory_space<vmem>>) target_semaphore(%arg16 : memref<!tpu.dma_semaphore, #tpu.memory_space<semaphore_mem>>)
    %dma_wait3A = tpu.memref_slice %arg3[%add3A_4] : memref<8192xi32, #tpu.memory_space<hbm>> -> memref<32xi32, #tpu.memory_space<hbm>>
    %dma_wait3A_34 = tpu.memref_slice %arg3[%add3A_4] : memref<8192xi32, #tpu.memory_space<hbm>> -> memref<32xi32, #tpu.memory_space<hbm>>
    tpu.wait_dma2 semaphore(%arg16 : memref<!tpu.dma_semaphore, #tpu.memory_space<semaphore_mem>>) src(%dma_wait3A_34 : memref<32xi32, #tpu.memory_space<hbm>>) dst(%arg5 : memref<32xi32, #tpu.memory_space<vmem>>)
    %dma_wait3A_35 = tpu.memref_slice %arg3[%add3A_7] : memref<8192xi32, #tpu.memory_space<hbm>> -> memref<32xi32, #tpu.memory_space<hbm>>
    %dma_wait3A_36 = tpu.memref_slice %arg3[%add3A_7] : memref<8192xi32, #tpu.memory_space<hbm>> -> memref<32xi32, #tpu.memory_space<hbm>>
    tpu.wait_dma2 semaphore(%arg16 : memref<!tpu.dma_semaphore, #tpu.memory_space<semaphore_mem>>) src(%dma_wait3A_36 : memref<32xi32, #tpu.memory_space<hbm>>) dst(%arg6 : memref<32xi32, #tpu.memory_space<vmem>>)
    %dma_wait3A_37 = tpu.memref_slice %arg3[%add3A_11] : memref<8192xi32, #tpu.memory_space<hbm>> -> memref<32xi32, #tpu.memory_space<hbm>>
    %dma_wait3A_38 = tpu.memref_slice %arg3[%add3A_11] : memref<8192xi32, #tpu.memory_space<hbm>> -> memref<32xi32, #tpu.memory_space<hbm>>
    tpu.wait_dma2 semaphore(%arg16 : memref<!tpu.dma_semaphore, #tpu.memory_space<semaphore_mem>>) src(%dma_wait3A_38 : memref<32xi32, #tpu.memory_space<hbm>>) dst(%arg7 : memref<32xi32, #tpu.memory_space<vmem>>)
    %dma_wait3A_39 = tpu.memref_slice %arg3[%add3A_15] : memref<8192xi32, #tpu.memory_space<hbm>> -> memref<32xi32, #tpu.memory_space<hbm>>
    %dma_wait3A_40 = tpu.memref_slice %arg3[%add3A_15] : memref<8192xi32, #tpu.memory_space<hbm>> -> memref<32xi32, #tpu.memory_space<hbm>>
    tpu.wait_dma2 semaphore(%arg16 : memref<!tpu.dma_semaphore, #tpu.memory_space<semaphore_mem>>) src(%dma_wait3A_40 : memref<32xi32, #tpu.memory_space<hbm>>) dst(%arg8 : memref<32xi32, #tpu.memory_space<vmem>>)
    %dma_wait3A_41 = tpu.memref_slice %arg3[%add3A_19] : memref<8192xi32, #tpu.memory_space<hbm>> -> memref<32xi32, #tpu.memory_space<hbm>>
    %dma_wait3A_42 = tpu.memref_slice %arg3[%add3A_19] : memref<8192xi32, #tpu.memory_space<hbm>> -> memref<32xi32, #tpu.memory_space<hbm>>
    tpu.wait_dma2 semaphore(%arg16 : memref<!tpu.dma_semaphore, #tpu.memory_space<semaphore_mem>>) src(%dma_wait3A_42 : memref<32xi32, #tpu.memory_space<hbm>>) dst(%arg9 : memref<32xi32, #tpu.memory_space<vmem>>)
    %dma_wait3A_43 = tpu.memref_slice %arg3[%add3A_23] : memref<8192xi32, #tpu.memory_space<hbm>> -> memref<32xi32, #tpu.memory_space<hbm>>
    %dma_wait3A_44 = tpu.memref_slice %arg3[%add3A_23] : memref<8192xi32, #tpu.memory_space<hbm>> -> memref<32xi32, #tpu.memory_space<hbm>>
    tpu.wait_dma2 semaphore(%arg16 : memref<!tpu.dma_semaphore, #tpu.memory_space<semaphore_mem>>) src(%dma_wait3A_44 : memref<32xi32, #tpu.memory_space<hbm>>) dst(%arg10 : memref<32xi32, #tpu.memory_space<vmem>>)
    %dma_wait3A_45 = tpu.memref_slice %arg3[%add3A_27] : memref<8192xi32, #tpu.memory_space<hbm>> -> memref<32xi32, #tpu.memory_space<hbm>>
    %dma_wait3A_46 = tpu.memref_slice %arg3[%add3A_27] : memref<8192xi32, #tpu.memory_space<hbm>> -> memref<32xi32, #tpu.memory_space<hbm>>
    tpu.wait_dma2 semaphore(%arg16 : memref<!tpu.dma_semaphore, #tpu.memory_space<semaphore_mem>>) src(%dma_wait3A_46 : memref<32xi32, #tpu.memory_space<hbm>>) dst(%arg11 : memref<32xi32, #tpu.memory_space<vmem>>)
    %dma_wait3A_47 = tpu.memref_slice %arg3[%add3A_31] : memref<8192xi32, #tpu.memory_space<hbm>> -> memref<32xi32, #tpu.memory_space<hbm>>
    %dma_wait3A_48 = tpu.memref_slice %arg3[%add3A_31] : memref<8192xi32, #tpu.memory_space<hbm>> -> memref<32xi32, #tpu.memory_space<hbm>>
    tpu.wait_dma2 semaphore(%arg16 : memref<!tpu.dma_semaphore, #tpu.memory_space<semaphore_mem>>) src(%dma_wait3A_48 : memref<32xi32, #tpu.memory_space<hbm>>) dst(%arg12 : memref<32xi32, #tpu.memory_space<vmem>>)
    %add3A_49 = arith.constant 0 : i32
    %add3A_50 = arith.addi %mul3A_2, %add3A_49 : i32
    %dma_start3A_51 = arith.constant 0 : i32
    %dma_start3A_52 = arith.constant 0 : i32
    %dma_start3A_53 = tpu.memref_slice %arg2[%dma_start3A_51, %dma_start3A_52] : memref<12288x1024xf32, #tpu.memory_space<hbm>> -> memref<12288x1024xf32, #tpu.memory_space<hbm>>
    tpu.enqueue_indirect_dma source(%dma_start3A_53 : memref<12288x1024xf32, #tpu.memory_space<hbm>>) target(%arg13 : memref<32x1024xf32, #tpu.memory_space<vmem>>) offsets(%arg5 : memref<32xi32, #tpu.memory_space<vmem>>) semaphore(%arg17 : memref<!tpu.dma_semaphore, #tpu.memory_space<semaphore_mem>>)
    %add3A_54 = arith.constant 32 : i32
    %add3A_55 = arith.addi %mul3A_2, %add3A_54 : i32
    %dma_start3A_56 = arith.constant 0 : i32
    %dma_start3A_57 = arith.constant 0 : i32
    %dma_start3A_58 = tpu.memref_slice %arg2[%dma_start3A_56, %dma_start3A_57] : memref<12288x1024xf32, #tpu.memory_space<hbm>> -> memref<12288x1024xf32, #tpu.memory_space<hbm>>
    tpu.enqueue_indirect_dma source(%dma_start3A_58 : memref<12288x1024xf32, #tpu.memory_space<hbm>>) target(%arg14 : memref<32x1024xf32, #tpu.memory_space<vmem>>) offsets(%arg6 : memref<32xi32, #tpu.memory_space<vmem>>) semaphore(%arg18 : memref<!tpu.dma_semaphore, #tpu.memory_space<semaphore_mem>>)
    %add3A_59 = arith.constant 64 : i32
    %add3A_60 = arith.addi %mul3A_2, %add3A_59 : i32
    %dma_start3A_61 = arith.constant 0 : i32
    %dma_start3A_62 = arith.constant 0 : i32
    %dma_start3A_63 = tpu.memref_slice %arg2[%dma_start3A_61, %dma_start3A_62] : memref<12288x1024xf32, #tpu.memory_space<hbm>> -> memref<12288x1024xf32, #tpu.memory_space<hbm>>
    tpu.enqueue_indirect_dma source(%dma_start3A_63 : memref<12288x1024xf32, #tpu.memory_space<hbm>>) target(%arg15 : memref<32x1024xf32, #tpu.memory_space<vmem>>) offsets(%arg7 : memref<32xi32, #tpu.memory_space<vmem>>) semaphore(%arg19 : memref<!tpu.dma_semaphore, #tpu.memory_space<semaphore_mem>>)
    %dma_wait3A_64 = arith.constant 0 : i32
    %dma_wait3A_65 = arith.constant 0 : i32
    %dma_wait3A_66 = tpu.memref_slice %arg2[%dma_wait3A_64, %dma_wait3A_65] : memref<12288x1024xf32, #tpu.memory_space<hbm>> -> memref<12288x1024xf32, #tpu.memory_space<hbm>>
    tpu.wait_indirect_dma semaphore(%arg17 : memref<!tpu.dma_semaphore, #tpu.memory_space<semaphore_mem>>) src(%dma_wait3A_66 : memref<12288x1024xf32, #tpu.memory_space<hbm>>) dst(%arg13 : memref<32x1024xf32, #tpu.memory_space<vmem>>)
    %add3A_67 = arith.constant 0 : i32
    %add3A_68 = arith.addi %mul3A_2, %add3A_67 : i32
    %dma_start3A_69 = arith.constant 0 : i32
    %dma_start3A_70 = tpu.memref_slice %arg4[%add3A_68, %dma_start3A_69] : memref<8192x1024xf32, #tpu.memory_space<hbm>> -> memref<32x1024xf32, #tpu.memory_space<hbm>>
    %dma_start3A_71 = arith.constant 0 : i32
    %dma_start3A_72 = tpu.memref_slice %arg4[%add3A_68, %dma_start3A_71] : memref<8192x1024xf32, #tpu.memory_space<hbm>> -> memref<32x1024xf32, #tpu.memory_space<hbm>>
    tpu.enqueue_dma source(%arg13 : memref<32x1024xf32, #tpu.memory_space<vmem>>) target(%dma_start3A_72 : memref<32x1024xf32, #tpu.memory_space<hbm>>) target_semaphore(%arg20 : memref<!tpu.dma_semaphore, #tpu.memory_space<semaphore_mem>>)
    %dma_wait3A_73 = arith.constant 0 : i32
    %dma_wait3A_74 = tpu.memref_slice %arg4[%add3A_68, %dma_wait3A_73] : memref<8192x1024xf32, #tpu.memory_space<hbm>> -> memref<32x1024xf32, #tpu.memory_space<hbm>>
    %dma_wait3A_75 = arith.constant 0 : i32
    %dma_wait3A_76 = tpu.memref_slice %arg4[%add3A_68, %dma_wait3A_75] : memref<8192x1024xf32, #tpu.memory_space<hbm>> -> memref<32x1024xf32, #tpu.memory_space<hbm>>
    tpu.wait_dma2 semaphore(%arg20 : memref<!tpu.dma_semaphore, #tpu.memory_space<semaphore_mem>>) src(%arg13 : memref<32x1024xf32, #tpu.memory_space<vmem>>) dst(%dma_wait3A_76 : memref<32x1024xf32, #tpu.memory_space<hbm>>)
    %add3A_77 = arith.constant 96 : i32
    %add3A_78 = arith.addi %mul3A_2, %add3A_77 : i32
    %dma_start3A_79 = arith.constant 0 : i32
    %dma_start3A_80 = arith.constant 0 : i32
    %dma_start3A_81 = tpu.memref_slice %arg2[%dma_start3A_79, %dma_start3A_80] : memref<12288x1024xf32, #tpu.memory_space<hbm>> -> memref<12288x1024xf32, #tpu.memory_space<hbm>>
    tpu.enqueue_indirect_dma source(%dma_start3A_81 : memref<12288x1024xf32, #tpu.memory_space<hbm>>) target(%arg13 : memref<32x1024xf32, #tpu.memory_space<vmem>>) offsets(%arg8 : memref<32xi32, #tpu.memory_space<vmem>>) semaphore(%arg17 : memref<!tpu.dma_semaphore, #tpu.memory_space<semaphore_mem>>)
    %dma_wait3A_82 = arith.constant 0 : i32
    %dma_wait3A_83 = arith.constant 0 : i32
    %dma_wait3A_84 = tpu.memref_slice %arg2[%dma_wait3A_82, %dma_wait3A_83] : memref<12288x1024xf32, #tpu.memory_space<hbm>> -> memref<12288x1024xf32, #tpu.memory_space<hbm>>
    tpu.wait_indirect_dma semaphore(%arg18 : memref<!tpu.dma_semaphore, #tpu.memory_space<semaphore_mem>>) src(%dma_wait3A_84 : memref<12288x1024xf32, #tpu.memory_space<hbm>>) dst(%arg14 : memref<32x1024xf32, #tpu.memory_space<vmem>>)
    %add3A_85 = arith.constant 32 : i32
    %add3A_86 = arith.addi %mul3A_2, %add3A_85 : i32
    %dma_start3A_87 = arith.constant 0 : i32
    %dma_start3A_88 = tpu.memref_slice %arg4[%add3A_86, %dma_start3A_87] : memref<8192x1024xf32, #tpu.memory_space<hbm>> -> memref<32x1024xf32, #tpu.memory_space<hbm>>
    %dma_start3A_89 = arith.constant 0 : i32
    %dma_start3A_90 = tpu.memref_slice %arg4[%add3A_86, %dma_start3A_89] : memref<8192x1024xf32, #tpu.memory_space<hbm>> -> memref<32x1024xf32, #tpu.memory_space<hbm>>
    tpu.enqueue_dma source(%arg14 : memref<32x1024xf32, #tpu.memory_space<vmem>>) target(%dma_start3A_90 : memref<32x1024xf32, #tpu.memory_space<hbm>>) target_semaphore(%arg21 : memref<!tpu.dma_semaphore, #tpu.memory_space<semaphore_mem>>)
    %dma_wait3A_91 = arith.constant 0 : i32
    %dma_wait3A_92 = tpu.memref_slice %arg4[%add3A_86, %dma_wait3A_91] : memref<8192x1024xf32, #tpu.memory_space<hbm>> -> memref<32x1024xf32, #tpu.memory_space<hbm>>
    %dma_wait3A_93 = arith.constant 0 : i32
    %dma_wait3A_94 = tpu.memref_slice %arg4[%add3A_86, %dma_wait3A_93] : memref<8192x1024xf32, #tpu.memory_space<hbm>> -> memref<32x1024xf32, #tpu.memory_space<hbm>>
    tpu.wait_dma2 semaphore(%arg21 : memref<!tpu.dma_semaphore, #tpu.memory_space<semaphore_mem>>) src(%arg14 : memref<32x1024xf32, #tpu.memory_space<vmem>>) dst(%dma_wait3A_94 : memref<32x1024xf32, #tpu.memory_space<hbm>>)
    %add3A_95 = arith.constant 128 : i32
    %add3A_96 = arith.addi %mul3A_2, %add3A_95 : i32
    %dma_start3A_97 = arith.constant 0 : i32
    %dma_start3A_98 = arith.constant 0 : i32
    %dma_start3A_99 = tpu.memref_slice %arg2[%dma_start3A_97, %dma_start3A_98] : memref<12288x1024xf32, #tpu.memory_space<hbm>> -> memref<12288x1024xf32, #tpu.memory_space<hbm>>
    tpu.enqueue_indirect_dma source(%dma_start3A_99 : memref<12288x1024xf32, #tpu.memory_space<hbm>>) target(%arg14 : memref<32x1024xf32, #tpu.memory_space<vmem>>) offsets(%arg9 : memref<32xi32, #tpu.memory_space<vmem>>) semaphore(%arg18 : memref<!tpu.dma_semaphore, #tpu.memory_space<semaphore_mem>>)
    %dma_wait3A_100 = arith.constant 0 : i32
    %dma_wait3A_101 = arith.constant 0 : i32
    %dma_wait3A_102 = tpu.memref_slice %arg2[%dma_wait3A_100, %dma_wait3A_101] : memref<12288x1024xf32, #tpu.memory_space<hbm>> -> memref<12288x1024xf32, #tpu.memory_space<hbm>>
    tpu.wait_indirect_dma semaphore(%arg19 : memref<!tpu.dma_semaphore, #tpu.memory_space<semaphore_mem>>) src(%dma_wait3A_102 : memref<12288x1024xf32, #tpu.memory_space<hbm>>) dst(%arg15 : memref<32x1024xf32, #tpu.memory_space<vmem>>)
    %add3A_103 = arith.constant 64 : i32
    %add3A_104 = arith.addi %mul3A_2, %add3A_103 : i32
    %dma_start3A_105 = arith.constant 0 : i32
    %dma_start3A_106 = tpu.memref_slice %arg4[%add3A_104, %dma_start3A_105] : memref<8192x1024xf32, #tpu.memory_space<hbm>> -> memref<32x1024xf32, #tpu.memory_space<hbm>>
    %dma_start3A_107 = arith.constant 0 : i32
    %dma_start3A_108 = tpu.memref_slice %arg4[%add3A_104, %dma_start3A_107] : memref<8192x1024xf32, #tpu.memory_space<hbm>> -> memref<32x1024xf32, #tpu.memory_space<hbm>>
    tpu.enqueue_dma source(%arg15 : memref<32x1024xf32, #tpu.memory_space<vmem>>) target(%dma_start3A_108 : memref<32x1024xf32, #tpu.memory_space<hbm>>) target_semaphore(%arg22 : memref<!tpu.dma_semaphore, #tpu.memory_space<semaphore_mem>>)
    %dma_wait3A_109 = arith.constant 0 : i32
    %dma_wait3A_110 = tpu.memref_slice %arg4[%add3A_104, %dma_wait3A_109] : memref<8192x1024xf32, #tpu.memory_space<hbm>> -> memref<32x1024xf32, #tpu.memory_space<hbm>>
    %dma_wait3A_111 = arith.constant 0 : i32
    %dma_wait3A_112 = tpu.memref_slice %arg4[%add3A_104, %dma_wait3A_111] : memref<8192x1024xf32, #tpu.memory_space<hbm>> -> memref<32x1024xf32, #tpu.memory_space<hbm>>
    tpu.wait_dma2 semaphore(%arg22 : memref<!tpu.dma_semaphore, #tpu.memory_space<semaphore_mem>>) src(%arg15 : memref<32x1024xf32, #tpu.memory_space<vmem>>) dst(%dma_wait3A_112 : memref<32x1024xf32, #tpu.memory_space<hbm>>)
    %add3A_113 = arith.constant 160 : i32
    %add3A_114 = arith.addi %mul3A_2, %add3A_113 : i32
    %dma_start3A_115 = arith.constant 0 : i32
    %dma_start3A_116 = arith.constant 0 : i32
    %dma_start3A_117 = tpu.memref_slice %arg2[%dma_start3A_115, %dma_start3A_116] : memref<12288x1024xf32, #tpu.memory_space<hbm>> -> memref<12288x1024xf32, #tpu.memory_space<hbm>>
    tpu.enqueue_indirect_dma source(%dma_start3A_117 : memref<12288x1024xf32, #tpu.memory_space<hbm>>) target(%arg15 : memref<32x1024xf32, #tpu.memory_space<vmem>>) offsets(%arg10 : memref<32xi32, #tpu.memory_space<vmem>>) semaphore(%arg19 : memref<!tpu.dma_semaphore, #tpu.memory_space<semaphore_mem>>)
    %dma_wait3A_118 = arith.constant 0 : i32
    %dma_wait3A_119 = arith.constant 0 : i32
    %dma_wait3A_120 = tpu.memref_slice %arg2[%dma_wait3A_118, %dma_wait3A_119] : memref<12288x1024xf32, #tpu.memory_space<hbm>> -> memref<12288x1024xf32, #tpu.memory_space<hbm>>
    tpu.wait_indirect_dma semaphore(%arg17 : memref<!tpu.dma_semaphore, #tpu.memory_space<semaphore_mem>>) src(%dma_wait3A_120 : memref<12288x1024xf32, #tpu.memory_space<hbm>>) dst(%arg13 : memref<32x1024xf32, #tpu.memory_space<vmem>>)
    %add3A_121 = arith.constant 96 : i32
    %add3A_122 = arith.addi %mul3A_2, %add3A_121 : i32
    %dma_start3A_123 = arith.constant 0 : i32
    %dma_start3A_124 = tpu.memref_slice %arg4[%add3A_122, %dma_start3A_123] : memref<8192x1024xf32, #tpu.memory_space<hbm>> -> memref<32x1024xf32, #tpu.memory_space<hbm>>
    %dma_start3A_125 = arith.constant 0 : i32
    %dma_start3A_126 = tpu.memref_slice %arg4[%add3A_122, %dma_start3A_125] : memref<8192x1024xf32, #tpu.memory_space<hbm>> -> memref<32x1024xf32, #tpu.memory_space<hbm>>
    tpu.enqueue_dma source(%arg13 : memref<32x1024xf32, #tpu.memory_space<vmem>>) target(%dma_start3A_126 : memref<32x1024xf32, #tpu.memory_space<hbm>>) target_semaphore(%arg20 : memref<!tpu.dma_semaphore, #tpu.memory_space<semaphore_mem>>)
    %dma_wait3A_127 = arith.constant 0 : i32
    %dma_wait3A_128 = tpu.memref_slice %arg4[%add3A_122, %dma_wait3A_127] : memref<8192x1024xf32, #tpu.memory_space<hbm>> -> memref<32x1024xf32, #tpu.memory_space<hbm>>
    %dma_wait3A_129 = arith.constant 0 : i32
    %dma_wait3A_130 = tpu.memref_slice %arg4[%add3A_122, %dma_wait3A_129] : memref<8192x1024xf32, #tpu.memory_space<hbm>> -> memref<32x1024xf32, #tpu.memory_space<hbm>>
    tpu.wait_dma2 semaphore(%arg20 : memref<!tpu.dma_semaphore, #tpu.memory_space<semaphore_mem>>) src(%arg13 : memref<32x1024xf32, #tpu.memory_space<vmem>>) dst(%dma_wait3A_130 : memref<32x1024xf32, #tpu.memory_space<hbm>>)
    %add3A_131 = arith.constant 192 : i32
    %add3A_132 = arith.addi %mul3A_2, %add3A_131 : i32
    %dma_start3A_133 = arith.constant 0 : i32
    %dma_start3A_134 = arith.constant 0 : i32
    %dma_start3A_135 = tpu.memref_slice %arg2[%dma_start3A_133, %dma_start3A_134] : memref<12288x1024xf32, #tpu.memory_space<hbm>> -> memref<12288x1024xf32, #tpu.memory_space<hbm>>
    tpu.enqueue_indirect_dma source(%dma_start3A_135 : memref<12288x1024xf32, #tpu.memory_space<hbm>>) target(%arg13 : memref<32x1024xf32, #tpu.memory_space<vmem>>) offsets(%arg11 : memref<32xi32, #tpu.memory_space<vmem>>) semaphore(%arg17 : memref<!tpu.dma_semaphore, #tpu.memory_space<semaphore_mem>>)
    %dma_wait3A_136 = arith.constant 0 : i32
    %dma_wait3A_137 = arith.constant 0 : i32
    %dma_wait3A_138 = tpu.memref_slice %arg2[%dma_wait3A_136, %dma_wait3A_137] : memref<12288x1024xf32, #tpu.memory_space<hbm>> -> memref<12288x1024xf32, #tpu.memory_space<hbm>>
    tpu.wait_indirect_dma semaphore(%arg18 : memref<!tpu.dma_semaphore, #tpu.memory_space<semaphore_mem>>) src(%dma_wait3A_138 : memref<12288x1024xf32, #tpu.memory_space<hbm>>) dst(%arg14 : memref<32x1024xf32, #tpu.memory_space<vmem>>)
    %add3A_139 = arith.constant 128 : i32
    %add3A_140 = arith.addi %mul3A_2, %add3A_139 : i32
    %dma_start3A_141 = arith.constant 0 : i32
    %dma_start3A_142 = tpu.memref_slice %arg4[%add3A_140, %dma_start3A_141] : memref<8192x1024xf32, #tpu.memory_space<hbm>> -> memref<32x1024xf32, #tpu.memory_space<hbm>>
    %dma_start3A_143 = arith.constant 0 : i32
    %dma_start3A_144 = tpu.memref_slice %arg4[%add3A_140, %dma_start3A_143] : memref<8192x1024xf32, #tpu.memory_space<hbm>> -> memref<32x1024xf32, #tpu.memory_space<hbm>>
    tpu.enqueue_dma source(%arg14 : memref<32x1024xf32, #tpu.memory_space<vmem>>) target(%dma_start3A_144 : memref<32x1024xf32, #tpu.memory_space<hbm>>) target_semaphore(%arg21 : memref<!tpu.dma_semaphore, #tpu.memory_space<semaphore_mem>>)
    %dma_wait3A_145 = arith.constant 0 : i32
    %dma_wait3A_146 = tpu.memref_slice %arg4[%add3A_140, %dma_wait3A_145] : memref<8192x1024xf32, #tpu.memory_space<hbm>> -> memref<32x1024xf32, #tpu.memory_space<hbm>>
    %dma_wait3A_147 = arith.constant 0 : i32
    %dma_wait3A_148 = tpu.memref_slice %arg4[%add3A_140, %dma_wait3A_147] : memref<8192x1024xf32, #tpu.memory_space<hbm>> -> memref<32x1024xf32, #tpu.memory_space<hbm>>
    tpu.wait_dma2 semaphore(%arg21 : memref<!tpu.dma_semaphore, #tpu.memory_space<semaphore_mem>>) src(%arg14 : memref<32x1024xf32, #tpu.memory_space<vmem>>) dst(%dma_wait3A_148 : memref<32x1024xf32, #tpu.memory_space<hbm>>)
    %add3A_149 = arith.constant 224 : i32
    %add3A_150 = arith.addi %mul3A_2, %add3A_149 : i32
    %dma_start3A_151 = arith.constant 0 : i32
    %dma_start3A_152 = arith.constant 0 : i32
    %dma_start3A_153 = tpu.memref_slice %arg2[%dma_start3A_151, %dma_start3A_152] : memref<12288x1024xf32, #tpu.memory_space<hbm>> -> memref<12288x1024xf32, #tpu.memory_space<hbm>>
    tpu.enqueue_indirect_dma source(%dma_start3A_153 : memref<12288x1024xf32, #tpu.memory_space<hbm>>) target(%arg14 : memref<32x1024xf32, #tpu.memory_space<vmem>>) offsets(%arg12 : memref<32xi32, #tpu.memory_space<vmem>>) semaphore(%arg18 : memref<!tpu.dma_semaphore, #tpu.memory_space<semaphore_mem>>)
    %dma_wait3A_154 = arith.constant 0 : i32
    %dma_wait3A_155 = arith.constant 0 : i32
    %dma_wait3A_156 = tpu.memref_slice %arg2[%dma_wait3A_154, %dma_wait3A_155] : memref<12288x1024xf32, #tpu.memory_space<hbm>> -> memref<12288x1024xf32, #tpu.memory_space<hbm>>
    tpu.wait_indirect_dma semaphore(%arg19 : memref<!tpu.dma_semaphore, #tpu.memory_space<semaphore_mem>>) src(%dma_wait3A_156 : memref<12288x1024xf32, #tpu.memory_space<hbm>>) dst(%arg15 : memref<32x1024xf32, #tpu.memory_space<vmem>>)
    %add3A_157 = arith.constant 160 : i32
    %add3A_158 = arith.addi %mul3A_2, %add3A_157 : i32
    %dma_start3A_159 = arith.constant 0 : i32
    %dma_start3A_160 = tpu.memref_slice %arg4[%add3A_158, %dma_start3A_159] : memref<8192x1024xf32, #tpu.memory_space<hbm>> -> memref<32x1024xf32, #tpu.memory_space<hbm>>
    %dma_start3A_161 = arith.constant 0 : i32
    %dma_start3A_162 = tpu.memref_slice %arg4[%add3A_158, %dma_start3A_161] : memref<8192x1024xf32, #tpu.memory_space<hbm>> -> memref<32x1024xf32, #tpu.memory_space<hbm>>
    tpu.enqueue_dma source(%arg15 : memref<32x1024xf32, #tpu.memory_space<vmem>>) target(%dma_start3A_162 : memref<32x1024xf32, #tpu.memory_space<hbm>>) target_semaphore(%arg22 : memref<!tpu.dma_semaphore, #tpu.memory_space<semaphore_mem>>)
    %dma_wait3A_163 = arith.constant 0 : i32
    %dma_wait3A_164 = arith.constant 0 : i32
    %dma_wait3A_165 = tpu.memref_slice %arg2[%dma_wait3A_163, %dma_wait3A_164] : memref<12288x1024xf32, #tpu.memory_space<hbm>> -> memref<12288x1024xf32, #tpu.memory_space<hbm>>
    tpu.wait_indirect_dma semaphore(%arg17 : memref<!tpu.dma_semaphore, #tpu.memory_space<semaphore_mem>>) src(%dma_wait3A_165 : memref<12288x1024xf32, #tpu.memory_space<hbm>>) dst(%arg13 : memref<32x1024xf32, #tpu.memory_space<vmem>>)
    %add3A_166 = arith.constant 192 : i32
    %add3A_167 = arith.addi %mul3A_2, %add3A_166 : i32
    %dma_start3A_168 = arith.constant 0 : i32
    %dma_start3A_169 = tpu.memref_slice %arg4[%add3A_167, %dma_start3A_168] : memref<8192x1024xf32, #tpu.memory_space<hbm>> -> memref<32x1024xf32, #tpu.memory_space<hbm>>
    %dma_start3A_170 = arith.constant 0 : i32
    %dma_start3A_171 = tpu.memref_slice %arg4[%add3A_167, %dma_start3A_170] : memref<8192x1024xf32, #tpu.memory_space<hbm>> -> memref<32x1024xf32, #tpu.memory_space<hbm>>
    tpu.enqueue_dma source(%arg13 : memref<32x1024xf32, #tpu.memory_space<vmem>>) target(%dma_start3A_171 : memref<32x1024xf32, #tpu.memory_space<hbm>>) target_semaphore(%arg20 : memref<!tpu.dma_semaphore, #tpu.memory_space<semaphore_mem>>)
    %dma_wait3A_172 = arith.constant 0 : i32
    %dma_wait3A_173 = arith.constant 0 : i32
    %dma_wait3A_174 = tpu.memref_slice %arg2[%dma_wait3A_172, %dma_wait3A_173] : memref<12288x1024xf32, #tpu.memory_space<hbm>> -> memref<12288x1024xf32, #tpu.memory_space<hbm>>
    tpu.wait_indirect_dma semaphore(%arg18 : memref<!tpu.dma_semaphore, #tpu.memory_space<semaphore_mem>>) src(%dma_wait3A_174 : memref<12288x1024xf32, #tpu.memory_space<hbm>>) dst(%arg14 : memref<32x1024xf32, #tpu.memory_space<vmem>>)
    %add3A_175 = arith.constant 224 : i32
    %add3A_176 = arith.addi %mul3A_2, %add3A_175 : i32
    %dma_start3A_177 = arith.constant 0 : i32
    %dma_start3A_178 = tpu.memref_slice %arg4[%add3A_176, %dma_start3A_177] : memref<8192x1024xf32, #tpu.memory_space<hbm>> -> memref<32x1024xf32, #tpu.memory_space<hbm>>
    %dma_start3A_179 = arith.constant 0 : i32
    %dma_start3A_180 = tpu.memref_slice %arg4[%add3A_176, %dma_start3A_179] : memref<8192x1024xf32, #tpu.memory_space<hbm>> -> memref<32x1024xf32, #tpu.memory_space<hbm>>
    tpu.enqueue_dma source(%arg14 : memref<32x1024xf32, #tpu.memory_space<vmem>>) target(%dma_start3A_180 : memref<32x1024xf32, #tpu.memory_space<hbm>>) target_semaphore(%arg21 : memref<!tpu.dma_semaphore, #tpu.memory_space<semaphore_mem>>)
    %dma_wait3A_181 = arith.constant 0 : i32
    %dma_wait3A_182 = tpu.memref_slice %arg4[%add3A_158, %dma_wait3A_181] : memref<8192x1024xf32, #tpu.memory_space<hbm>> -> memref<32x1024xf32, #tpu.memory_space<hbm>>
    %dma_wait3A_183 = arith.constant 0 : i32
    %dma_wait3A_184 = tpu.memref_slice %arg4[%add3A_158, %dma_wait3A_183] : memref<8192x1024xf32, #tpu.memory_space<hbm>> -> memref<32x1024xf32, #tpu.memory_space<hbm>>
    tpu.wait_dma2 semaphore(%arg22 : memref<!tpu.dma_semaphore, #tpu.memory_space<semaphore_mem>>) src(%arg15 : memref<32x1024xf32, #tpu.memory_space<vmem>>) dst(%dma_wait3A_184 : memref<32x1024xf32, #tpu.memory_space<hbm>>)
    %dma_wait3A_185 = arith.constant 0 : i32
    %dma_wait3A_186 = tpu.memref_slice %arg4[%add3A_167, %dma_wait3A_185] : memref<8192x1024xf32, #tpu.memory_space<hbm>> -> memref<32x1024xf32, #tpu.memory_space<hbm>>
    %dma_wait3A_187 = arith.constant 0 : i32
    %dma_wait3A_188 = tpu.memref_slice %arg4[%add3A_167, %dma_wait3A_187] : memref<8192x1024xf32, #tpu.memory_space<hbm>> -> memref<32x1024xf32, #tpu.memory_space<hbm>>
    tpu.wait_dma2 semaphore(%arg20 : memref<!tpu.dma_semaphore, #tpu.memory_space<semaphore_mem>>) src(%arg13 : memref<32x1024xf32, #tpu.memory_space<vmem>>) dst(%dma_wait3A_188 : memref<32x1024xf32, #tpu.memory_space<hbm>>)
    %dma_wait3A_189 = arith.constant 0 : i32
    %dma_wait3A_190 = tpu.memref_slice %arg4[%add3A_176, %dma_wait3A_189] : memref<8192x1024xf32, #tpu.memory_space<hbm>> -> memref<32x1024xf32, #tpu.memory_space<hbm>>
    %dma_wait3A_191 = arith.constant 0 : i32
    %dma_wait3A_192 = tpu.memref_slice %arg4[%add3A_176, %dma_wait3A_191] : memref<8192x1024xf32, #tpu.memory_space<hbm>> -> memref<32x1024xf32, #tpu.memory_space<hbm>>
    tpu.wait_dma2 semaphore(%arg21 : memref<!tpu.dma_semaphore, #tpu.memory_space<semaphore_mem>>) src(%arg14 : memref<32x1024xf32, #tpu.memory_space<vmem>>) dst(%dma_wait3A_192 : memref<32x1024xf32, #tpu.memory_space<hbm>>)
    return
  }
}

#map = affine_map<(d0, d1) -> (0, 0)>
#map1 = affine_map<(d0, d1) -> (0)>
module attributes {stable_mosaic.version = 14 : i64} {
  func.func @k(%arg0: i32, %arg1: i32, %arg2: memref<8192x1024xf32, #tpu.memory_space<hbm>>, %arg3: memref<8192xi32, #tpu.memory_space<hbm>>, %arg4: memref<12288x1024xf32, #tpu.memory_space<hbm>>, %arg5: memref<32xi32, #tpu.memory_space<vmem>>, %arg6: memref<32xi32, #tpu.memory_space<vmem>>, %arg7: memref<32xi32, #tpu.memory_space<vmem>>, %arg8: memref<32xi32, #tpu.memory_space<vmem>>, %arg9: memref<32xi32, #tpu.memory_space<vmem>>, %arg10: memref<32xi32, #tpu.memory_space<vmem>>, %arg11: memref<32xi32, #tpu.memory_space<vmem>>, %arg12: memref<32xi32, #tpu.memory_space<vmem>>, %arg13: memref<32x1024xf32, #tpu.memory_space<vmem>>, %arg14: memref<32x1024xf32, #tpu.memory_space<vmem>>, %arg15: memref<32x1024xf32, #tpu.memory_space<vmem>>, %arg16: memref<!tpu.dma_semaphore, #tpu.memory_space<semaphore_mem>>, %arg17: memref<!tpu.dma_semaphore, #tpu.memory_space<semaphore_mem>>, %arg18: memref<!tpu.dma_semaphore, #tpu.memory_space<semaphore_mem>>, %arg19: memref<!tpu.dma_semaphore, #tpu.memory_space<semaphore_mem>>, %arg20: memref<!tpu.dma_semaphore, #tpu.memory_space<semaphore_mem>>, %arg21: memref<!tpu.dma_semaphore, #tpu.memory_space<semaphore_mem>>, %arg22: memref<!tpu.dma_semaphore, #tpu.memory_space<semaphore_mem>>) attributes {dimension_semantics = [#tpu.dimension_semantics<core_parallel>, #tpu.dimension_semantics<subcore_parallel>], iteration_bounds = array<i64: 2, 16>, scalar_prefetch = 0 : i64, scratch_operands = 18 : i64, tpu.core_type = #tpu.core_type<sc_vector_subcore>, window_params = [{transform_indices = #map}, {transform_indices = #map1}, {transform_indices = #map}]} {
    %mul3A = arith.constant 2 : i32
    %mul3A_0 = arith.muli %arg1, %mul3A : i32
    %add3A = arith.addi %mul3A_0, %arg0 : i32
    %mul3A_1 = arith.constant 256 : i32
    %mul3A_2 = arith.muli %add3A, %mul3A_1 : i32
    %add3A_3 = arith.constant 0 : i32
    %add3A_4 = arith.addi %mul3A_2, %add3A_3 : i32
    %dma_start3A = tpu.memref_slice %arg3[%add3A_4] : memref<8192xi32, #tpu.memory_space<hbm>> -> memref<32xi32, #tpu.memory_space<hbm>>
    %dma_start3A_5 = tpu.memref_slice %arg3[%add3A_4] : memref<8192xi32, #tpu.memory_space<hbm>> -> memref<32xi32, #tpu.memory_space<hbm>>
    tpu.enqueue_dma source(%dma_start3A_5 : memref<32xi32, #tpu.memory_space<hbm>>) target(%arg5 : memref<32xi32, #tpu.memory_space<vmem>>) target_semaphore(%arg16 : memref<!tpu.dma_semaphore, #tpu.memory_space<semaphore_mem>>)
    %add3A_6 = arith.constant 32 : i32
    %add3A_7 = arith.addi %mul3A_2, %add3A_6 : i32
    %dma_start3A_8 = tpu.memref_slice %arg3[%add3A_7] : memref<8192xi32, #tpu.memory_space<hbm>> -> memref<32xi32, #tpu.memory_space<hbm>>
    %dma_start3A_9 = tpu.memref_slice %arg3[%add3A_7] : memref<8192xi32, #tpu.memory_space<hbm>> -> memref<32xi32, #tpu.memory_space<hbm>>
    tpu.enqueue_dma source(%dma_start3A_9 : memref<32xi32, #tpu.memory_space<hbm>>) target(%arg6 : memref<32xi32, #tpu.memory_space<vmem>>) target_semaphore(%arg16 : memref<!tpu.dma_semaphore, #tpu.memory_space<semaphore_mem>>)
    %add3A_10 = arith.constant 64 : i32
    %add3A_11 = arith.addi %mul3A_2, %add3A_10 : i32
    %dma_start3A_12 = tpu.memref_slice %arg3[%add3A_11] : memref<8192xi32, #tpu.memory_space<hbm>> -> memref<32xi32, #tpu.memory_space<hbm>>
    %dma_start3A_13 = tpu.memref_slice %arg3[%add3A_11] : memref<8192xi32, #tpu.memory_space<hbm>> -> memref<32xi32, #tpu.memory_space<hbm>>
    tpu.enqueue_dma source(%dma_start3A_13 : memref<32xi32, #tpu.memory_space<hbm>>) target(%arg7 : memref<32xi32, #tpu.memory_space<vmem>>) target_semaphore(%arg16 : memref<!tpu.dma_semaphore, #tpu.memory_space<semaphore_mem>>)
    %add3A_14 = arith.constant 96 : i32
    %add3A_15 = arith.addi %mul3A_2, %add3A_14 : i32
    %dma_start3A_16 = tpu.memref_slice %arg3[%add3A_15] : memref<8192xi32, #tpu.memory_space<hbm>> -> memref<32xi32, #tpu.memory_space<hbm>>
    %dma_start3A_17 = tpu.memref_slice %arg3[%add3A_15] : memref<8192xi32, #tpu.memory_space<hbm>> -> memref<32xi32, #tpu.memory_space<hbm>>
    tpu.enqueue_dma source(%dma_start3A_17 : memref<32xi32, #tpu.memory_space<hbm>>) target(%arg8 : memref<32xi32, #tpu.memory_space<vmem>>) target_semaphore(%arg16 : memref<!tpu.dma_semaphore, #tpu.memory_space<semaphore_mem>>)
    %add3A_18 = arith.constant 128 : i32
    %add3A_19 = arith.addi %mul3A_2, %add3A_18 : i32
    %dma_start3A_20 = tpu.memref_slice %arg3[%add3A_19] : memref<8192xi32, #tpu.memory_space<hbm>> -> memref<32xi32, #tpu.memory_space<hbm>>
    %dma_start3A_21 = tpu.memref_slice %arg3[%add3A_19] : memref<8192xi32, #tpu.memory_space<hbm>> -> memref<32xi32, #tpu.memory_space<hbm>>
    tpu.enqueue_dma source(%dma_start3A_21 : memref<32xi32, #tpu.memory_space<hbm>>) target(%arg9 : memref<32xi32, #tpu.memory_space<vmem>>) target_semaphore(%arg16 : memref<!tpu.dma_semaphore, #tpu.memory_space<semaphore_mem>>)
    %add3A_22 = arith.constant 160 : i32
    %add3A_23 = arith.addi %mul3A_2, %add3A_22 : i32
    %dma_start3A_24 = tpu.memref_slice %arg3[%add3A_23] : memref<8192xi32, #tpu.memory_space<hbm>> -> memref<32xi32, #tpu.memory_space<hbm>>
    %dma_start3A_25 = tpu.memref_slice %arg3[%add3A_23] : memref<8192xi32, #tpu.memory_space<hbm>> -> memref<32xi32, #tpu.memory_space<hbm>>
    tpu.enqueue_dma source(%dma_start3A_25 : memref<32xi32, #tpu.memory_space<hbm>>) target(%arg10 : memref<32xi32, #tpu.memory_space<vmem>>) target_semaphore(%arg16 : memref<!tpu.dma_semaphore, #tpu.memory_space<semaphore_mem>>)
    %add3A_26 = arith.constant 192 : i32
    %add3A_27 = arith.addi %mul3A_2, %add3A_26 : i32
    %dma_start3A_28 = tpu.memref_slice %arg3[%add3A_27] : memref<8192xi32, #tpu.memory_space<hbm>> -> memref<32xi32, #tpu.memory_space<hbm>>
    %dma_start3A_29 = tpu.memref_slice %arg3[%add3A_27] : memref<8192xi32, #tpu.memory_space<hbm>> -> memref<32xi32, #tpu.memory_space<hbm>>
    tpu.enqueue_dma source(%dma_start3A_29 : memref<32xi32, #tpu.memory_space<hbm>>) target(%arg11 : memref<32xi32, #tpu.memory_space<vmem>>) target_semaphore(%arg16 : memref<!tpu.dma_semaphore, #tpu.memory_space<semaphore_mem>>)
    %add3A_30 = arith.constant 224 : i32
    %add3A_31 = arith.addi %mul3A_2, %add3A_30 : i32
    %dma_start3A_32 = tpu.memref_slice %arg3[%add3A_31] : memref<8192xi32, #tpu.memory_space<hbm>> -> memref<32xi32, #tpu.memory_space<hbm>>
    %dma_start3A_33 = tpu.memref_slice %arg3[%add3A_31] : memref<8192xi32, #tpu.memory_space<hbm>> -> memref<32xi32, #tpu.memory_space<hbm>>
    tpu.enqueue_dma source(%dma_start3A_33 : memref<32xi32, #tpu.memory_space<hbm>>) target(%arg12 : memref<32xi32, #tpu.memory_space<vmem>>) target_semaphore(%arg16 : memref<!tpu.dma_semaphore, #tpu.memory_space<semaphore_mem>>)
    %dma_wait3A = tpu.memref_slice %arg3[%add3A_4] : memref<8192xi32, #tpu.memory_space<hbm>> -> memref<32xi32, #tpu.memory_space<hbm>>
    %dma_wait3A_34 = tpu.memref_slice %arg3[%add3A_4] : memref<8192xi32, #tpu.memory_space<hbm>> -> memref<32xi32, #tpu.memory_space<hbm>>
    tpu.wait_dma2 semaphore(%arg16 : memref<!tpu.dma_semaphore, #tpu.memory_space<semaphore_mem>>) src(%dma_wait3A_34 : memref<32xi32, #tpu.memory_space<hbm>>) dst(%arg5 : memref<32xi32, #tpu.memory_space<vmem>>)
    %dma_wait3A_35 = tpu.memref_slice %arg3[%add3A_7] : memref<8192xi32, #tpu.memory_space<hbm>> -> memref<32xi32, #tpu.memory_space<hbm>>
    %dma_wait3A_36 = tpu.memref_slice %arg3[%add3A_7] : memref<8192xi32, #tpu.memory_space<hbm>> -> memref<32xi32, #tpu.memory_space<hbm>>
    tpu.wait_dma2 semaphore(%arg16 : memref<!tpu.dma_semaphore, #tpu.memory_space<semaphore_mem>>) src(%dma_wait3A_36 : memref<32xi32, #tpu.memory_space<hbm>>) dst(%arg6 : memref<32xi32, #tpu.memory_space<vmem>>)
    %dma_wait3A_37 = tpu.memref_slice %arg3[%add3A_11] : memref<8192xi32, #tpu.memory_space<hbm>> -> memref<32xi32, #tpu.memory_space<hbm>>
    %dma_wait3A_38 = tpu.memref_slice %arg3[%add3A_11] : memref<8192xi32, #tpu.memory_space<hbm>> -> memref<32xi32, #tpu.memory_space<hbm>>
    tpu.wait_dma2 semaphore(%arg16 : memref<!tpu.dma_semaphore, #tpu.memory_space<semaphore_mem>>) src(%dma_wait3A_38 : memref<32xi32, #tpu.memory_space<hbm>>) dst(%arg7 : memref<32xi32, #tpu.memory_space<vmem>>)
    %dma_wait3A_39 = tpu.memref_slice %arg3[%add3A_15] : memref<8192xi32, #tpu.memory_space<hbm>> -> memref<32xi32, #tpu.memory_space<hbm>>
    %dma_wait3A_40 = tpu.memref_slice %arg3[%add3A_15] : memref<8192xi32, #tpu.memory_space<hbm>> -> memref<32xi32, #tpu.memory_space<hbm>>
    tpu.wait_dma2 semaphore(%arg16 : memref<!tpu.dma_semaphore, #tpu.memory_space<semaphore_mem>>) src(%dma_wait3A_40 : memref<32xi32, #tpu.memory_space<hbm>>) dst(%arg8 : memref<32xi32, #tpu.memory_space<vmem>>)
    %dma_wait3A_41 = tpu.memref_slice %arg3[%add3A_19] : memref<8192xi32, #tpu.memory_space<hbm>> -> memref<32xi32, #tpu.memory_space<hbm>>
    %dma_wait3A_42 = tpu.memref_slice %arg3[%add3A_19] : memref<8192xi32, #tpu.memory_space<hbm>> -> memref<32xi32, #tpu.memory_space<hbm>>
    tpu.wait_dma2 semaphore(%arg16 : memref<!tpu.dma_semaphore, #tpu.memory_space<semaphore_mem>>) src(%dma_wait3A_42 : memref<32xi32, #tpu.memory_space<hbm>>) dst(%arg9 : memref<32xi32, #tpu.memory_space<vmem>>)
    %dma_wait3A_43 = tpu.memref_slice %arg3[%add3A_23] : memref<8192xi32, #tpu.memory_space<hbm>> -> memref<32xi32, #tpu.memory_space<hbm>>
    %dma_wait3A_44 = tpu.memref_slice %arg3[%add3A_23] : memref<8192xi32, #tpu.memory_space<hbm>> -> memref<32xi32, #tpu.memory_space<hbm>>
    tpu.wait_dma2 semaphore(%arg16 : memref<!tpu.dma_semaphore, #tpu.memory_space<semaphore_mem>>) src(%dma_wait3A_44 : memref<32xi32, #tpu.memory_space<hbm>>) dst(%arg10 : memref<32xi32, #tpu.memory_space<vmem>>)
    %dma_wait3A_45 = tpu.memref_slice %arg3[%add3A_27] : memref<8192xi32, #tpu.memory_space<hbm>> -> memref<32xi32, #tpu.memory_space<hbm>>
    %dma_wait3A_46 = tpu.memref_slice %arg3[%add3A_27] : memref<8192xi32, #tpu.memory_space<hbm>> -> memref<32xi32, #tpu.memory_space<hbm>>
    tpu.wait_dma2 semaphore(%arg16 : memref<!tpu.dma_semaphore, #tpu.memory_space<semaphore_mem>>) src(%dma_wait3A_46 : memref<32xi32, #tpu.memory_space<hbm>>) dst(%arg11 : memref<32xi32, #tpu.memory_space<vmem>>)
    %dma_wait3A_47 = tpu.memref_slice %arg3[%add3A_31] : memref<8192xi32, #tpu.memory_space<hbm>> -> memref<32xi32, #tpu.memory_space<hbm>>
    %dma_wait3A_48 = tpu.memref_slice %arg3[%add3A_31] : memref<8192xi32, #tpu.memory_space<hbm>> -> memref<32xi32, #tpu.memory_space<hbm>>
    tpu.wait_dma2 semaphore(%arg16 : memref<!tpu.dma_semaphore, #tpu.memory_space<semaphore_mem>>) src(%dma_wait3A_48 : memref<32xi32, #tpu.memory_space<hbm>>) dst(%arg12 : memref<32xi32, #tpu.memory_space<vmem>>)
    %add3A_49 = arith.constant 0 : i32
    %add3A_50 = arith.addi %mul3A_2, %add3A_49 : i32
    %dma_start3A_51 = arith.constant 0 : i32
    %dma_start3A_52 = tpu.memref_slice %arg2[%add3A_50, %dma_start3A_51] : memref<8192x1024xf32, #tpu.memory_space<hbm>> -> memref<32x1024xf32, #tpu.memory_space<hbm>>
    %dma_start3A_53 = arith.constant 0 : i32
    %dma_start3A_54 = tpu.memref_slice %arg2[%add3A_50, %dma_start3A_53] : memref<8192x1024xf32, #tpu.memory_space<hbm>> -> memref<32x1024xf32, #tpu.memory_space<hbm>>
    tpu.enqueue_dma source(%dma_start3A_54 : memref<32x1024xf32, #tpu.memory_space<hbm>>) target(%arg13 : memref<32x1024xf32, #tpu.memory_space<vmem>>) target_semaphore(%arg17 : memref<!tpu.dma_semaphore, #tpu.memory_space<semaphore_mem>>)
    %add3A_55 = arith.constant 32 : i32
    %add3A_56 = arith.addi %mul3A_2, %add3A_55 : i32
    %dma_start3A_57 = arith.constant 0 : i32
    %dma_start3A_58 = tpu.memref_slice %arg2[%add3A_56, %dma_start3A_57] : memref<8192x1024xf32, #tpu.memory_space<hbm>> -> memref<32x1024xf32, #tpu.memory_space<hbm>>
    %dma_start3A_59 = arith.constant 0 : i32
    %dma_start3A_60 = tpu.memref_slice %arg2[%add3A_56, %dma_start3A_59] : memref<8192x1024xf32, #tpu.memory_space<hbm>> -> memref<32x1024xf32, #tpu.memory_space<hbm>>
    tpu.enqueue_dma source(%dma_start3A_60 : memref<32x1024xf32, #tpu.memory_space<hbm>>) target(%arg14 : memref<32x1024xf32, #tpu.memory_space<vmem>>) target_semaphore(%arg18 : memref<!tpu.dma_semaphore, #tpu.memory_space<semaphore_mem>>)
    %add3A_61 = arith.constant 64 : i32
    %add3A_62 = arith.addi %mul3A_2, %add3A_61 : i32
    %dma_start3A_63 = arith.constant 0 : i32
    %dma_start3A_64 = tpu.memref_slice %arg2[%add3A_62, %dma_start3A_63] : memref<8192x1024xf32, #tpu.memory_space<hbm>> -> memref<32x1024xf32, #tpu.memory_space<hbm>>
    %dma_start3A_65 = arith.constant 0 : i32
    %dma_start3A_66 = tpu.memref_slice %arg2[%add3A_62, %dma_start3A_65] : memref<8192x1024xf32, #tpu.memory_space<hbm>> -> memref<32x1024xf32, #tpu.memory_space<hbm>>
    tpu.enqueue_dma source(%dma_start3A_66 : memref<32x1024xf32, #tpu.memory_space<hbm>>) target(%arg15 : memref<32x1024xf32, #tpu.memory_space<vmem>>) target_semaphore(%arg19 : memref<!tpu.dma_semaphore, #tpu.memory_space<semaphore_mem>>)
    %dma_wait3A_67 = arith.constant 0 : i32
    %dma_wait3A_68 = tpu.memref_slice %arg2[%add3A_50, %dma_wait3A_67] : memref<8192x1024xf32, #tpu.memory_space<hbm>> -> memref<32x1024xf32, #tpu.memory_space<hbm>>
    %dma_wait3A_69 = arith.constant 0 : i32
    %dma_wait3A_70 = tpu.memref_slice %arg2[%add3A_50, %dma_wait3A_69] : memref<8192x1024xf32, #tpu.memory_space<hbm>> -> memref<32x1024xf32, #tpu.memory_space<hbm>>
    tpu.wait_dma2 semaphore(%arg17 : memref<!tpu.dma_semaphore, #tpu.memory_space<semaphore_mem>>) src(%dma_wait3A_70 : memref<32x1024xf32, #tpu.memory_space<hbm>>) dst(%arg13 : memref<32x1024xf32, #tpu.memory_space<vmem>>)
    %add3A_71 = arith.constant 0 : i32
    %add3A_72 = arith.addi %mul3A_2, %add3A_71 : i32
    %dma_start3A_73 = arith.constant 0 : i32
    %dma_start3A_74 = arith.constant 0 : i32
    %dma_start3A_75 = tpu.memref_slice %arg4[%dma_start3A_73, %dma_start3A_74] : memref<12288x1024xf32, #tpu.memory_space<hbm>> -> memref<12288x1024xf32, #tpu.memory_space<hbm>>
    tpu.enqueue_indirect_dma source(%arg13 : memref<32x1024xf32, #tpu.memory_space<vmem>>) target(%dma_start3A_75 : memref<12288x1024xf32, #tpu.memory_space<hbm>>) offsets(%arg5 : memref<32xi32, #tpu.memory_space<vmem>>) semaphore(%arg20 : memref<!tpu.dma_semaphore, #tpu.memory_space<semaphore_mem>>)
    %dma_wait3A_76 = arith.constant 0 : i32
    %dma_wait3A_77 = arith.constant 0 : i32
    %dma_wait3A_78 = tpu.memref_slice %arg4[%dma_wait3A_76, %dma_wait3A_77] : memref<12288x1024xf32, #tpu.memory_space<hbm>> -> memref<12288x1024xf32, #tpu.memory_space<hbm>>
    tpu.wait_indirect_dma semaphore(%arg20 : memref<!tpu.dma_semaphore, #tpu.memory_space<semaphore_mem>>) src(%arg13 : memref<32x1024xf32, #tpu.memory_space<vmem>>) dst(%dma_wait3A_78 : memref<12288x1024xf32, #tpu.memory_space<hbm>>)
    %add3A_79 = arith.constant 96 : i32
    %add3A_80 = arith.addi %mul3A_2, %add3A_79 : i32
    %dma_start3A_81 = arith.constant 0 : i32
    %dma_start3A_82 = tpu.memref_slice %arg2[%add3A_80, %dma_start3A_81] : memref<8192x1024xf32, #tpu.memory_space<hbm>> -> memref<32x1024xf32, #tpu.memory_space<hbm>>
    %dma_start3A_83 = arith.constant 0 : i32
    %dma_start3A_84 = tpu.memref_slice %arg2[%add3A_80, %dma_start3A_83] : memref<8192x1024xf32, #tpu.memory_space<hbm>> -> memref<32x1024xf32, #tpu.memory_space<hbm>>
    tpu.enqueue_dma source(%dma_start3A_84 : memref<32x1024xf32, #tpu.memory_space<hbm>>) target(%arg13 : memref<32x1024xf32, #tpu.memory_space<vmem>>) target_semaphore(%arg17 : memref<!tpu.dma_semaphore, #tpu.memory_space<semaphore_mem>>)
    %dma_wait3A_85 = arith.constant 0 : i32
    %dma_wait3A_86 = tpu.memref_slice %arg2[%add3A_56, %dma_wait3A_85] : memref<8192x1024xf32, #tpu.memory_space<hbm>> -> memref<32x1024xf32, #tpu.memory_space<hbm>>
    %dma_wait3A_87 = arith.constant 0 : i32
    %dma_wait3A_88 = tpu.memref_slice %arg2[%add3A_56, %dma_wait3A_87] : memref<8192x1024xf32, #tpu.memory_space<hbm>> -> memref<32x1024xf32, #tpu.memory_space<hbm>>
    tpu.wait_dma2 semaphore(%arg18 : memref<!tpu.dma_semaphore, #tpu.memory_space<semaphore_mem>>) src(%dma_wait3A_88 : memref<32x1024xf32, #tpu.memory_space<hbm>>) dst(%arg14 : memref<32x1024xf32, #tpu.memory_space<vmem>>)
    %add3A_89 = arith.constant 32 : i32
    %add3A_90 = arith.addi %mul3A_2, %add3A_89 : i32
    %dma_start3A_91 = arith.constant 0 : i32
    %dma_start3A_92 = arith.constant 0 : i32
    %dma_start3A_93 = tpu.memref_slice %arg4[%dma_start3A_91, %dma_start3A_92] : memref<12288x1024xf32, #tpu.memory_space<hbm>> -> memref<12288x1024xf32, #tpu.memory_space<hbm>>
    tpu.enqueue_indirect_dma source(%arg14 : memref<32x1024xf32, #tpu.memory_space<vmem>>) target(%dma_start3A_93 : memref<12288x1024xf32, #tpu.memory_space<hbm>>) offsets(%arg6 : memref<32xi32, #tpu.memory_space<vmem>>) semaphore(%arg21 : memref<!tpu.dma_semaphore, #tpu.memory_space<semaphore_mem>>)
    %dma_wait3A_94 = arith.constant 0 : i32
    %dma_wait3A_95 = arith.constant 0 : i32
    %dma_wait3A_96 = tpu.memref_slice %arg4[%dma_wait3A_94, %dma_wait3A_95] : memref<12288x1024xf32, #tpu.memory_space<hbm>> -> memref<12288x1024xf32, #tpu.memory_space<hbm>>
    tpu.wait_indirect_dma semaphore(%arg21 : memref<!tpu.dma_semaphore, #tpu.memory_space<semaphore_mem>>) src(%arg14 : memref<32x1024xf32, #tpu.memory_space<vmem>>) dst(%dma_wait3A_96 : memref<12288x1024xf32, #tpu.memory_space<hbm>>)
    %add3A_97 = arith.constant 128 : i32
    %add3A_98 = arith.addi %mul3A_2, %add3A_97 : i32
    %dma_start3A_99 = arith.constant 0 : i32
    %dma_start3A_100 = tpu.memref_slice %arg2[%add3A_98, %dma_start3A_99] : memref<8192x1024xf32, #tpu.memory_space<hbm>> -> memref<32x1024xf32, #tpu.memory_space<hbm>>
    %dma_start3A_101 = arith.constant 0 : i32
    %dma_start3A_102 = tpu.memref_slice %arg2[%add3A_98, %dma_start3A_101] : memref<8192x1024xf32, #tpu.memory_space<hbm>> -> memref<32x1024xf32, #tpu.memory_space<hbm>>
    tpu.enqueue_dma source(%dma_start3A_102 : memref<32x1024xf32, #tpu.memory_space<hbm>>) target(%arg14 : memref<32x1024xf32, #tpu.memory_space<vmem>>) target_semaphore(%arg18 : memref<!tpu.dma_semaphore, #tpu.memory_space<semaphore_mem>>)
    %dma_wait3A_103 = arith.constant 0 : i32
    %dma_wait3A_104 = tpu.memref_slice %arg2[%add3A_62, %dma_wait3A_103] : memref<8192x1024xf32, #tpu.memory_space<hbm>> -> memref<32x1024xf32, #tpu.memory_space<hbm>>
    %dma_wait3A_105 = arith.constant 0 : i32
    %dma_wait3A_106 = tpu.memref_slice %arg2[%add3A_62, %dma_wait3A_105] : memref<8192x1024xf32, #tpu.memory_space<hbm>> -> memref<32x1024xf32, #tpu.memory_space<hbm>>
    tpu.wait_dma2 semaphore(%arg19 : memref<!tpu.dma_semaphore, #tpu.memory_space<semaphore_mem>>) src(%dma_wait3A_106 : memref<32x1024xf32, #tpu.memory_space<hbm>>) dst(%arg15 : memref<32x1024xf32, #tpu.memory_space<vmem>>)
    %add3A_107 = arith.constant 64 : i32
    %add3A_108 = arith.addi %mul3A_2, %add3A_107 : i32
    %dma_start3A_109 = arith.constant 0 : i32
    %dma_start3A_110 = arith.constant 0 : i32
    %dma_start3A_111 = tpu.memref_slice %arg4[%dma_start3A_109, %dma_start3A_110] : memref<12288x1024xf32, #tpu.memory_space<hbm>> -> memref<12288x1024xf32, #tpu.memory_space<hbm>>
    tpu.enqueue_indirect_dma source(%arg15 : memref<32x1024xf32, #tpu.memory_space<vmem>>) target(%dma_start3A_111 : memref<12288x1024xf32, #tpu.memory_space<hbm>>) offsets(%arg7 : memref<32xi32, #tpu.memory_space<vmem>>) semaphore(%arg22 : memref<!tpu.dma_semaphore, #tpu.memory_space<semaphore_mem>>)
    %dma_wait3A_112 = arith.constant 0 : i32
    %dma_wait3A_113 = arith.constant 0 : i32
    %dma_wait3A_114 = tpu.memref_slice %arg4[%dma_wait3A_112, %dma_wait3A_113] : memref<12288x1024xf32, #tpu.memory_space<hbm>> -> memref<12288x1024xf32, #tpu.memory_space<hbm>>
    tpu.wait_indirect_dma semaphore(%arg22 : memref<!tpu.dma_semaphore, #tpu.memory_space<semaphore_mem>>) src(%arg15 : memref<32x1024xf32, #tpu.memory_space<vmem>>) dst(%dma_wait3A_114 : memref<12288x1024xf32, #tpu.memory_space<hbm>>)
    %add3A_115 = arith.constant 160 : i32
    %add3A_116 = arith.addi %mul3A_2, %add3A_115 : i32
    %dma_start3A_117 = arith.constant 0 : i32
    %dma_start3A_118 = tpu.memref_slice %arg2[%add3A_116, %dma_start3A_117] : memref<8192x1024xf32, #tpu.memory_space<hbm>> -> memref<32x1024xf32, #tpu.memory_space<hbm>>
    %dma_start3A_119 = arith.constant 0 : i32
    %dma_start3A_120 = tpu.memref_slice %arg2[%add3A_116, %dma_start3A_119] : memref<8192x1024xf32, #tpu.memory_space<hbm>> -> memref<32x1024xf32, #tpu.memory_space<hbm>>
    tpu.enqueue_dma source(%dma_start3A_120 : memref<32x1024xf32, #tpu.memory_space<hbm>>) target(%arg15 : memref<32x1024xf32, #tpu.memory_space<vmem>>) target_semaphore(%arg19 : memref<!tpu.dma_semaphore, #tpu.memory_space<semaphore_mem>>)
    %dma_wait3A_121 = arith.constant 0 : i32
    %dma_wait3A_122 = tpu.memref_slice %arg2[%add3A_80, %dma_wait3A_121] : memref<8192x1024xf32, #tpu.memory_space<hbm>> -> memref<32x1024xf32, #tpu.memory_space<hbm>>
    %dma_wait3A_123 = arith.constant 0 : i32
    %dma_wait3A_124 = tpu.memref_slice %arg2[%add3A_80, %dma_wait3A_123] : memref<8192x1024xf32, #tpu.memory_space<hbm>> -> memref<32x1024xf32, #tpu.memory_space<hbm>>
    tpu.wait_dma2 semaphore(%arg17 : memref<!tpu.dma_semaphore, #tpu.memory_space<semaphore_mem>>) src(%dma_wait3A_124 : memref<32x1024xf32, #tpu.memory_space<hbm>>) dst(%arg13 : memref<32x1024xf32, #tpu.memory_space<vmem>>)
    %add3A_125 = arith.constant 96 : i32
    %add3A_126 = arith.addi %mul3A_2, %add3A_125 : i32
    %dma_start3A_127 = arith.constant 0 : i32
    %dma_start3A_128 = arith.constant 0 : i32
    %dma_start3A_129 = tpu.memref_slice %arg4[%dma_start3A_127, %dma_start3A_128] : memref<12288x1024xf32, #tpu.memory_space<hbm>> -> memref<12288x1024xf32, #tpu.memory_space<hbm>>
    tpu.enqueue_indirect_dma source(%arg13 : memref<32x1024xf32, #tpu.memory_space<vmem>>) target(%dma_start3A_129 : memref<12288x1024xf32, #tpu.memory_space<hbm>>) offsets(%arg8 : memref<32xi32, #tpu.memory_space<vmem>>) semaphore(%arg20 : memref<!tpu.dma_semaphore, #tpu.memory_space<semaphore_mem>>)
    %dma_wait3A_130 = arith.constant 0 : i32
    %dma_wait3A_131 = arith.constant 0 : i32
    %dma_wait3A_132 = tpu.memref_slice %arg4[%dma_wait3A_130, %dma_wait3A_131] : memref<12288x1024xf32, #tpu.memory_space<hbm>> -> memref<12288x1024xf32, #tpu.memory_space<hbm>>
    tpu.wait_indirect_dma semaphore(%arg20 : memref<!tpu.dma_semaphore, #tpu.memory_space<semaphore_mem>>) src(%arg13 : memref<32x1024xf32, #tpu.memory_space<vmem>>) dst(%dma_wait3A_132 : memref<12288x1024xf32, #tpu.memory_space<hbm>>)
    %add3A_133 = arith.constant 192 : i32
    %add3A_134 = arith.addi %mul3A_2, %add3A_133 : i32
    %dma_start3A_135 = arith.constant 0 : i32
    %dma_start3A_136 = tpu.memref_slice %arg2[%add3A_134, %dma_start3A_135] : memref<8192x1024xf32, #tpu.memory_space<hbm>> -> memref<32x1024xf32, #tpu.memory_space<hbm>>
    %dma_start3A_137 = arith.constant 0 : i32
    %dma_start3A_138 = tpu.memref_slice %arg2[%add3A_134, %dma_start3A_137] : memref<8192x1024xf32, #tpu.memory_space<hbm>> -> memref<32x1024xf32, #tpu.memory_space<hbm>>
    tpu.enqueue_dma source(%dma_start3A_138 : memref<32x1024xf32, #tpu.memory_space<hbm>>) target(%arg13 : memref<32x1024xf32, #tpu.memory_space<vmem>>) target_semaphore(%arg17 : memref<!tpu.dma_semaphore, #tpu.memory_space<semaphore_mem>>)
    %dma_wait3A_139 = arith.constant 0 : i32
    %dma_wait3A_140 = tpu.memref_slice %arg2[%add3A_98, %dma_wait3A_139] : memref<8192x1024xf32, #tpu.memory_space<hbm>> -> memref<32x1024xf32, #tpu.memory_space<hbm>>
    %dma_wait3A_141 = arith.constant 0 : i32
    %dma_wait3A_142 = tpu.memref_slice %arg2[%add3A_98, %dma_wait3A_141] : memref<8192x1024xf32, #tpu.memory_space<hbm>> -> memref<32x1024xf32, #tpu.memory_space<hbm>>
    tpu.wait_dma2 semaphore(%arg18 : memref<!tpu.dma_semaphore, #tpu.memory_space<semaphore_mem>>) src(%dma_wait3A_142 : memref<32x1024xf32, #tpu.memory_space<hbm>>) dst(%arg14 : memref<32x1024xf32, #tpu.memory_space<vmem>>)
    %add3A_143 = arith.constant 128 : i32
    %add3A_144 = arith.addi %mul3A_2, %add3A_143 : i32
    %dma_start3A_145 = arith.constant 0 : i32
    %dma_start3A_146 = arith.constant 0 : i32
    %dma_start3A_147 = tpu.memref_slice %arg4[%dma_start3A_145, %dma_start3A_146] : memref<12288x1024xf32, #tpu.memory_space<hbm>> -> memref<12288x1024xf32, #tpu.memory_space<hbm>>
    tpu.enqueue_indirect_dma source(%arg14 : memref<32x1024xf32, #tpu.memory_space<vmem>>) target(%dma_start3A_147 : memref<12288x1024xf32, #tpu.memory_space<hbm>>) offsets(%arg9 : memref<32xi32, #tpu.memory_space<vmem>>) semaphore(%arg21 : memref<!tpu.dma_semaphore, #tpu.memory_space<semaphore_mem>>)
    %dma_wait3A_148 = arith.constant 0 : i32
    %dma_wait3A_149 = arith.constant 0 : i32
    %dma_wait3A_150 = tpu.memref_slice %arg4[%dma_wait3A_148, %dma_wait3A_149] : memref<12288x1024xf32, #tpu.memory_space<hbm>> -> memref<12288x1024xf32, #tpu.memory_space<hbm>>
    tpu.wait_indirect_dma semaphore(%arg21 : memref<!tpu.dma_semaphore, #tpu.memory_space<semaphore_mem>>) src(%arg14 : memref<32x1024xf32, #tpu.memory_space<vmem>>) dst(%dma_wait3A_150 : memref<12288x1024xf32, #tpu.memory_space<hbm>>)
    %add3A_151 = arith.constant 224 : i32
    %add3A_152 = arith.addi %mul3A_2, %add3A_151 : i32
    %dma_start3A_153 = arith.constant 0 : i32
    %dma_start3A_154 = tpu.memref_slice %arg2[%add3A_152, %dma_start3A_153] : memref<8192x1024xf32, #tpu.memory_space<hbm>> -> memref<32x1024xf32, #tpu.memory_space<hbm>>
    %dma_start3A_155 = arith.constant 0 : i32
    %dma_start3A_156 = tpu.memref_slice %arg2[%add3A_152, %dma_start3A_155] : memref<8192x1024xf32, #tpu.memory_space<hbm>> -> memref<32x1024xf32, #tpu.memory_space<hbm>>
    tpu.enqueue_dma source(%dma_start3A_156 : memref<32x1024xf32, #tpu.memory_space<hbm>>) target(%arg14 : memref<32x1024xf32, #tpu.memory_space<vmem>>) target_semaphore(%arg18 : memref<!tpu.dma_semaphore, #tpu.memory_space<semaphore_mem>>)
    %dma_wait3A_157 = arith.constant 0 : i32
    %dma_wait3A_158 = tpu.memref_slice %arg2[%add3A_116, %dma_wait3A_157] : memref<8192x1024xf32, #tpu.memory_space<hbm>> -> memref<32x1024xf32, #tpu.memory_space<hbm>>
    %dma_wait3A_159 = arith.constant 0 : i32
    %dma_wait3A_160 = tpu.memref_slice %arg2[%add3A_116, %dma_wait3A_159] : memref<8192x1024xf32, #tpu.memory_space<hbm>> -> memref<32x1024xf32, #tpu.memory_space<hbm>>
    tpu.wait_dma2 semaphore(%arg19 : memref<!tpu.dma_semaphore, #tpu.memory_space<semaphore_mem>>) src(%dma_wait3A_160 : memref<32x1024xf32, #tpu.memory_space<hbm>>) dst(%arg15 : memref<32x1024xf32, #tpu.memory_space<vmem>>)
    %add3A_161 = arith.constant 160 : i32
    %add3A_162 = arith.addi %mul3A_2, %add3A_161 : i32
    %dma_start3A_163 = arith.constant 0 : i32
    %dma_start3A_164 = arith.constant 0 : i32
    %dma_start3A_165 = tpu.memref_slice %arg4[%dma_start3A_163, %dma_start3A_164] : memref<12288x1024xf32, #tpu.memory_space<hbm>> -> memref<12288x1024xf32, #tpu.memory_space<hbm>>
    tpu.enqueue_indirect_dma source(%arg15 : memref<32x1024xf32, #tpu.memory_space<vmem>>) target(%dma_start3A_165 : memref<12288x1024xf32, #tpu.memory_space<hbm>>) offsets(%arg10 : memref<32xi32, #tpu.memory_space<vmem>>) semaphore(%arg22 : memref<!tpu.dma_semaphore, #tpu.memory_space<semaphore_mem>>)
    %dma_wait3A_166 = arith.constant 0 : i32
    %dma_wait3A_167 = tpu.memref_slice %arg2[%add3A_134, %dma_wait3A_166] : memref<8192x1024xf32, #tpu.memory_space<hbm>> -> memref<32x1024xf32, #tpu.memory_space<hbm>>
    %dma_wait3A_168 = arith.constant 0 : i32
    %dma_wait3A_169 = tpu.memref_slice %arg2[%add3A_134, %dma_wait3A_168] : memref<8192x1024xf32, #tpu.memory_space<hbm>> -> memref<32x1024xf32, #tpu.memory_space<hbm>>
    tpu.wait_dma2 semaphore(%arg17 : memref<!tpu.dma_semaphore, #tpu.memory_space<semaphore_mem>>) src(%dma_wait3A_169 : memref<32x1024xf32, #tpu.memory_space<hbm>>) dst(%arg13 : memref<32x1024xf32, #tpu.memory_space<vmem>>)
    %add3A_170 = arith.constant 192 : i32
    %add3A_171 = arith.addi %mul3A_2, %add3A_170 : i32
    %dma_start3A_172 = arith.constant 0 : i32
    %dma_start3A_173 = arith.constant 0 : i32
    %dma_start3A_174 = tpu.memref_slice %arg4[%dma_start3A_172, %dma_start3A_173] : memref<12288x1024xf32, #tpu.memory_space<hbm>> -> memref<12288x1024xf32, #tpu.memory_space<hbm>>
    tpu.enqueue_indirect_dma source(%arg13 : memref<32x1024xf32, #tpu.memory_space<vmem>>) target(%dma_start3A_174 : memref<12288x1024xf32, #tpu.memory_space<hbm>>) offsets(%arg11 : memref<32xi32, #tpu.memory_space<vmem>>) semaphore(%arg20 : memref<!tpu.dma_semaphore, #tpu.memory_space<semaphore_mem>>)
    %dma_wait3A_175 = arith.constant 0 : i32
    %dma_wait3A_176 = tpu.memref_slice %arg2[%add3A_152, %dma_wait3A_175] : memref<8192x1024xf32, #tpu.memory_space<hbm>> -> memref<32x1024xf32, #tpu.memory_space<hbm>>
    %dma_wait3A_177 = arith.constant 0 : i32
    %dma_wait3A_178 = tpu.memref_slice %arg2[%add3A_152, %dma_wait3A_177] : memref<8192x1024xf32, #tpu.memory_space<hbm>> -> memref<32x1024xf32, #tpu.memory_space<hbm>>
    tpu.wait_dma2 semaphore(%arg18 : memref<!tpu.dma_semaphore, #tpu.memory_space<semaphore_mem>>) src(%dma_wait3A_178 : memref<32x1024xf32, #tpu.memory_space<hbm>>) dst(%arg14 : memref<32x1024xf32, #tpu.memory_space<vmem>>)
    %add3A_179 = arith.constant 224 : i32
    %add3A_180 = arith.addi %mul3A_2, %add3A_179 : i32
    %dma_start3A_181 = arith.constant 0 : i32
    %dma_start3A_182 = arith.constant 0 : i32
    %dma_start3A_183 = tpu.memref_slice %arg4[%dma_start3A_181, %dma_start3A_182] : memref<12288x1024xf32, #tpu.memory_space<hbm>> -> memref<12288x1024xf32, #tpu.memory_space<hbm>>
    tpu.enqueue_indirect_dma source(%arg14 : memref<32x1024xf32, #tpu.memory_space<vmem>>) target(%dma_start3A_183 : memref<12288x1024xf32, #tpu.memory_space<hbm>>) offsets(%arg12 : memref<32xi32, #tpu.memory_space<vmem>>) semaphore(%arg21 : memref<!tpu.dma_semaphore, #tpu.memory_space<semaphore_mem>>)
    %dma_wait3A_184 = arith.constant 0 : i32
    %dma_wait3A_185 = arith.constant 0 : i32
    %dma_wait3A_186 = tpu.memref_slice %arg4[%dma_wait3A_184, %dma_wait3A_185] : memref<12288x1024xf32, #tpu.memory_space<hbm>> -> memref<12288x1024xf32, #tpu.memory_space<hbm>>
    tpu.wait_indirect_dma semaphore(%arg22 : memref<!tpu.dma_semaphore, #tpu.memory_space<semaphore_mem>>) src(%arg15 : memref<32x1024xf32, #tpu.memory_space<vmem>>) dst(%dma_wait3A_186 : memref<12288x1024xf32, #tpu.memory_space<hbm>>)
    %dma_wait3A_187 = arith.constant 0 : i32
    %dma_wait3A_188 = arith.constant 0 : i32
    %dma_wait3A_189 = tpu.memref_slice %arg4[%dma_wait3A_187, %dma_wait3A_188] : memref<12288x1024xf32, #tpu.memory_space<hbm>> -> memref<12288x1024xf32, #tpu.memory_space<hbm>>
    tpu.wait_indirect_dma semaphore(%arg20 : memref<!tpu.dma_semaphore, #tpu.memory_space<semaphore_mem>>) src(%arg13 : memref<32x1024xf32, #tpu.memory_space<vmem>>) dst(%dma_wait3A_189 : memref<12288x1024xf32, #tpu.memory_space<hbm>>)
    %dma_wait3A_190 = arith.constant 0 : i32
    %dma_wait3A_191 = arith.constant 0 : i32
    %dma_wait3A_192 = tpu.memref_slice %arg4[%dma_wait3A_190, %dma_wait3A_191] : memref<12288x1024xf32, #tpu.memory_space<hbm>> -> memref<12288x1024xf32, #tpu.memory_space<hbm>>
    tpu.wait_indirect_dma semaphore(%arg21 : memref<!tpu.dma_semaphore, #tpu.memory_space<semaphore_mem>>) src(%arg14 : memref<32x1024xf32, #tpu.memory_space<vmem>>) dst(%dma_wait3A_192 : memref<12288x1024xf32, #tpu.memory_space<hbm>>)
    return
  }
}

module attributes {stable_mosaic.version = 14 : i64} {
  func.func @_ab_body(%arg0: i32, %arg1: i32, %arg2: memref<512x1024xf32, #tpu.memory_space<vmem>>, %arg3: memref<15x1024xf32, #tpu.memory_space<vmem>>, %arg4: memref<15x1xf32, #tpu.memory_space<vmem>>, %arg5: memref<16x30xf32, #tpu.memory_space<vmem>>, %arg6: memref<512x512xf32, #tpu.memory_space<vmem>>, %arg7: memref<1x1x512xi32, #tpu.memory_space<vmem>>, %arg8: memref<1x1x128xi32, #tpu.memory_space<vmem>>, %arg9: memref<16x512xi32, #tpu.memory_space<vmem>>, %arg10: memref<16x128xi32, #tpu.memory_space<vmem>>) attributes {dimension_semantics = [#tpu.dimension_semantics<arbitrary>, #tpu.dimension_semantics<arbitrary>], iteration_bounds = array<i64: 2, 16>, scalar_prefetch = 0 : i64, scratch_operands = 2 : i64, tpu.core_type = #tpu.core_type<tc>, window_params = [{transform_indices = @transform_0, window_bounds = array<i64: 512, 1024>}, {pipeline_mode = #tpu.pipeline_mode<synchronous>, transform_indices = @transform_1, window_bounds = array<i64: 15, 1024>}, {pipeline_mode = #tpu.pipeline_mode<synchronous>, transform_indices = @transform_2, window_bounds = array<i64: 15, 1>}, {pipeline_mode = #tpu.pipeline_mode<synchronous>, transform_indices = @transform_3, window_bounds = array<i64: 16, 30>}, {pipeline_mode = #tpu.pipeline_mode<synchronous>, transform_indices = @transform_4, window_bounds = array<i64: 512, 512>}, {transform_indices = @transform_5, window_bounds = array<i64: 1, 1, 512>}, {pipeline_mode = #tpu.pipeline_mode<synchronous>, transform_indices = @transform_6, window_bounds = array<i64: 1, 1, 128>}]} {
    %eq3A = arith.constant 0 : i32
    %eq3A_0 = arith.cmpi eq, %arg0, %eq3A : i32
    %convert_element_type3A = arith.extui %eq3A_0 : i1 to i32
    %cond3A = arith.constant 0 : i32
    %cond3A_1 = arith.cmpi ne, %convert_element_type3A, %cond3A : i32
    scf.if %cond3A_1 {
      %get3A = arith.constant 0 : index
      %get3A_14 = arith.constant 0 : index
      %get3A_15 = vector.load %arg2[%get3A, %get3A_14] : memref<512x1024xf32, #tpu.memory_space<vmem>>, vector<512x1024xf32>
      %get3A_16 = arith.constant 0 : index
      %get3A_17 = arith.constant 0 : index
      %get3A_18 = vector.load %arg3[%get3A_16, %get3A_17] : memref<15x1024xf32, #tpu.memory_space<vmem>>, vector<15x1024xf32>
      %dot_general3A = arith.constant dense<0.000000e+00> : vector<15x512xf32>
      %dot_general3A_19 = tpu.matmul %get3A_18, %get3A_15, %dot_general3A {dimension_numbers = #tpu.dot_dimension_numbers<[1], [1], [0], [0], [0, 0, 1, 0], [], []>, transpose_lhs_hint = false} : vector<15x1024xf32>, vector<512x1024xf32>, vector<15x512xf32> -> vector<15x512xf32>
      %get3A_20 = arith.constant 0 : index
      %get3A_21 = arith.constant 0 : index
      %get3A_22 = vector.load %arg4[%get3A_20, %get3A_21] : memref<15x1xf32, #tpu.memory_space<vmem>>, vector<15x1xf32>
      %add3A = vector.broadcast %get3A_22 : vector<15x1xf32> to vector<15x512xf32>
      %add3A_23 = arith.addf %dot_general3A_19, %add3A : vector<15x512xf32>
      %neg3A = arith.constant 0.000000e+00 : f32
      %neg3A_24 = vector.broadcast %neg3A : f32 to vector<15x512xf32>
      %neg3A_25 = arith.subf %neg3A_24, %add3A_23 : vector<15x512xf32>
      %neg3A_26 = arith.constant 0.000000e+00 : f32
      %neg3A_27 = vector.broadcast %neg3A_26 : f32 to vector<15x512xf32>
      %neg3A_28 = arith.subf %neg3A_27, %neg3A_25 : vector<15x512xf32>
      %custom_jvp_call3A = arith.constant 0.000000e+00 : f32
      %max3A = vector.broadcast %custom_jvp_call3A : f32 to vector<15x512xf32>
      %max3A_29 = arith.maximumf %neg3A_28, %max3A : vector<15x512xf32>
      %sub3A = vector.broadcast %custom_jvp_call3A : f32 to vector<15x512xf32>
      %sub3A_30 = arith.subf %neg3A_28, %sub3A : vector<15x512xf32>
      %ne3A = arith.cmpf one, %sub3A_30, %sub3A_30 : vector<15x512xf32>
      %add3A_31 = vector.broadcast %custom_jvp_call3A : f32 to vector<15x512xf32>
      %add3A_32 = arith.addf %neg3A_28, %add3A_31 : vector<15x512xf32>
      %abs3A = math.absf %sub3A_30 : vector<15x512xf32>
      %neg3A_33 = arith.constant 0.000000e+00 : f32
      %neg3A_34 = vector.broadcast %neg3A_33 : f32 to vector<15x512xf32>
      %neg3A_35 = arith.subf %neg3A_34, %abs3A : vector<15x512xf32>
      %exp3A = math.exp %neg3A_35 : vector<15x512xf32>
      %log1p3A = math.log1p %exp3A : vector<15x512xf32>
      %add3A_36 = arith.addf %max3A_29, %log1p3A : vector<15x512xf32>
      %select_n3A = arith.select %ne3A, %add3A_32, %add3A_36 : vector<15x512xi1>, vector<15x512xf32>
      %neg3A_37 = arith.constant 0.000000e+00 : f32
      %neg3A_38 = vector.broadcast %neg3A_37 : f32 to vector<15x512xf32>
      %neg3A_39 = arith.subf %neg3A_38, %select_n3A : vector<15x512xf32>
      %neg3A_40 = arith.constant 0.000000e+00 : f32
      %neg3A_41 = vector.broadcast %neg3A_40 : f32 to vector<15x512xf32>
      %neg3A_42 = arith.subf %neg3A_41, %add3A_23 : vector<15x512xf32>
      %custom_jvp_call3A_43 = arith.constant 0.000000e+00 : f32
      %max3A_44 = vector.broadcast %custom_jvp_call3A_43 : f32 to vector<15x512xf32>
      %max3A_45 = arith.maximumf %neg3A_42, %max3A_44 : vector<15x512xf32>
      %sub3A_46 = vector.broadcast %custom_jvp_call3A_43 : f32 to vector<15x512xf32>
      %sub3A_47 = arith.subf %neg3A_42, %sub3A_46 : vector<15x512xf32>
      %ne3A_48 = arith.cmpf one, %sub3A_47, %sub3A_47 : vector<15x512xf32>
      %add3A_49 = vector.broadcast %custom_jvp_call3A_43 : f32 to vector<15x512xf32>
      %add3A_50 = arith.addf %neg3A_42, %add3A_49 : vector<15x512xf32>
      %abs3A_51 = math.absf %sub3A_47 : vector<15x512xf32>
      %neg3A_52 = arith.constant 0.000000e+00 : f32
      %neg3A_53 = vector.broadcast %neg3A_52 : f32 to vector<15x512xf32>
      %neg3A_54 = arith.subf %neg3A_53, %abs3A_51 : vector<15x512xf32>
      %exp3A_55 = math.exp %neg3A_54 : vector<15x512xf32>
      %log1p3A_56 = math.log1p %exp3A_55 : vector<15x512xf32>
      %add3A_57 = arith.addf %max3A_45, %log1p3A_56 : vector<15x512xf32>
      %select_n3A_58 = arith.select %ne3A_48, %add3A_50, %add3A_57 : vector<15x512xi1>, vector<15x512xf32>
      %neg3A_59 = arith.constant 0.000000e+00 : f32
      %neg3A_60 = vector.broadcast %neg3A_59 : f32 to vector<15x512xf32>
      %neg3A_61 = arith.subf %neg3A_60, %select_n3A_58 : vector<15x512xf32>
      %concatenate3A = tpu.concatenate %neg3A_39, %neg3A_61 in 0 : vector<15x512xf32>, vector<15x512xf32> -> vector<30x512xf32>
      %get3A_62 = arith.constant 0 : index
      %get3A_63 = arith.constant 0 : index
      %get3A_64 = vector.load %arg5[%get3A_62, %get3A_63] : memref<16x30xf32, #tpu.memory_space<vmem>>, vector<16x30xf32>
      %dot_general3A_65 = arith.constant dense<0.000000e+00> : vector<16x512xf32>
      %dot_general3A_66 = tpu.matmul %get3A_64, %concatenate3A, %dot_general3A_65 {dimension_numbers = #tpu.dot_dimension_numbers<[1], [0], [0], [1], [0, 0, 1, 1], [], []>, transpose_lhs_hint = false} : vector<16x30xf32>, vector<30x512xf32>, vector<16x512xf32> -> vector<16x512xf32>
      %iota3A = tpu.iota {dimensions = array<i32: 0>} : vector<16x512xi32>
      %reduce_max3A = arith.constant dense<0xFF800000> : vector<512xf32>
      %reduce_max3A_67 = vector.multi_reduction <maximumf>, %dot_general3A_66, %reduce_max3A [0] : vector<16x512xf32> to vector<512xf32>
      %broadcast_in_dim3A = vector.shape_cast %reduce_max3A_67 : vector<512xf32> to vector<1x512xf32>
      %eq3A_68 = vector.broadcast %broadcast_in_dim3A : vector<1x512xf32> to vector<16x512xf32>
      %eq3A_69 = arith.cmpf oeq, %dot_general3A_66, %eq3A_68 : vector<16x512xf32>
      %jit3A = arith.constant 16 : i32
      %broadcast_in_dim3A_70 = vector.broadcast %jit3A : i32 to vector<16x512xi32>
      %select_n3A_71 = arith.select %eq3A_69, %iota3A, %broadcast_in_dim3A_70 : vector<16x512xi1>, vector<16x512xi32>
      %reduce_min3A = arith.constant dense<2147483647> : vector<512xi32>
      %reduce_min3A_72 = vector.multi_reduction <minsi>, %select_n3A_71, %reduce_min3A [0] : vector<16x512xi32> to vector<512xi32>
      %broadcast_in_dim3A_73 = vector.shape_cast %reduce_min3A_72 : vector<512xi32> to vector<1x512xi32>
      %swap3A = arith.index_cast %arg1 : i32 to index
      %swap3A_74 = arith.constant 0 : index
      %swap3A_75 = vector.load %arg9[%swap3A, %swap3A_74] : memref<16x512xi32, #tpu.memory_space<vmem>>, vector<1x512xi32>
      tpu.vector_store %arg9[%swap3A, %swap3A_74], %broadcast_in_dim3A_73 {strides = array<i32>} : memref<16x512xi32, #tpu.memory_space<vmem>>, vector<1x512xi32>,
      %eq3A_76 = vector.broadcast %broadcast_in_dim3A_73 : vector<1x512xi32> to vector<16x512xi32>
      %eq3A_77 = arith.cmpi eq, %eq3A_76, %iota3A : vector<16x512xi32>
      %convert_element_type3A_78 = arith.extui %eq3A_77 : vector<16x512xi1> to vector<16x512xi32>
      %convert_element_type3A_79 = arith.sitofp %convert_element_type3A_78 : vector<16x512xi32> to vector<16x512xf32>
      %reduce_sum3A = arith.constant dense<0.000000e+00> : vector<16xf32>
      %reduce_sum3A_80 = vector.multi_reduction <add>, %convert_element_type3A_79, %reduce_sum3A [1] : vector<16x512xf32> to vector<16xf32>
      %broadcast_in_dim3A_81 = vector.shape_cast %reduce_sum3A_80 : vector<16xf32> to vector<16x1xf32>
      %convert_element_type3A_82 = arith.fptosi %broadcast_in_dim3A_81 : vector<16x1xf32> to vector<16x1xi32>
      %eq3A_83 = arith.constant 0 : i32
      %eq3A_84 = arith.cmpi eq, %arg1, %eq3A_83 : i32
      %convert_element_type3A_85 = arith.extui %eq3A_84 : i1 to i32
      %cond3A_86 = arith.constant 0 : i32
      %cond3A_87 = arith.cmpi ne, %convert_element_type3A_85, %cond3A_86 : i32
      scf.if %cond3A_87 {
        %broadcast_in_dim3A_95 = arith.constant 0 : i32
        %broadcast_in_dim3A_96 = vector.broadcast %broadcast_in_dim3A_95 : i32 to vector<16x128xi32>
        %swap3A_97 = arith.constant 0 : index
        %swap3A_98 = arith.constant 0 : index
        %swap3A_99 = vector.load %arg10[%swap3A_97, %swap3A_98] : memref<16x128xi32, #tpu.memory_space<vmem>>, vector<16x128xi32>
        tpu.vector_store %arg10[%swap3A_97, %swap3A_98], %broadcast_in_dim3A_96 {strides = array<i32>} : memref<16x128xi32, #tpu.memory_space<vmem>>, vector<16x128xi32>,
      } else {
      }
      %get3A_88 = arith.constant 0 : index
      %get3A_89 = arith.constant 0 : index
      %get3A_90 = vector.load %arg10[%get3A_88, %get3A_89] : memref<16x128xi32, #tpu.memory_space<vmem>>, vector<16x1xi32>
      %add3A_91 = arith.addi %get3A_90, %convert_element_type3A_82 : vector<16x1xi32>
      %swap3A_92 = arith.constant 0 : index
      %swap3A_93 = arith.constant 0 : index
      %swap3A_94 = vector.load %arg10[%swap3A_92, %swap3A_93] : memref<16x128xi32, #tpu.memory_space<vmem>>, vector<16x1xi32>
      tpu.vector_store %arg10[%swap3A_92, %swap3A_93], %add3A_91 {strides = array<i32>} : memref<16x128xi32, #tpu.memory_space<vmem>>, vector<16x1xi32>,
    } else {
    }
    %eq3A_2 = arith.constant 1 : i32
    %eq3A_3 = arith.cmpi eq, %arg0, %eq3A_2 : i32
    %eq3A_4 = arith.constant 0 : i32
    %eq3A_5 = arith.cmpi eq, %arg1, %eq3A_4 : i32
    %and3A = arith.andi %eq3A_3, %eq3A_5 : i1
    %convert_element_type3A_6 = arith.extui %and3A : i1 to i32
    %cond3A_7 = arith.constant 0 : i32
    %cond3A_8 = arith.cmpi ne, %convert_element_type3A_6, %cond3A_7 : i32
    scf.if %cond3A_8 {
      %get3A = arith.constant 0 : index
      %get3A_14 = arith.constant 0 : index
      %get3A_15 = vector.load %arg10[%get3A, %get3A_14] : memref<16x128xi32, #tpu.memory_space<vmem>>, vector<16x1xi32>
      %add3A = arith.constant 256 : i32
      %add3A_16 = vector.broadcast %add3A : i32 to vector<16x1xi32>
      %add3A_17 = arith.addi %get3A_15, %add3A_16 : vector<16x1xi32>
      %sub3A = arith.constant 1 : i32
      %sub3A_18 = vector.broadcast %sub3A : i32 to vector<16x1xi32>
      %sub3A_19 = arith.subi %add3A_17, %sub3A_18 : vector<16x1xi32>
      %jit3A = arith.constant 256 : i32
      %div3A = vector.broadcast %jit3A : i32 to vector<16x1xi32>
      %div3A_20 = arith.divsi %sub3A_19, %div3A : vector<16x1xi32>
      %sign3A = arith.constant 0 : i32
      %sign3A_21 = vector.broadcast %sign3A : i32 to vector<16x1xi32>
      %sign3A_22 = arith.cmpi sgt, %sub3A_19, %sign3A_21 : vector<16x1xi32>
      %sign3A_23 = arith.extui %sign3A_22 : vector<16x1xi1> to vector<16x1xi32>
      %sign3A_24 = arith.constant 0 : i32
      %sign3A_25 = vector.broadcast %sign3A_24 : i32 to vector<16x1xi32>
      %sign3A_26 = arith.cmpi slt, %sub3A_19, %sign3A_25 : vector<16x1xi32>
      %sign3A_27 = arith.extui %sign3A_26 : vector<16x1xi1> to vector<16x1xi32>
      %sign3A_28 = arith.subi %sign3A_23, %sign3A_27 : vector<16x1xi32>
      %sign3A_29 = arith.constant 0 : i32
      %sign3A_30 = arith.cmpi sgt, %jit3A, %sign3A_29 : i32
      %sign3A_31 = arith.extui %sign3A_30 : i1 to i32
      %sign3A_32 = arith.constant 0 : i32
      %sign3A_33 = arith.cmpi slt, %jit3A, %sign3A_32 : i32
      %sign3A_34 = arith.extui %sign3A_33 : i1 to i32
      %sign3A_35 = arith.subi %sign3A_31, %sign3A_34 : i32
      %ne3A = vector.broadcast %sign3A_35 : i32 to vector<16x1xi32>
      %ne3A_36 = arith.cmpi ne, %sign3A_28, %ne3A : vector<16x1xi32>
      %rem3A = vector.broadcast %jit3A : i32 to vector<16x1xi32>
      %rem3A_37 = arith.remsi %sub3A_19, %rem3A : vector<16x1xi32>
      %ne3A_38 = arith.constant 0 : i32
      %ne3A_39 = vector.broadcast %ne3A_38 : i32 to vector<16x1xi32>
      %ne3A_40 = arith.cmpi ne, %rem3A_37, %ne3A_39 : vector<16x1xi32>
      %and3A_41 = arith.andi %ne3A_36, %ne3A_40 : vector<16x1xi1>
      %sub3A_42 = arith.constant 1 : i32
      %sub3A_43 = vector.broadcast %sub3A_42 : i32 to vector<16x1xi32>
      %sub3A_44 = arith.subi %div3A_20, %sub3A_43 : vector<16x1xi32>
      %select_n3A = arith.select %and3A_41, %sub3A_44, %div3A_20 : vector<16x1xi1>, vector<16x1xi32>
      %mul3A = arith.constant 256 : i32
      %mul3A_45 = vector.broadcast %mul3A : i32 to vector<16x1xi32>
      %mul3A_46 = arith.muli %select_n3A, %mul3A_45 : vector<16x1xi32>
      %iota3A = tpu.iota {dimensions = array<i32: 0>} : vector<16x16xi32>
      %iota3A_47 = tpu.iota {dimensions = array<i32: 1>} : vector<16x16xi32>
      %lt3A = arith.cmpi slt, %iota3A_47, %iota3A : vector<16x16xi32>
      %convert_element_type3A_48 = arith.extui %lt3A : vector<16x16xi1> to vector<16x16xi32>
      %convert_element_type3A_49 = arith.sitofp %convert_element_type3A_48 : vector<16x16xi32> to vector<16x16xf32>
      %convert_element_type3A_50 = arith.sitofp %mul3A_46 : vector<16x1xi32> to vector<16x1xf32>
      %dot_general3A = arith.constant dense<0.000000e+00> : vector<16x1xf32>
      %dot_general3A_51 = tpu.matmul %convert_element_type3A_49, %convert_element_type3A_50, %dot_general3A {dimension_numbers = #tpu.dot_dimension_numbers<[1], [0], [0], [1], [0, 0, 1, 1], [], []>, transpose_lhs_hint = false} : vector<16x16xf32>, vector<16x1xf32>, vector<16x1xf32> -> vector<16x1xf32>
      %convert_element_type3A_52 = arith.fptosi %dot_general3A_51 : vector<16x1xf32> to vector<16x1xi32>
      %swap3A = arith.constant 0 : index
      %swap3A_53 = arith.constant 1 : index
      %swap3A_54 = vector.load %arg10[%swap3A, %swap3A_53] : memref<16x128xi32, #tpu.memory_space<vmem>>, vector<16x1xi32>
      tpu.vector_store %arg10[%swap3A, %swap3A_53], %convert_element_type3A_52 {strides = array<i32>} : memref<16x128xi32, #tpu.memory_space<vmem>>, vector<16x1xi32>,
      %add3A_55 = arith.addi %convert_element_type3A_52, %mul3A_46 : vector<16x1xi32>
      %iota3A_56 = tpu.iota {dimensions = array<i32: 1>} : vector<16x128xi32>
      %mul3A_57 = arith.constant 256 : i32
      %mul3A_58 = vector.broadcast %mul3A_57 : i32 to vector<16x128xi32>
      %mul3A_59 = arith.muli %iota3A_56, %mul3A_58 : vector<16x128xi32>
      %ge3A = vector.broadcast %add3A_55 : vector<16x1xi32> to vector<16x128xi32>
      %ge3A_60 = arith.cmpi sge, %mul3A_59, %ge3A : vector<16x128xi32>
      %convert_element_type3A_61 = arith.extui %ge3A_60 : vector<16x128xi1> to vector<16x128xi32>
      %reduce_sum3A = arith.constant dense<0> : vector<128xi32>
      %reduce_sum3A_62 = vector.multi_reduction <add>, %convert_element_type3A_61, %reduce_sum3A [0] : vector<16x128xi32> to vector<128xi32>
      %broadcast_in_dim3A = vector.shape_cast %reduce_sum3A_62 : vector<128xi32> to vector<1x128xi32>
      %min3A = arith.constant 15 : i32
      %min3A_63 = vector.broadcast %min3A : i32 to vector<1x128xi32>
      %min3A_64 = arith.minsi %broadcast_in_dim3A, %min3A_63 : vector<1x128xi32>
      %squeeze3A = vector.shape_cast %min3A_64 : vector<1x128xi32> to vector<128xi32>
      %swap3A_65 = arith.constant 0 : index
      %swap3A_66 = arith.constant 0 : index
      %swap3A_67 = arith.constant 0 : index
      %swap3A_68 = vector.load %arg8[%swap3A_65, %swap3A_66, %swap3A_67] : memref<1x1x128xi32, #tpu.memory_space<vmem>>, vector<1x1x128xi32>
      %swap3A_69 = vector.shape_cast %swap3A_68 : vector<1x1x128xi32> to vector<128xi32>
      %swap3A_70 = vector.shape_cast %squeeze3A : vector<128xi32> to vector<1x1x128xi32>
      tpu.vector_store %arg8[%swap3A_65, %swap3A_66, %swap3A_67], %swap3A_70 {strides = array<i32>} : memref<1x1x128xi32, #tpu.memory_space<vmem>>, vector<1x1x128xi32>,
      %broadcast_in_dim3A_71 = arith.constant 0 : i32
      %broadcast_in_dim3A_72 = vector.broadcast %broadcast_in_dim3A_71 : i32 to vector<16x1xi32>
      %swap3A_73 = arith.constant 0 : index
      %swap3A_74 = arith.constant 0 : index
      %swap3A_75 = vector.load %arg10[%swap3A_73, %swap3A_74] : memref<16x128xi32, #tpu.memory_space<vmem>>, vector<16x1xi32>
      tpu.vector_store %arg10[%swap3A_73, %swap3A_74], %broadcast_in_dim3A_72 {strides = array<i32>} : memref<16x128xi32, #tpu.memory_space<vmem>>, vector<16x1xi32>,
    } else {
    }
    %eq3A_9 = arith.constant 1 : i32
    %eq3A_10 = arith.cmpi eq, %arg0, %eq3A_9 : i32
    %convert_element_type3A_11 = arith.extui %eq3A_10 : i1 to i32
    %cond3A_12 = arith.constant 0 : i32
    %cond3A_13 = arith.cmpi ne, %convert_element_type3A_11, %cond3A_12 : i32
    scf.if %cond3A_13 {
      %get3A = arith.index_cast %arg1 : i32 to index
      %get3A_14 = arith.constant 0 : index
      %get3A_15 = vector.load %arg9[%get3A, %get3A_14] : memref<16x512xi32, #tpu.memory_space<vmem>>, vector<1x512xi32>
      %iota3A = tpu.iota {dimensions = array<i32: 0>} : vector<16x512xi32>
      %eq3A_16 = vector.broadcast %get3A_15 : vector<1x512xi32> to vector<16x512xi32>
      %eq3A_17 = arith.cmpi eq, %eq3A_16, %iota3A : vector<16x512xi32>
      %convert_element_type3A_18 = arith.extui %eq3A_17 : vector<16x512xi1> to vector<16x512xi32>
      %convert_element_type3A_19 = arith.sitofp %convert_element_type3A_18 : vector<16x512xi32> to vector<16x512xf32>
      %reduce_sum3A = arith.constant dense<0.000000e+00> : vector<16xf32>
      %reduce_sum3A_20 = vector.multi_reduction <add>, %convert_element_type3A_19, %reduce_sum3A [1] : vector<16x512xf32> to vector<16xf32>
      %broadcast_in_dim3A = vector.shape_cast %reduce_sum3A_20 : vector<16xf32> to vector<16x1xf32>
      %convert_element_type3A_21 = arith.fptosi %broadcast_in_dim3A : vector<16x1xf32> to vector<16x1xi32>
      %get3A_22 = arith.constant 0 : index
      %get3A_23 = arith.constant 0 : index
      %get3A_24 = vector.load %arg10[%get3A_22, %get3A_23] : memref<16x128xi32, #tpu.memory_space<vmem>>, vector<16x1xi32>
      %get3A_25 = arith.constant 0 : index
      %get3A_26 = arith.constant 1 : index
      %get3A_27 = vector.load %arg10[%get3A_25, %get3A_26] : memref<16x128xi32, #tpu.memory_space<vmem>>, vector<16x1xi32>
      %get3A_28 = arith.constant 0 : index
      %get3A_29 = arith.constant 0 : index
      %get3A_30 = vector.load %arg6[%get3A_28, %get3A_29] : memref<512x512xf32, #tpu.memory_space<vmem>>, vector<512x512xf32>
      %dot_general3A = arith.constant dense<0.000000e+00> : vector<16x512xf32>
      %dot_general3A_31 = tpu.matmul %convert_element_type3A_19, %get3A_30, %dot_general3A {dimension_numbers = #tpu.dot_dimension_numbers<[1], [0], [0], [1], [0, 0, 1, 1], [], []>, transpose_lhs_hint = false} : vector<16x512xf32>, vector<512x512xf32>, vector<16x512xf32> -> vector<16x512xf32>
      %add3A = arith.addi %get3A_27, %get3A_24 : vector<16x1xi32>
      %convert_element_type3A_32 = arith.sitofp %add3A : vector<16x1xi32> to vector<16x1xf32>
      %add3A_33 = vector.broadcast %convert_element_type3A_32 : vector<16x1xf32> to vector<16x512xf32>
      %add3A_34 = arith.addf %add3A_33, %dot_general3A_31 : vector<16x512xf32>
      %mul3A = arith.mulf %convert_element_type3A_19, %add3A_34 : vector<16x512xf32>
      %reduce_sum3A_35 = arith.constant dense<0.000000e+00> : vector<512xf32>
      %reduce_sum3A_36 = vector.multi_reduction <add>, %mul3A, %reduce_sum3A_35 [0] : vector<16x512xf32> to vector<512xf32>
      %broadcast_in_dim3A_37 = vector.shape_cast %reduce_sum3A_36 : vector<512xf32> to vector<1x512xf32>
      %convert_element_type3A_38 = arith.fptosi %broadcast_in_dim3A_37 : vector<1x512xf32> to vector<1x512xi32>
      %squeeze3A = vector.shape_cast %convert_element_type3A_38 : vector<1x512xi32> to vector<512xi32>
      %swap3A = arith.constant 0 : index
      %swap3A_39 = arith.constant 0 : index
      %swap3A_40 = arith.constant 0 : index
      %swap3A_41 = vector.load %arg7[%swap3A, %swap3A_39, %swap3A_40] : memref<1x1x512xi32, #tpu.memory_space<vmem>>, vector<1x1x512xi32>
      %swap3A_42 = vector.shape_cast %swap3A_41 : vector<1x1x512xi32> to vector<512xi32>
      %swap3A_43 = vector.shape_cast %squeeze3A : vector<512xi32> to vector<1x1x512xi32>
      tpu.vector_store %arg7[%swap3A, %swap3A_39, %swap3A_40], %swap3A_43 {strides = array<i32>} : memref<1x1x512xi32, #tpu.memory_space<vmem>>, vector<1x1x512xi32>,
      %add3A_44 = arith.addi %get3A_24, %convert_element_type3A_21 : vector<16x1xi32>
      %swap3A_45 = arith.constant 0 : index
      %swap3A_46 = arith.constant 0 : index
      %swap3A_47 = vector.load %arg10[%swap3A_45, %swap3A_46] : memref<16x128xi32, #tpu.memory_space<vmem>>, vector<16x1xi32>
      tpu.vector_store %arg10[%swap3A_45, %swap3A_46], %add3A_44 {strides = array<i32>} : memref<16x128xi32, #tpu.memory_space<vmem>>, vector<16x1xi32>,
    } else {
    }
    return
  }
  func.func @transform_0(%arg0: i32, %arg1: i32) -> (i32, i32) {
    %eq3A = arith.constant 0 : i32
    %eq3A_0 = arith.cmpi eq, %arg0, %eq3A : i32
    %jit3A = arith.constant 0 : i32
    %select_n3A = arith.select %eq3A_0, %arg1, %jit3A : i32
    %c0_i32 = arith.constant 0 : i32
    %c0_i32_1 = arith.constant 0 : i32
    return %select_n3A, %c0_i32 : i32, i32
  }
  func.func @transform_1(%arg0: i32, %arg1: i32) -> (i32, i32) {
    %c0_i32 = arith.constant 0 : i32
    %c0_i32_0 = arith.constant 0 : i32
    %c0_i32_1 = arith.constant 0 : i32
    return %c0_i32, %c0_i32_0 : i32, i32
  }
  func.func @transform_2(%arg0: i32, %arg1: i32) -> (i32, i32) {
    %c0_i32 = arith.constant 0 : i32
    %c0_i32_0 = arith.constant 0 : i32
    %c0_i32_1 = arith.constant 0 : i32
    return %c0_i32, %c0_i32_0 : i32, i32
  }
  func.func @transform_3(%arg0: i32, %arg1: i32) -> (i32, i32) {
    %c0_i32 = arith.constant 0 : i32
    %c0_i32_0 = arith.constant 0 : i32
    %c0_i32_1 = arith.constant 0 : i32
    return %c0_i32, %c0_i32_0 : i32, i32
  }
  func.func @transform_4(%arg0: i32, %arg1: i32) -> (i32, i32) {
    %c0_i32 = arith.constant 0 : i32
    %c0_i32_0 = arith.constant 0 : i32
    %c0_i32_1 = arith.constant 0 : i32
    return %c0_i32, %c0_i32_0 : i32, i32
  }
  func.func @transform_5(%arg0: i32, %arg1: i32) -> (i32, i32, i32) {
    %c0_i32 = arith.constant 0 : i32
    %c0_i32_0 = arith.constant 0 : i32
    %c0_i32_1 = arith.constant 0 : i32
    return %arg1, %c0_i32, %c0_i32_0 : i32, i32, i32
  }
  func.func @transform_6(%arg0: i32, %arg1: i32) -> (i32, i32, i32) {
    %c0_i32 = arith.constant 0 : i32
    %c0_i32_0 = arith.constant 0 : i32
    %c0_i32_1 = arith.constant 0 : i32
    %c0_i32_2 = arith.constant 0 : i32
    return %c0_i32, %c0_i32_0, %c0_i32_1 : i32, i32, i32
  }
}

module attributes {stable_mosaic.version = 14 : i64} {
  func.func @_mm_body(%arg0: i32, %arg1: memref<128xi32, #tpu.memory_space<smem>>, %arg2: memref<256x1024xf32, #tpu.memory_space<vmem>>, %arg3: memref<1x1024x1024xf32, #tpu.memory_space<vmem>>, %arg4: memref<1x1x1024xf32, #tpu.memory_space<vmem>>, %arg5: memref<256x1024xf32, #tpu.memory_space<vmem>>) attributes {dimension_semantics = [#tpu.dimension_semantics<arbitrary>], iteration_bounds = array<i64: 48>, scalar_prefetch = 1 : i64, scratch_operands = 0 : i64, tpu.core_type = #tpu.core_type<tc>, window_params = [{transform_indices = @transform_0, window_bounds = array<i64: 256, 1024>}, {transform_indices = @transform_1, window_bounds = array<i64: 1, 1024, 1024>}, {transform_indices = @transform_2, window_bounds = array<i64: 1, 1, 1024>}, {transform_indices = @transform_3, window_bounds = array<i64: 256, 1024>}]} {
    %get3A = arith.constant 0 : index
    %get3A_0 = arith.constant 0 : index
    %get3A_1 = vector.load %arg2[%get3A, %get3A_0] : memref<256x1024xf32, #tpu.memory_space<vmem>>, vector<256x1024xf32>
    %get3A_2 = arith.constant 0 : index
    %get3A_3 = arith.constant 0 : index
    %get3A_4 = arith.constant 0 : index
    %get3A_5 = vector.load %arg3[%get3A_2, %get3A_3, %get3A_4] : memref<1x1024x1024xf32, #tpu.memory_space<vmem>>, vector<1x1024x1024xf32>
    %get3A_6 = vector.shape_cast %get3A_5 : vector<1x1024x1024xf32> to vector<1024x1024xf32>
    %dot_general3A = arith.constant dense<0.000000e+00> : vector<256x1024xf32>
    %dot_general3A_7 = tpu.matmul %get3A_1, %get3A_6, %dot_general3A {dimension_numbers = #tpu.dot_dimension_numbers<[1], [0], [0], [1], [0, 0, 1, 1], [], []>, transpose_lhs_hint = false} : vector<256x1024xf32>, vector<1024x1024xf32>, vector<256x1024xf32> -> vector<256x1024xf32>
    %get3A_8 = arith.constant 0 : index
    %get3A_9 = arith.constant 0 : index
    %get3A_10 = arith.constant 0 : index
    %get3A_11 = vector.load %arg4[%get3A_8, %get3A_9, %get3A_10] : memref<1x1x1024xf32, #tpu.memory_space<vmem>>, vector<1x1x1024xf32>
    %get3A_12 = vector.shape_cast %get3A_11 : vector<1x1x1024xf32> to vector<1x1024xf32>
    %add3A = vector.broadcast %get3A_12 : vector<1x1024xf32> to vector<256x1024xf32>
    %add3A_13 = arith.addf %dot_general3A_7, %add3A : vector<256x1024xf32>
    %swap3A = arith.constant 0 : index
    %swap3A_14 = arith.constant 0 : index
    %swap3A_15 = vector.load %arg5[%swap3A, %swap3A_14] : memref<256x1024xf32, #tpu.memory_space<vmem>>, vector<256x1024xf32>
    tpu.vector_store %arg5[%swap3A, %swap3A_14], %add3A_13 {strides = array<i32>} : memref<256x1024xf32, #tpu.memory_space<vmem>>, vector<256x1024xf32>,
    return
  }
  func.func @transform_0(%arg0: i32, %arg1: memref<128xi32, #tpu.memory_space<smem>>) -> (i32, i32) {
    %c0_i32 = arith.constant 0 : i32
    %c0_i32_0 = arith.constant 0 : i32
    return %arg0, %c0_i32 : i32, i32
  }
  func.func @transform_1(%arg0: i32, %arg1: memref<128xi32, #tpu.memory_space<smem>>) -> (i32, i32, i32) {
    %get3A = arith.index_cast %arg0 : i32 to index
    %get3A_0 = memref.load %arg1[%get3A] : memref<128xi32, #tpu.memory_space<smem>>
    %c0_i32 = arith.constant 0 : i32
    %c0_i32_1 = arith.constant 0 : i32
    %c0_i32_2 = arith.constant 0 : i32
    return %get3A_0, %c0_i32, %c0_i32_1 : i32, i32, i32
  }
  func.func @transform_2(%arg0: i32, %arg1: memref<128xi32, #tpu.memory_space<smem>>) -> (i32, i32, i32) {
    %get3A = arith.index_cast %arg0 : i32 to index
    %get3A_0 = memref.load %arg1[%get3A] : memref<128xi32, #tpu.memory_space<smem>>
    %c0_i32 = arith.constant 0 : i32
    %c0_i32_1 = arith.constant 0 : i32
    %c0_i32_2 = arith.constant 0 : i32
    return %get3A_0, %c0_i32, %c0_i32_1 : i32, i32, i32
  }
  func.func @transform_3(%arg0: i32, %arg1: memref<128xi32, #tpu.memory_space<smem>>) -> (i32, i32) {
    %c0_i32 = arith.constant 0 : i32
    %c0_i32_0 = arith.constant 0 : i32
    return %arg0, %c0_i32 : i32, i32
  }
}

</mosaic_0001>

<sc_bundles>
// kernel: kernel.6.cloned.1.call-start
scs
__scs_entry_jumppad:
0x0: {  	(pc) =	sbr.rel $0x88, $3  }
0x1: {  	(tag) =	ssettag $0x0;
	lr =	simm.s32 $0x1  }
0x2: {  	[smem:$0x3F9B] =	sst lr;
	_ =	strace $0xD0000000  }
0x3: {  	_ = 	snop  }
0x4: {  	_ = 	snop  }
0x5: {  	_ = 	snop  }
0x6: {  	_ = 	snop  }
0x7: {  	_ = 	snop  }
__scs_overlays_trampoline_lowered:
0x8: {  	[smem:$0x3FAA] =	sst s0  }
0x9: {  	[smem:$0x3FAB] =	sst s1  }
0xa: {  	[smem:$0x3FAC] =	sst s2  }
0xb: {  	[smem:$0x3FAD] =	sst s3  }
0xc: {  	[smem:$0x3FAE] =	sst s4  }
0xd: {  	[smem:$0x3FAF] =	sst s5  }
0xe: {  	[smem:$0x3FB0] =	sst s6  }
0xf: {  	[smem:$0x3FB1] =	sst s7  }
0x10: {  	[smem:$0x3FB2] =	sst s8  }
0x11: {  	[smem:$0x3FB3] =	sst s9;
	s0 =	simm.s32 @!p0 $0x0  }
0x12: {  	s1 =	sld [smem:$0x3F99];
	s0 =	simm.s32 @p0 $0x1  }
0x13: {  	[smem:$0x3FB4] =	sst s0;
	s0 =	simm.s32 @!p1 $0x0  }
0x14: {  	s2 =	sld [smem:$0x3F98];
	s0 =	simm.s32 @p1 $0x1  }
0x15: {  	[smem:$0x3FB5] =	sst s0;
	s0 =	simm.s32 @!p2 $0x0  }
0x16: {  	s3 =	sld [smem:$0x3FDB];
	s0 =	simm.s32 @p2 $0x1  }
0x17: {  	s4 =	simm.s32 $0x1BF5;
	[smem:$0x3FB7] =	sst s0  }
0x18: {  	s0 =	sld [smem:$0x3F9A];
	_ =	swait.ge [sflag:s4], $0x0  }
0x19: {  	s7 =	sld [smem:$0x3F9B]  }
0x1a: {  	s8 =	sadd.s32 $0xFFFFE003, lr  }
0x1b: {  	s9 =	sadd.s32 $0xFFFFFEF7, lr;
	s5 =	simm.s32 $0xFFFFFFFF;
	p2 =	slt.u32 s8, $0xFFFFF086  }
0x1c: {  	p1 =	slt.u32 s9, $0xF7A;
	s5 =	simm.s32 @!p2 $0x0  }
0x1d: {  	s5 =	simm.s32 @p1 $0x1;
	p0 =	seq.s32 s7, s2  }
0x1e: {  	s7 =	smul.u32 @!p0 $0xF7A, s2;
	p2 =	seq.s32 @!p0 s5, $0x0  }
0x1f: {  	s9 =	smul.u32 $0xF7A, s1;
	s8 =	simm.s32 @!p0 $0x1BF5;
	p2 =	por !p2, p0  }
0x20: {  	[sflag:s8] =	ssyncset.s32 @!p0 $0xFFFFF086;
	s6 =	sadd.s32 @!p0 s3, s7;
	s7 =	simm.s32 @!p0 $0x108  }
0x21: {  	s3 =	sadd.s32 s3, s9;
	s6 =	sadd.s32 @!p0 $0x88, s6;
	s7 =	simm.s32 @p2 $0x1082  }
0x22: {  	[simem:s7], [sflag:s8] =	dma.local @!p0 [hbm:s6], $0xF7A  }
0x23: {  	s9 =	sor.u32 $0xD0000000, s2;
	s6 =	simm.s32 $0x108;
	_ =	swait.ge @!p0 [sflag:s8], $0x0  }
0x24: {  	s3 =	sadd.s32 $0x88, s3;
	s6 =	simm.s32 @!p1 $0x1082;
	[sflag:s4] =	ssyncset.s32 $0xFFFFF086  }
0x25: {  	[simem:s6], [sflag:s4] =	dma.local [hbm:s3], $0xF7A  }
0x26: {  	[smem:$0x3F9B] =	sst s1;
	(tag) =	ssettag s2;
	_ =	strace s9  }
0x27: {  	s1 =	sld [smem:$0x3FAB]  }
0x28: {  	s2 =	sld [smem:$0x3FAC]  }
0x29: {  	s4 =	sld [smem:$0x3FAE]  }
0x2a: {  	p0 =	seq.s32 s5, $0x0;
	s5 =	sld [smem:$0x3FAF]  }
0x2b: {  	s6 =	sld [smem:$0x3FB0]  }
0x2c: {  	s7 =	sld [smem:$0x3FB1]  }
0x2d: {  	s3 =	simm.s32 $0x108;
	s8 =	sld [smem:$0x3FB2]  }
0x2e: {  	s3 =	simm.s32 @!p0 $0x1082;
	s9 =	sld [smem:$0x3FB3]  }
0x2f: {  	lr =	sadd.s32 s0, s3;
	s0 =	sld [smem:$0x3FAA]  }
0x30: {  	s3 =	sld [smem:$0x3FAD]  }
0x31: {  	[smem:$0x3FB6] =	sst s10  }
0x32: {  	s10 =	sld [smem:$0x3FB4];
	_ =	sdelay $0x3  }
0x33: {  	p0 =	seq.s32 s10, $0x1;
	s10 =	sld [smem:$0x3FB6];
	_ =	sdelay $0x3  }
0x34: {  	[smem:$0x3FB6] =	sst s10  }
0x35: {  	s10 =	sld [smem:$0x3FB5];
	_ =	sdelay $0x3  }
0x36: {  	p1 =	seq.s32 s10, $0x1;
	s10 =	sld [smem:$0x3FB6];
	_ =	sdelay $0x3  }
0x37: {  	[smem:$0x3FB6] =	sst s10  }
0x38: {  	s10 =	sld [smem:$0x3FB7]  }
0x39: {  	_ = 	snop;
	(pc) =	sbr.ind lr, $3  }
0x3a: {  	_ = 	snop  }
0x3b: {  	_ = 	snop  }
0x3c: {  	p2 =	seq.s32 s10, $0x1;
	s10 =	sld [smem:$0x3FB6]  }
0x3d: {  	_ =	shalt  }
0x3e: {  	_ =	shalt  }
0x3f: {  	_ =	shalt  }
0x40: {  	_ =	shalt  }
0x41: {  	_ =	shalt  }
0x42: {  	_ =	shalt  }
0x43: {  	_ =	shalt  }
0x44: {  	_ =	shalt  }
0x45: {  	_ =	shalt  }
0x46: {  	_ =	shalt  }
0x47: {  	_ =	shalt  }
0x48: {  	_ =	shalt  }
0x49: {  	_ =	shalt  }
0x4a: {  	_ =	shalt  }
0x4b: {  	_ =	shalt  }
0x4c: {  	_ =	shalt  }
0x4d: {  	_ =	shalt  }
0x4e: {  	_ =	shalt  }
0x4f: {  	_ =	shalt  }
0x50: {  	_ =	shalt  }
0x51: {  	_ =	shalt  }
0x52: {  	_ =	shalt  }
0x53: {  	_ =	shalt  }
0x54: {  	_ =	shalt  }
0x55: {  	_ =	shalt  }
0x56: {  	_ =	shalt  }
0x57: {  	_ =	shalt  }
0x58: {  	_ =	shalt  }
0x59: {  	_ =	shalt  }
0x5a: {  	_ =	shalt  }
0x5b: {  	_ =	shalt  }
0x5c: {  	_ =	shalt  }
0x5d: {  	_ =	shalt  }
0x5e: {  	_ =	shalt  }
0x5f: {  	_ =	shalt  }
0x60: {  	_ =	shalt  }
0x61: {  	_ =	shalt  }
0x62: {  	_ =	shalt  }
0x63: {  	_ =	shalt  }
0x64: {  	_ =	shalt  }
0x65: {  	_ =	shalt  }
0x66: {  	_ =	shalt  }
0x67: {  	_ =	shalt  }
0x68: {  	_ =	shalt  }
0x69: {  	_ =	shalt  }
0x6a: {  	_ =	shalt  }
0x6b: {  	_ =	shalt  }
0x6c: {  	_ =	shalt  }
0x6d: {  	_ =	shalt  }
0x6e: {  	_ =	shalt  }
0x6f: {  	_ =	shalt  }
0x70: {  	_ =	shalt  }
0x71: {  	_ =	shalt  }
0x72: {  	_ =	shalt  }
0x73: {  	_ =	shalt  }
0x74: {  	_ =	shalt  }
0x75: {  	_ =	shalt  }
0x76: {  	_ =	shalt  }
0x77: {  	_ =	shalt  }
0x78: {  	_ =	shalt  }
0x79: {  	_ =	shalt  }
0x7a: {  	_ =	shalt  }
0x7b: {  	_ =	shalt  }
0x7c: {  	_ =	shalt  }
0x7d: {  	_ =	shalt  }
0x7e: {  	_ =	shalt  }
0x7f: {  	_ =	shalt  }
0x80: {  	_ =	shalt  }
0x81: {  	_ =	shalt  }
0x82: {  	_ =	shalt  }
0x83: {  	_ =	shalt  }
0x84: {  	_ =	shalt  }
0x85: {  	_ =	shalt  }
0x86: {  	_ =	shalt  }
0x87: {  	_ =	shalt  }
.Lfunc_end0:
.L_simem_size_0:
called_computation_lowered:
.L_overlay_start_0:
0x88: {  	s2 =	sld [smem:$0x3FD9]  }
0x89: {  	s3 =	sld [smem:$0x3FFE];
	_ =	sdelay $0x1  }
0x8a: {  	s1 =	srdreg.scid  }
0x8b: {  	s0 =	sand.u32 $0x1, s1  }
0x8c: {  	s17 =	sshll.u32 s0, $0xA;
	s2 =	sadd.s32 s3, s2  }
0x8d: {  	s2 =	sadd.s32 s2, s17  }
0x8e: {  	[smem:$0x3FC2] =	sst s2  }
0x8f: {  	_ = 	snop  }
0x90: {  	s2 =	sld [smem:$0x3FC9];
	(tm) =	ssettm $0x1  }
0x91: {  	s18 =	sld [smem:$0x3FFB];
	_ =	sdelay $0x3  }
0x92: {  	_ =	strace s18  }
0x93: {  	s3 =	sld [smem:$0x3FFC];
	_ =	sdelay $0x3  }
0x94: {  	_ =	strace s3  }
0x95: {  	s3 =	sld [smem:$0x3FFD];
	_ =	sdelay $0x3  }
0x96: {  	_ =	strace s3  }
0x97: {  	_ =	strace $0x8FFFFFFF  }
0x98: {  	s19 =	sld [smem:$0x3FDB];
	_ =	sdelay $0x1  }
0x99: {  	s4 =	simm.s32 $_scs_section_size  }
0x9a: {  	s5 =	simm.s32 $_size__tile_overlayer_lowered;
	s6 =	simm.s32 $_tile_overlayer_lowered  }
0x9b: {  	s22 =	simm.s32 $0x1BFF;
	s21 =	sshll.u32 s6, $0x1;
	s3 =	sadd.s32 s4, s19  }
0x9c: {  	s7 =	simm.s32 $0x0;
	s20 =	sshll.u32 s5, $0x1;
	s5 =	sadd.s32 s21, s3  }
0x9d: {  	[timem:s7], [sflag:s22] =	dma.local [hbm:s5], s20  }
0x9e: {  	_ =	swait.ge [sflag:s22], s20  }
0x9f: {  	s4 =	ssub.s32 $0x0, s20;
	[sflag:s22] =	ssyncset.done $0x0  }
0xa0: {  	[sflag:s22] =	ssyncadd.s32 s4;
	_ =	sdelay $0x1  }
0xa1: {  	s23 =	simm.s32 $0x1B8B  }
0xa2: {  	_ =	swait.ge [sflag:s23], $0x1  }
0xa3: {  	[sflag:s23] =	ssyncset.done $0x0  }
0xa4: {  	s25 =	simm.s32 $0x1B8E;
	s24 =	sld [smem:$0x3FFE];
	[sflag:s23] =	ssyncadd.s32 $0xFFFFFFFF  }
0xa5: {  	s26 =	simm.s32 $execute0_lowered;
	[smem:$0x3FD2] =	sst s25  }
0xa6: {  	s5 =	sshll.u32 s26, $0x1;
	_ =	strace $0x80000046;
	[dreg:$0x1] =	wrdreg $0xFFFFFFFF  }
0xa7: {  	s28 =	simm.s32 $_size_execute0_lowered;
	s3 =	sadd.s32 s3, s5;
	[dreg:$0x0] =	wrdreg $0x0  }
0xa8: {  	s5 =	sshll.u32 s28, $0x1;
	[dreg:$0x2] =	wrdreg s3  }
0xa9: {  	[dreg:$0x3] =	wrdreg s5  }
0xaa: {  	[dreg:$0x4] =	wrdreg $0xC0  }
0xab: {  	_ =	task [dreg:s7], $0x5FFFF  }
0xac: {  	[dreg:$0x1] =	wrdreg $0xFFFFFFFF  }
0xad: {  	[dreg:$0x0] =	wrdreg $0x60  }
0xae: {  	[dreg:$0x2] =	wrdreg s2  }
0xaf: {  	[dreg:$0x3] =	wrdreg s24  }
0xb0: {  	[dreg:$0x4] =	wrdreg $0x9  }
0xb1: {  	_ =	task.clear_ibuf [dreg:s7], $0x5FFFF;
	_ =	strace $0x90000046  }
0xb2: {  	s29 =	simm.s32 $0x9;
	_ =	strace $0x80000048  }
0xb3: {  	_ =	swait.ge [sflag:s29], $0x1  }
0xb4: {  	[sflag:s29] =	ssyncadd.s32 $0xFFFFFFFF  }
0xb5: {  	_ =	strace $0x90000048  }
0xb6: {  	_ =	sfence  }
0xb7: {  	s30 =	sld [smem:$0x0];
	_ =	sdelay $0x2  }
0xb8: {  	s31 =	sshll.u32 s1, $0xD;
	s1 =	sshrl.u32 s1, $0x2  }
0xb9: {  	s3 =	sand.u32 $0x4000, s31;
	s1 =	sadd.s32 s1, s30  }
0xba: {  	s0 =	sor.u32 s3, s0;
	s1 =	sshll.u32 s1, $0x11  }
0xbb: {  	s0 =	sor.u32 s1, s0  }
0xbc: {  	s0 =	sadd.s32 $0x8F2B, s0  }
0xbd: {  	[sflag:s0] =	ssyncadd.remote.s32 $0x1  }
0xbe: {  	_ =	sfence.sel $0xFFFF  }
0xbf: {  	[dreg:$0x0] =	wrdreg $0xFFFFFFFF;
	(pc) =	sbr.abs _section_cstart, $3  }
0xc0: {  	[dreg:$0x1] =	wrdreg $0xFFFFFFFF  }
0xc1: {  	_ =	task.clear_ibuf [dreg:s7], $0x2FFFF;
	_ =	strace $0x9FFFFFFF  }
0xc2: {  	(tm) =	ssettm $0x7FFFFFFF  }
0xc3: {  	_ =	shalt  }
tec
execute0_lowered:
.L_overlay_start_1:
0x0: {  	(tag) =	ssettag $0x1  }
0x1: {  	s1 =	rddreg [dreg:$0x0]  }
0x2: {  	s0 =	rddreg [dreg:$0x1]  }
0x3: {  	s2 =	srdreg.scid;
	s3 =	stileid.u32;
	s30 =	simm.s32 $0x3  }
0x4: {  	s29 =	simm.s32 $0x2;
	s28 =	simm.s32 $0x17C00;
	s4 =	sand.u32 $0x1, s2  }
0x5: {  	s2 =	simm.s32 $0x0;
	s3 =	sshll.u32 s3, $0x9;
	s5 =	sshll.u32 s4, $0x8  }
0x6: {  	s31 =	sadd.s32 $0x1000, s0;
	[smem:$0x7FF] =	sst s2;
	s3 =	sor.u32 s5, s3  }
0x7: {  	s4 =	ssub.s32 $0x2, s4;
	_ =	strace $0x80000047;
	s6 =	sshrl.u32 s3, $0x3  }
0x8: {  	s7 =	sor.u32 $0x20, s3;
	s16 =	sor.u32 $0x40, s3;
	s9 =	sor.u32 $0x60, s3  }
0x9: {  	s11 =	sor.u32 $0x80, s3;
	s21 =	sor.u32 $0xA0, s3;
	s12 =	sor.u32 $0xC0, s3  }
0xa: {  	s14 =	sor.u32 $0xE0, s3;
	s3 =	sshll.u32 s3, $0x7;
	s6 =	sadd.s32 s31, s6  }
0xb: {  	s8 =	sshrl.u32 s7, $0x3;
	s17 =	sshrl.u32 s16, $0x3;
	s10 =	sshrl.u32 s9, $0x3  }
0xc: {  	s19 =	sshrl.u32 s11, $0x3;
	s22 =	sshrl.u32 s21, $0x3;
	s13 =	sshrl.u32 s12, $0x3  }
0xd: {  	s24 =	sshrl.u32 s14, $0x3;
	s3 =	sadd.s32 s1, s3;
	s25 =	sshll.u32 s7, $0x7  }
0xe: {  	s7 =	sshll.u32 s9, $0x7;
	s9 =	sshll.u32 s11, $0x7;
	[dreg:$0x3] =	wrdreg s6  }
0xf: {  	s15 =	sadd.s32 s31, s8;
	s6 =	sadd.s32 s31, s17;
	[dreg:$0xb] =	wrdreg s3  }
0x10: {  	s18 =	sadd.s32 s31, s10;
	s20 =	sadd.s32 s31, s19;
	[dreg:$0x4] =	wrdreg s15  }
0x11: {  	s23 =	sadd.s32 s31, s13;
	s5 =	sadd.s32 s31, s24;
	[dreg:$0x5] =	wrdreg s6  }
0x12: {  	s26 =	sadd.s32 s1, s25;
	s8 =	sadd.s32 s1, s7;
	[dreg:$0x6] =	wrdreg s18  }
0x13: {  	s11 =	sadd.s32 s1, s9;
	s13 =	sshll.u32 s21, $0x7;
	[dreg:$0x7] =	wrdreg s20  }
0x14: {  	s3 =	sadd.s32 $0x1400, s0;
	s19 =	simm.s32 $0x80;
	[dreg:$0x9] =	wrdreg s23  }
0x15: {  	s21 =	sshrl.u32 s4, $0x1;
	s24 =	simm.s32 $0x200;
	[dreg:$0xa] =	wrdreg s5  }
0x16: {  	s25 =	simm.s32 $0x280;
	s10 =	simm.s32 $0x400;
	[dreg:$0xc] =	wrdreg s26  }
0x17: {  	s9 =	simm.s32 $0x10400;
	s6 =	sadd.s32 s31, s22;
	[dreg:$0xe] =	wrdreg s8  }
0x18: {  	s31 =	sshll.u32 s16, $0x7;
	[dreg:$0xf] =	wrdreg s11;
	s15 =	sadd.s32 s1, s13  }
0x19: {  	s16 =	sshll.u32 s12, $0x7;
	s18 =	sshll.u32 s14, $0x7;
	[dreg:$0x13] =	wrdreg s19  }
0x1a: {  	s20 =	simm.s32 $0x100;
	s22 =	simm.s32 $0x180;
	s23 =	ssub.s32 s4, s21  }
0x1b: {  	s4 =	sadd.s32 $0x1500, s0;
	[dreg:$0x16] =	wrdreg s24;
	s5 =	sadd.s32 $0x1600, s0  }
0x1c: {  	[dreg:$0x17] =	wrdreg s25;
	s26 =	simm.s32 $0x300;
	s8 =	simm.s32 $0x1  }
0x1d: {  	s12 =	simm.s32 $0x5;
	s25 =	simm.s32 $0x6;
	[dreg:$0x8] =	wrdreg s6  }
0x1e: {  	s14 =	simm.s32 $0x12400;
	s19 =	simm.s32 $0x14C00;
	[dreg:$0x10] =	wrdreg s15  }
0x1f: {  	s21 =	simm.s32 $0x15C00;
	s24 =	simm.s32 $0x17400;
	[dreg:$0x14] =	wrdreg s20  }
0x20: {  	s11 =	simm.s32 $0x7;
	s6 =	sadd.s32 s1, s31;
	[dreg:$0x15] =	wrdreg s22  }
0x21: {  	s17 =	sadd.s32 s1, s16;
	s1 =	sadd.s32 s1, s18;
	[dreg:$0x18] =	wrdreg s26  }
0x22: {  	s31 =	simm.s32 $0x380;
	s7 =	smax.u32 s23, $0x1;
	s26 =	simm.s32 $0x8400  }
0x23: {  	s15 =	simm.s32 $0x12C00;
	s16 =	simm.s32 $0x13400;
	[dreg:$0xd] =	wrdreg s6  }
0x24: {  	v2 =	vlaneseq.u32;
	s18 =	simm.s32 $0x14400;
	s20 =	simm.s32 $0x15400;
	[dreg:$0x11] =	wrdreg s17  }
0x25: {  	vm0 =	vmmov $0xffff;
	v1 =	vshrl.u32 v2, $0x3;
	s22 =	simm.s32 $0x16400;
	s23 =	simm.s32 $0x16C00;
	[dreg:$0x12] =	wrdreg s1  }
0x26: {  	v0 =	vand.u32 $0x7, v2;
	v2 =	vor.u32 $0x8, v2;
	v1 =	vmul.u32 $0x8, v1;
	s6 =	sadd.s32 $0x1700, s0;
	[dreg:$0x19] =	wrdreg s31;
	s17 =	simm.s32 $0x13C00  }
.LBB2_1:
0x27: {  	s31 =	rddreg [dreg:$0x3]  }
0x28: {  	s0 =	rddreg [dreg:$0x4]  }
0x29: {  	s1 =	rddreg [dreg:$0x13]  }
0x2a: {  	s13 =	rddreg [dreg:$0x15]  }
0x2b: {  	[tilespmem:s2], [sflag:$0x1] =	stream.linear.gather [hbm4b:s31+s2], $0x20, $0x38;
	[tilespmem:$0x18400] =	vst v63  }
0x2c: {  	s31 =	rddreg [dreg:$0x6]  }
0x2d: {  	[tilespmem:s1], [sflag:$0x1] =	stream.linear.gather [hbm4b:s0+s2], $0x20, $0x38;
	[tilespmem:$0x18400] =	vst v63  }
0x2e: {  	s0 =	rddreg [dreg:$0x5]  }
0x2f: {  	s1 =	rddreg [dreg:$0x14]  }
0x30: {  	[tilespmem:s1], [sflag:$0x1] =	stream.linear.gather [hbm4b:s0+s2], $0x20, $0x38;
	[tilespmem:$0x18400] =	vst v63  }
0x31: {  	s0 =	rddreg [dreg:$0x7]  }
0x32: {  	s1 =	rddreg [dreg:$0x16]  }
0x33: {  	[tilespmem:s13], [sflag:$0x1] =	stream.linear.gather [hbm4b:s31+s2], $0x20, $0x38;
	[tilespmem:$0x18400] =	vst v63  }
0x34: {  	s13 =	rddreg [dreg:$0x8]  }
0x35: {  	s31 =	rddreg [dreg:$0x17]  }
0x36: {  	[tilespmem:s1], [sflag:$0x1] =	stream.linear.gather [hbm4b:s0+s2], $0x20, $0x38;
	[tilespmem:$0x18400] =	vst v63  }
0x37: {  	s0 =	rddreg [dreg:$0x9]  }
0x38: {  	s1 =	rddreg [dreg:$0x18]  }
0x39: {  	[tilespmem:s31], [sflag:$0x1] =	stream.linear.gather [hbm4b:s13+s2], $0x20, $0x38;
	[tilespmem:$0x18400] =	vst v63  }
0x3a: {  	s13 =	rddreg [dreg:$0xa]  }
0x3b: {  	[tilespmem:s1], [sflag:$0x1] =	stream.linear.gather [hbm4b:s0+s2], $0x20, $0x38;
	[tilespmem:$0x18400] =	vst v63  }
0x3c: {  	s31 =	rddreg [dreg:$0x19]  }
0x3d: {  	[tilespmem:s31], [sflag:$0x1] =	stream.linear.gather [hbm4b:s13+s2], $0x20, $0x38;
	[tilespmem:$0x18400] =	vst v63  }
0x3e: {  	_ =	swait.ge [sflag:s8], $0x20  }
0x3f: {  	[sflag:s8] =	ssyncset.done $0x0  }
0x40: {  	[sflag:s8] =	ssyncadd.s32 $0xFFFFFFE0  }
0x41: {  	_ =	swait.ge [sflag:s8], $0x20  }
0x42: {  	[sflag:s8] =	ssyncset.done $0x0  }
0x43: {  	[sflag:s8] =	ssyncadd.s32 $0xFFFFFFE0  }
0x44: {  	_ =	swait.ge [sflag:s8], $0x20  }
0x45: {  	[sflag:s8] =	ssyncset.done $0x0  }
0x46: {  	[sflag:s8] =	ssyncadd.s32 $0xFFFFFFE0  }
0x47: {  	_ =	swait.ge [sflag:s8], $0x20  }
0x48: {  	[sflag:s8] =	ssyncset.done $0x0  }
0x49: {  	[sflag:s8] =	ssyncadd.s32 $0xFFFFFFE0  }
0x4a: {  	_ =	swait.ge [sflag:s8], $0x20  }
0x4b: {  	[sflag:s8] =	ssyncset.done $0x0  }
0x4c: {  	[sflag:s8] =	ssyncadd.s32 $0xFFFFFFE0  }
0x4d: {  	_ =	swait.ge [sflag:s8], $0x20  }
0x4e: {  	[sflag:s8] =	ssyncset.done $0x0  }
0x4f: {  	[sflag:s8] =	ssyncadd.s32 $0xFFFFFFE0  }
0x50: {  	_ =	swait.ge [sflag:s8], $0x20  }
0x51: {  	[sflag:s8] =	ssyncset.done $0x0  }
0x52: {  	[sflag:s8] =	ssyncadd.s32 $0xFFFFFFE0  }
0x53: {  	_ =	swait.ge [sflag:s8], $0x20  }
0x54: {  	[sflag:s8] =	ssyncset.done $0x0  }
0x55: {  	s13 =	rddreg [dreg:$0xb];
	[sflag:s8] =	ssyncadd.s32 $0xFFFFFFE0  }
0x56: {  	[tilespmem:s10], [sflag:$0x2] =	stream.linear.gather [hbm4b:s13+s2], $0x8000, $0x38;
	[tilespmem:$0x18400] =	vst v63  }
0x57: {  	s31 =	rddreg [dreg:$0xc]  }
0x58: {  	[tilespmem:s26], [sflag:$0x3] =	stream.linear.gather [hbm4b:s31+s2], $0x8000, $0x38;
	[tilespmem:$0x18400] =	vst v63  }
0x59: {  	s13 =	rddreg [dreg:$0xd]  }
0x5a: {  	[tilespmem:s9], [sflag:$0x4] =	stream.linear.gather [hbm4b:s13+s2], $0x8000, $0x38;
	[tilespmem:$0x18400] =	vst v63  }
0x5b: {  	_ =	swait.ge [sflag:s29], $0x8000  }
0x5c: {  	[sflag:s29] =	ssyncset.done $0x0  }
0x5d: {  	[sflag:s29] =	ssyncadd.s32 $0xFFFF8000  }
0x5e: {  	v3 =	vld [tilespmem:$0x0];
	_ =	sdelay $0x4  }
0x5f: {  	v4 =	vshll.u32 v3, $0x3  }
0x60: {  	v3 =	vand.u32 $0x7, v3;
	v4 =	vand.u32 $0xFFFFFFC0, v4  }
0x61: {  	v3 =	vor.u32 v3, v4  }
0x62: {  	v4 =	vperm.xlane v3, v0;
	_ =	sdelay $0x1  }
0x63: {  	v4 =	vadd.s32 v1, v4;
	_ =	sdelay $0x4  }
0x64: {  	[hbm4b:s3+s2] =	stream.indirect_vreg.scatter [tilespmem:s10], [sflag:$0x5], $0x80, v4, vm0, $0xb8;
	[tilespmem:$0x18400] =	vst v63  }
0x65: {  	s31 =	simm.s32 $0xC00;
	v3 =	vperm.xlane v3, v2  }
0x66: {  	[hbm4b:s4+s2] =	stream.indirect_vreg.scatter [tilespmem:s31], [sflag:$0x5], $0x80, v4, vm0, $0xb8;
	[tilespmem:$0x18400] =	vst v63  }
0x67: {  	s1 =	simm.s32 $0x1400;
	v3 =	vadd.s32 v1, v3  }
0x68: {  	[hbm4b:s5+s2] =	stream.indirect_vreg.scatter [tilespmem:s1], [sflag:$0x5], $0x80, v4, vm0, $0xb8;
	[tilespmem:$0x18400] =	vst v63  }
0x69: {  	s13 =	simm.s32 $0x1C00  }
0x6a: {  	[hbm4b:s6+s2] =	stream.indirect_vreg.scatter [tilespmem:s13], [sflag:$0x5], $0x80, v4, vm0, $0xb8;
	[tilespmem:$0x18400] =	vst v63  }
0x6b: {  	s31 =	simm.s32 $0x2400  }
0x6c: {  	[hbm4b:s3+s2] =	stream.indirect_vreg.scatter [tilespmem:s31], [sflag:$0x5], $0x80, v3, vm0, $0xb8;
	[tilespmem:$0x18400] =	vst v63  }
0x6d: {  	s1 =	simm.s32 $0x2C00  }
0x6e: {  	[hbm4b:s4+s2] =	stream.indirect_vreg.scatter [tilespmem:s1], [sflag:$0x5], $0x80, v3, vm0, $0xb8;
	[tilespmem:$0x18400] =	vst v63  }
0x6f: {  	s13 =	simm.s32 $0x3400  }
0x70: {  	[hbm4b:s5+s2] =	stream.indirect_vreg.scatter [tilespmem:s13], [sflag:$0x5], $0x80, v3, vm0, $0xb8;
	[tilespmem:$0x18400] =	vst v63  }
0x71: {  	s31 =	simm.s32 $0x3C00  }
0x72: {  	[hbm4b:s6+s2] =	stream.indirect_vreg.scatter [tilespmem:s31], [sflag:$0x5], $0x80, v3, vm0, $0xb8;
	[tilespmem:$0x18400] =	vst v63  }
0x73: {  	v3 =	vld [tilespmem:$0x10];
	_ =	sdelay $0x4  }
0x74: {  	v49 =	vshll.u32 v3, $0x3  }
0x75: {  	v3 =	vand.u32 $0x7, v3;
	v4 =	vand.u32 $0xFFFFFFC0, v49  }
0x76: {  	v3 =	vor.u32 v3, v4  }
0x77: {  	v4 =	vperm.xlane v3, v0;
	_ =	sdelay $0x1  }
0x78: {  	v4 =	vadd.s32 v1, v4;
	_ =	sdelay $0x3  }
0x79: {  	s1 =	simm.s32 $0x4400  }
0x7a: {  	[hbm4b:s3+s2] =	stream.indirect_vreg.scatter [tilespmem:s1], [sflag:$0x5], $0x80, v4, vm0, $0xb8;
	[tilespmem:$0x18400] =	vst v63  }
0x7b: {  	s13 =	simm.s32 $0x4C00;
	v3 =	vperm.xlane v3, v2  }
0x7c: {  	[hbm4b:s4+s2] =	stream.indirect_vreg.scatter [tilespmem:s13], [sflag:$0x5], $0x80, v4, vm0, $0xb8;
	[tilespmem:$0x18400] =	vst v63  }
0x7d: {  	s31 =	simm.s32 $0x5400;
	v3 =	vadd.s32 v1, v3  }
0x7e: {  	[hbm4b:s5+s2] =	stream.indirect_vreg.scatter [tilespmem:s31], [sflag:$0x5], $0x80, v4, vm0, $0xb8;
	[tilespmem:$0x18400] =	vst v63  }
0x7f: {  	s1 =	simm.s32 $0x5C00  }
0x80: {  	[hbm4b:s6+s2] =	stream.indirect_vreg.scatter [tilespmem:s1], [sflag:$0x5], $0x80, v4, vm0, $0xb8;
	[tilespmem:$0x18400] =	vst v63  }
0x81: {  	s13 =	simm.s32 $0x6400  }
0x82: {  	[hbm4b:s3+s2] =	stream.indirect_vreg.scatter [tilespmem:s13], [sflag:$0x5], $0x80, v3, vm0, $0xb8;
	[tilespmem:$0x18400] =	vst v63  }
0x83: {  	s31 =	simm.s32 $0x6C00  }
0x84: {  	[hbm4b:s4+s2] =	stream.indirect_vreg.scatter [tilespmem:s31], [sflag:$0x5], $0x80, v3, vm0, $0xb8;
	[tilespmem:$0x18400] =	vst v63  }
0x85: {  	s1 =	simm.s32 $0x7400  }
0x86: {  	[hbm4b:s5+s2] =	stream.indirect_vreg.scatter [tilespmem:s1], [sflag:$0x5], $0x80, v3, vm0, $0xb8;
	[tilespmem:$0x18400] =	vst v63  }
0x87: {  	s13 =	simm.s32 $0x7C00  }
0x88: {  	[hbm4b:s6+s2] =	stream.indirect_vreg.scatter [tilespmem:s13], [sflag:$0x5], $0x80, v3, vm0, $0xb8;
	[tilespmem:$0x18400] =	vst v63  }
0x89: {  	_ =	swait.ge [sflag:s12], $0x8000  }
0x8a: {  	[sflag:s12] =	ssyncset.done $0x0  }
0x8b: {  	s31 =	rddreg [dreg:$0xe];
	[sflag:s12] =	ssyncadd.s32 $0xFFFF8000  }
0x8c: {  	[tilespmem:s10], [sflag:$0x2] =	stream.linear.gather [hbm4b:s31+s2], $0x8000, $0x38;
	[tilespmem:$0x18400] =	vst v63  }
0x8d: {  	_ =	swait.ge [sflag:s30], $0x8000  }
0x8e: {  	[sflag:s30] =	ssyncset.done $0x0  }
0x8f: {  	[sflag:s30] =	ssyncadd.s32 $0xFFFF8000  }
0x90: {  	v3 =	vld [tilespmem:$0x80];
	_ =	sdelay $0x4  }
0x91: {  	v50 =	vshll.u32 v3, $0x3  }
0x92: {  	v3 =	vand.u32 $0x7, v3;
	v4 =	vand.u32 $0xFFFFFFC0, v50  }
0x93: {  	v3 =	vor.u32 v3, v4  }
0x94: {  	v4 =	vperm.xlane v3, v0;
	_ =	sdelay $0x1  }
0x95: {  	v4 =	vadd.s32 v1, v4;
	_ =	sdelay $0x4  }
0x96: {  	[hbm4b:s3+s2] =	stream.indirect_vreg.scatter [tilespmem:s26], [sflag:$0x6], $0x80, v4, vm0, $0xb8;
	[tilespmem:$0x18400] =	vst v63  }
0x97: {  	s1 =	simm.s32 $0x8C00;
	v3 =	vperm.xlane v3, v2  }
0x98: {  	[hbm4b:s4+s2] =	stream.indirect_vreg.scatter [tilespmem:s1], [sflag:$0x6], $0x80, v4, vm0, $0xb8;
	[tilespmem:$0x18400] =	vst v63  }
0x99: {  	s13 =	simm.s32 $0x9400;
	v3 =	vadd.s32 v1, v3  }
0x9a: {  	[hbm4b:s5+s2] =	stream.indirect_vreg.scatter [tilespmem:s13], [sflag:$0x6], $0x80, v4, vm0, $0xb8;
	[tilespmem:$0x18400] =	vst v63  }
0x9b: {  	s31 =	simm.s32 $0x9C00  }
0x9c: {  	[hbm4b:s6+s2] =	stream.indirect_vreg.scatter [tilespmem:s31], [sflag:$0x6], $0x80, v4, vm0, $0xb8;
	[tilespmem:$0x18400] =	vst v63  }
0x9d: {  	s1 =	simm.s32 $0xA400  }
0x9e: {  	[hbm4b:s3+s2] =	stream.indirect_vreg.scatter [tilespmem:s1], [sflag:$0x6], $0x80, v3, vm0, $0xb8;
	[tilespmem:$0x18400] =	vst v63  }
0x9f: {  	s13 =	simm.s32 $0xAC00  }
0xa0: {  	[hbm4b:s4+s2] =	stream.indirect_vreg.scatter [tilespmem:s13], [sflag:$0x6], $0x80, v3, vm0, $0xb8;
	[tilespmem:$0x18400] =	vst v63  }
0xa1: {  	s31 =	simm.s32 $0xB400  }
0xa2: {  	[hbm4b:s5+s2] =	stream.indirect_vreg.scatter [tilespmem:s31], [sflag:$0x6], $0x80, v3, vm0, $0xb8;
	[tilespmem:$0x18400] =	vst v63  }
0xa3: {  	s1 =	simm.s32 $0xBC00  }
0xa4: {  	[hbm4b:s6+s2] =	stream.indirect_vreg.scatter [tilespmem:s1], [sflag:$0x6], $0x80, v3, vm0, $0xb8;
	[tilespmem:$0x18400] =	vst v63  }
0xa5: {  	v3 =	vld [tilespmem:$0x90];
	_ =	sdelay $0x4  }
0xa6: {  	v51 =	vshll.u32 v3, $0x3  }
0xa7: {  	v3 =	vand.u32 $0x7, v3;
	v4 =	vand.u32 $0xFFFFFFC0, v51  }
0xa8: {  	v3 =	vor.u32 v3, v4  }
0xa9: {  	v4 =	vperm.xlane v3, v0;
	_ =	sdelay $0x1  }
0xaa: {  	v4 =	vadd.s32 v1, v4;
	_ =	sdelay $0x3  }
0xab: {  	s13 =	simm.s32 $0xC400  }
0xac: {  	[hbm4b:s3+s2] =	stream.indirect_vreg.scatter [tilespmem:s13], [sflag:$0x6], $0x80, v4, vm0, $0xb8;
	[tilespmem:$0x18400] =	vst v63  }
0xad: {  	s31 =	simm.s32 $0xCC00;
	v3 =	vperm.xlane v3, v2  }
0xae: {  	[hbm4b:s4+s2] =	stream.indirect_vreg.scatter [tilespmem:s31], [sflag:$0x6], $0x80, v4, vm0, $0xb8;
	[tilespmem:$0x18400] =	vst v63  }
0xaf: {  	s1 =	simm.s32 $0xD400;
	v3 =	vadd.s32 v1, v3  }
0xb0: {  	[hbm4b:s5+s2] =	stream.indirect_vreg.scatter [tilespmem:s1], [sflag:$0x6], $0x80, v4, vm0, $0xb8;
	[tilespmem:$0x18400] =	vst v63  }
0xb1: {  	s13 =	simm.s32 $0xDC00  }
0xb2: {  	[hbm4b:s6+s2] =	stream.indirect_vreg.scatter [tilespmem:s13], [sflag:$0x6], $0x80, v4, vm0, $0xb8;
	[tilespmem:$0x18400] =	vst v63  }
0xb3: {  	s31 =	simm.s32 $0xE400  }
0xb4: {  	[hbm4b:s3+s2] =	stream.indirect_vreg.scatter [tilespmem:s31], [sflag:$0x6], $0x80, v3, vm0, $0xb8;
	[tilespmem:$0x18400] =	vst v63  }
0xb5: {  	s1 =	simm.s32 $0xEC00  }
0xb6: {  	[hbm4b:s4+s2] =	stream.indirect_vreg.scatter [tilespmem:s1], [sflag:$0x6], $0x80, v3, vm0, $0xb8;
	[tilespmem:$0x18400] =	vst v63  }
0xb7: {  	s13 =	simm.s32 $0xF400  }
0xb8: {  	[hbm4b:s5+s2] =	stream.indirect_vreg.scatter [tilespmem:s13], [sflag:$0x6], $0x80, v3, vm0, $0xb8;
	[tilespmem:$0x18400] =	vst v63  }
0xb9: {  	s31 =	simm.s32 $0xFC00  }
0xba: {  	[hbm4b:s6+s2] =	stream.indirect_vreg.scatter [tilespmem:s31], [sflag:$0x6], $0x80, v3, vm0, $0xb8;
	[tilespmem:$0x18400] =	vst v63  }
0xbb: {  	_ =	swait.ge [sflag:s25], $0x8000  }
0xbc: {  	[sflag:s25] =	ssyncset.done $0x0  }
0xbd: {  	s1 =	rddreg [dreg:$0xf];
	[sflag:s25] =	ssyncadd.s32 $0xFFFF8000  }
0xbe: {  	[tilespmem:s26], [sflag:$0x3] =	stream.linear.gather [hbm4b:s1+s2], $0x8000, $0x38;
	[tilespmem:$0x18400] =	vst v63  }
0xbf: {  	s1 =	simm.s32 $0x4  }
0xc0: {  	_ =	swait.ge [sflag:s1], $0x8000  }
0xc1: {  	[sflag:s1] =	ssyncset.done $0x0  }
0xc2: {  	[sflag:s1] =	ssyncadd.s32 $0xFFFF8000  }
0xc3: {  	v3 =	vld [tilespmem:$0x100];
	_ =	sdelay $0x4  }
0xc4: {  	v52 =	vshll.u32 v3, $0x3  }
0xc5: {  	v3 =	vand.u32 $0x7, v3;
	v4 =	vand.u32 $0xFFFFFFC0, v52  }
0xc6: {  	v3 =	vor.u32 v3, v4  }
0xc7: {  	v4 =	vperm.xlane v3, v0;
	_ =	sdelay $0x1  }
0xc8: {  	v4 =	vadd.s32 v1, v4;
	_ =	sdelay $0x4  }
0xc9: {  	[hbm4b:s3+s2] =	stream.indirect_vreg.scatter [tilespmem:s9], [sflag:$0x7], $0x80, v4, vm0, $0xb8;
	[tilespmem:$0x18400] =	vst v63  }
0xca: {  	s31 =	simm.s32 $0x10C00;
	v3 =	vperm.xlane v3, v2  }
0xcb: {  	[hbm4b:s4+s2] =	stream.indirect_vreg.scatter [tilespmem:s31], [sflag:$0x7], $0x80, v4, vm0, $0xb8;
	[tilespmem:$0x18400] =	vst v63  }
0xcc: {  	s13 =	simm.s32 $0x11400;
	v3 =	vadd.s32 v1, v3  }
0xcd: {  	[hbm4b:s5+s2] =	stream.indirect_vreg.scatter [tilespmem:s13], [sflag:$0x7], $0x80, v4, vm0, $0xb8;
	[tilespmem:$0x18400] =	vst v63  }
0xce: {  	s13 =	simm.s32 $0x11C00  }
0xcf: {  	[hbm4b:s6+s2] =	stream.indirect_vreg.scatter [tilespmem:s13], [sflag:$0x7], $0x80, v4, vm0, $0xb8;
	[tilespmem:$0x18400] =	vst v63  }
0xd0: {  	_ = 	snop  }
0xd1: {  	[hbm4b:s3+s2] =	stream.indirect_vreg.scatter [tilespmem:s14], [sflag:$0x7], $0x80, v3, vm0, $0xb8;
	[tilespmem:$0x18400] =	vst v63  }
0xd2: {  	_ = 	snop  }
0xd3: {  	[hbm4b:s4+s2] =	stream.indirect_vreg.scatter [tilespmem:s15], [sflag:$0x7], $0x80, v3, vm0, $0xb8;
	[tilespmem:$0x18400] =	vst v63  }
0xd4: {  	_ = 	snop  }
0xd5: {  	[hbm4b:s5+s2] =	stream.indirect_vreg.scatter [tilespmem:s16], [sflag:$0x7], $0x80, v3, vm0, $0xb8;
	[tilespmem:$0x18400] =	vst v63  }
0xd6: {  	_ = 	snop  }
0xd7: {  	[hbm4b:s6+s2] =	stream.indirect_vreg.scatter [tilespmem:s17], [sflag:$0x7], $0x80, v3, vm0, $0xb8;
	[tilespmem:$0x18400] =	vst v63  }
0xd8: {  	v3 =	vld [tilespmem:$0x110];
	_ =	sdelay $0x4  }
0xd9: {  	v53 =	vshll.u32 v3, $0x3  }
0xda: {  	v3 =	vand.u32 $0x7, v3;
	v4 =	vand.u32 $0xFFFFFFC0, v53  }
0xdb: {  	v3 =	vor.u32 v3, v4  }
0xdc: {  	v4 =	vperm.xlane v3, v0;
	_ =	sdelay $0x1  }
0xdd: {  	v4 =	vadd.s32 v1, v4;
	_ =	sdelay $0x4  }
0xde: {  	[hbm4b:s3+s2] =	stream.indirect_vreg.scatter [tilespmem:s18], [sflag:$0x7], $0x80, v4, vm0, $0xb8;
	[tilespmem:$0x18400] =	vst v63  }
0xdf: {  	v3 =	vperm.xlane v3, v2  }
0xe0: {  	[hbm4b:s4+s2] =	stream.indirect_vreg.scatter [tilespmem:s19], [sflag:$0x7], $0x80, v4, vm0, $0xb8;
	[tilespmem:$0x18400] =	vst v63  }
0xe1: {  	v3 =	vadd.s32 v1, v3  }
0xe2: {  	[hbm4b:s5+s2] =	stream.indirect_vreg.scatter [tilespmem:s20], [sflag:$0x7], $0x80, v4, vm0, $0xb8;
	[tilespmem:$0x18400] =	vst v63  }
0xe3: {  	_ = 	snop  }
0xe4: {  	[hbm4b:s6+s2] =	stream.indirect_vreg.scatter [tilespmem:s21], [sflag:$0x7], $0x80, v4, vm0, $0xb8;
	[tilespmem:$0x18400] =	vst v63  }
0xe5: {  	_ = 	snop  }
0xe6: {  	[hbm4b:s3+s2] =	stream.indirect_vreg.scatter [tilespmem:s22], [sflag:$0x7], $0x80, v3, vm0, $0xb8;
	[tilespmem:$0x18400] =	vst v63  }
0xe7: {  	_ = 	snop  }
0xe8: {  	[hbm4b:s4+s2] =	stream.indirect_vreg.scatter [tilespmem:s23], [sflag:$0x7], $0x80, v3, vm0, $0xb8;
	[tilespmem:$0x18400] =	vst v63  }
0xe9: {  	_ = 	snop  }
0xea: {  	[hbm4b:s5+s2] =	stream.indirect_vreg.scatter [tilespmem:s24], [sflag:$0x7], $0x80, v3, vm0, $0xb8;
	[tilespmem:$0x18400] =	vst v63  }
0xeb: {  	_ = 	snop  }
0xec: {  	[hbm4b:s6+s2] =	stream.indirect_vreg.scatter [tilespmem:s28], [sflag:$0x7], $0x80, v3, vm0, $0xb8;
	[tilespmem:$0x18400] =	vst v63  }
0xed: {  	_ =	swait.ge [sflag:s11], $0x8000  }
0xee: {  	[sflag:s11] =	ssyncset.done $0x0  }
0xef: {  	s0 =	rddreg [dreg:$0x10];
	[sflag:s11] =	ssyncadd.s32 $0xFFFF8000  }
0xf0: {  	[tilespmem:s9], [sflag:$0x4] =	stream.linear.gather [hbm4b:s0+s2], $0x8000, $0x38;
	[tilespmem:$0x18400] =	vst v63  }
0xf1: {  	_ =	swait.ge [sflag:s29], $0x8000  }
0xf2: {  	[sflag:s29] =	ssyncset.done $0x0  }
0xf3: {  	[sflag:s29] =	ssyncadd.s32 $0xFFFF8000  }
0xf4: {  	v3 =	vld [tilespmem:$0x180];
	_ =	sdelay $0x4  }
0xf5: {  	v54 =	vshll.u32 v3, $0x3  }
0xf6: {  	v3 =	vand.u32 $0x7, v3;
	v4 =	vand.u32 $0xFFFFFFC0, v54  }
0xf7: {  	v3 =	vor.u32 v3, v4  }
0xf8: {  	v4 =	vperm.xlane v3, v0;
	_ =	sdelay $0x1  }
0xf9: {  	v4 =	vadd.s32 v1, v4;
	_ =	sdelay $0x4  }
0xfa: {  	[hbm4b:s3+s2] =	stream.indirect_vreg.scatter [tilespmem:s10], [sflag:$0x5], $0x80, v4, vm0, $0xb8;
	[tilespmem:$0x18400] =	vst v63  }
0xfb: {  	s0 =	simm.s32 $0xC00;
	v3 =	vperm.xlane v3, v2  }
0xfc: {  	[hbm4b:s4+s2] =	stream.indirect_vreg.scatter [tilespmem:s0], [sflag:$0x5], $0x80, v4, vm0, $0xb8;
	[tilespmem:$0x18400] =	vst v63  }
0xfd: {  	v3 =	vadd.s32 v1, v3;
	s0 =	simm.s32 $0x1400  }
0xfe: {  	[hbm4b:s5+s2] =	stream.indirect_vreg.scatter [tilespmem:s0], [sflag:$0x5], $0x80, v4, vm0, $0xb8;
	[tilespmem:$0x18400] =	vst v63  }
0xff: {  	s0 =	simm.s32 $0x1C00  }
0x100: {  	[hbm4b:s6+s2] =	stream.indirect_vreg.scatter [tilespmem:s0], [sflag:$0x5], $0x80, v4, vm0, $0xb8;
	[tilespmem:$0x18400] =	vst v63  }
0x101: {  	s0 =	simm.s32 $0x2400  }
0x102: {  	[hbm4b:s3+s2] =	stream.indirect_vreg.scatter [tilespmem:s0], [sflag:$0x5], $0x80, v3, vm0, $0xb8;
	[tilespmem:$0x18400] =	vst v63  }
0x103: {  	s0 =	simm.s32 $0x2C00  }
0x104: {  	[hbm4b:s4+s2] =	stream.indirect_vreg.scatter [tilespmem:s0], [sflag:$0x5], $0x80, v3, vm0, $0xb8;
	[tilespmem:$0x18400] =	vst v63  }
0x105: {  	s0 =	simm.s32 $0x3400  }
0x106: {  	[hbm4b:s5+s2] =	stream.indirect_vreg.scatter [tilespmem:s0], [sflag:$0x5], $0x80, v3, vm0, $0xb8;
	[tilespmem:$0x18400] =	vst v63  }
0x107: {  	s0 =	simm.s32 $0x3C00  }
0x108: {  	[hbm4b:s6+s2] =	stream.indirect_vreg.scatter [tilespmem:s0], [sflag:$0x5], $0x80, v3, vm0, $0xb8;
	[tilespmem:$0x18400] =	vst v63  }
0x109: {  	v3 =	vld [tilespmem:$0x190];
	_ =	sdelay $0x4  }
0x10a: {  	v55 =	vshll.u32 v3, $0x3  }
0x10b: {  	v3 =	vand.u32 $0x7, v3;
	v4 =	vand.u32 $0xFFFFFFC0, v55  }
0x10c: {  	v3 =	vor.u32 v3, v4  }
0x10d: {  	v4 =	vperm.xlane v3, v0;
	_ =	sdelay $0x1  }
0x10e: {  	v4 =	vadd.s32 v1, v4;
	_ =	sdelay $0x3  }
0x10f: {  	s0 =	simm.s32 $0x4400  }
0x110: {  	[hbm4b:s3+s2] =	stream.indirect_vreg.scatter [tilespmem:s0], [sflag:$0x5], $0x80, v4, vm0, $0xb8;
	[tilespmem:$0x18400] =	vst v63  }
0x111: {  	v3 =	vperm.xlane v3, v2;
	s0 =	simm.s32 $0x4C00  }
0x112: {  	[hbm4b:s4+s2] =	stream.indirect_vreg.scatter [tilespmem:s0], [sflag:$0x5], $0x80, v4, vm0, $0xb8;
	[tilespmem:$0x18400] =	vst v63  }
0x113: {  	v3 =	vadd.s32 v1, v3;
	s0 =	simm.s32 $0x5400  }
0x114: {  	[hbm4b:s5+s2] =	stream.indirect_vreg.scatter [tilespmem:s0], [sflag:$0x5], $0x80, v4, vm0, $0xb8;
	[tilespmem:$0x18400] =	vst v63  }
0x115: {  	s0 =	simm.s32 $0x5C00  }
0x116: {  	[hbm4b:s6+s2] =	stream.indirect_vreg.scatter [tilespmem:s0], [sflag:$0x5], $0x80, v4, vm0, $0xb8;
	[tilespmem:$0x18400] =	vst v63  }
0x117: {  	s0 =	simm.s32 $0x6400  }
0x118: {  	[hbm4b:s3+s2] =	stream.indirect_vreg.scatter [tilespmem:s0], [sflag:$0x5], $0x80, v3, vm0, $0xb8;
	[tilespmem:$0x18400] =	vst v63  }
0x119: {  	s0 =	simm.s32 $0x6C00  }
0x11a: {  	[hbm4b:s4+s2] =	stream.indirect_vreg.scatter [tilespmem:s0], [sflag:$0x5], $0x80, v3, vm0, $0xb8;
	[tilespmem:$0x18400] =	vst v63  }
0x11b: {  	s0 =	simm.s32 $0x7400  }
0x11c: {  	[hbm4b:s5+s2] =	stream.indirect_vreg.scatter [tilespmem:s0], [sflag:$0x5], $0x80, v3, vm0, $0xb8;
	[tilespmem:$0x18400] =	vst v63  }
0x11d: {  	s0 =	simm.s32 $0x7C00  }
0x11e: {  	[hbm4b:s6+s2] =	stream.indirect_vreg.scatter [tilespmem:s0], [sflag:$0x5], $0x80, v3, vm0, $0xb8;
	[tilespmem:$0x18400] =	vst v63  }
0x11f: {  	_ =	swait.ge [sflag:s12], $0x8000  }
0x120: {  	[sflag:s12] =	ssyncset.done $0x0  }
0x121: {  	s0 =	rddreg [dreg:$0x11];
	[sflag:s12] =	ssyncadd.s32 $0xFFFF8000  }
0x122: {  	[tilespmem:s10], [sflag:$0x2] =	stream.linear.gather [hbm4b:s0+s2], $0x8000, $0x38;
	[tilespmem:$0x18400] =	vst v63  }
0x123: {  	_ =	swait.ge [sflag:s30], $0x8000  }
0x124: {  	[sflag:s30] =	ssyncset.done $0x0  }
0x125: {  	[sflag:s30] =	ssyncadd.s32 $0xFFFF8000  }
0x126: {  	v3 =	vld [tilespmem:$0x200];
	_ =	sdelay $0x4  }
0x127: {  	v56 =	vshll.u32 v3, $0x3  }
0x128: {  	v3 =	vand.u32 $0x7, v3;
	v4 =	vand.u32 $0xFFFFFFC0, v56  }
0x129: {  	v3 =	vor.u32 v3, v4  }
0x12a: {  	v4 =	vperm.xlane v3, v0;
	_ =	sdelay $0x1  }
0x12b: {  	v4 =	vadd.s32 v1, v4;
	_ =	sdelay $0x4  }
0x12c: {  	[hbm4b:s3+s2] =	stream.indirect_vreg.scatter [tilespmem:s26], [sflag:$0x6], $0x80, v4, vm0, $0xb8;
	[tilespmem:$0x18400] =	vst v63  }
0x12d: {  	s0 =	simm.s32 $0x8C00;
	v3 =	vperm.xlane v3, v2  }
0x12e: {  	[hbm4b:s4+s2] =	stream.indirect_vreg.scatter [tilespmem:s0], [sflag:$0x6], $0x80, v4, vm0, $0xb8;
	[tilespmem:$0x18400] =	vst v63  }
0x12f: {  	v3 =	vadd.s32 v1, v3;
	s0 =	simm.s32 $0x9400  }
0x130: {  	[hbm4b:s5+s2] =	stream.indirect_vreg.scatter [tilespmem:s0], [sflag:$0x6], $0x80, v4, vm0, $0xb8;
	[tilespmem:$0x18400] =	vst v63  }
0x131: {  	s0 =	simm.s32 $0x9C00  }
0x132: {  	[hbm4b:s6+s2] =	stream.indirect_vreg.scatter [tilespmem:s0], [sflag:$0x6], $0x80, v4, vm0, $0xb8;
	[tilespmem:$0x18400] =	vst v63  }
0x133: {  	s0 =	simm.s32 $0xA400  }
0x134: {  	[hbm4b:s3+s2] =	stream.indirect_vreg.scatter [tilespmem:s0], [sflag:$0x6], $0x80, v3, vm0, $0xb8;
	[tilespmem:$0x18400] =	vst v63  }
0x135: {  	s0 =	simm.s32 $0xAC00  }
0x136: {  	[hbm4b:s4+s2] =	stream.indirect_vreg.scatter [tilespmem:s0], [sflag:$0x6], $0x80, v3, vm0, $0xb8;
	[tilespmem:$0x18400] =	vst v63  }
0x137: {  	s0 =	simm.s32 $0xB400  }
0x138: {  	[hbm4b:s5+s2] =	stream.indirect_vreg.scatter [tilespmem:s0], [sflag:$0x6], $0x80, v3, vm0, $0xb8;
	[tilespmem:$0x18400] =	vst v63  }
0x139: {  	s0 =	simm.s32 $0xBC00  }
0x13a: {  	[hbm4b:s6+s2] =	stream.indirect_vreg.scatter [tilespmem:s0], [sflag:$0x6], $0x80, v3, vm0, $0xb8;
	[tilespmem:$0x18400] =	vst v63  }
0x13b: {  	v3 =	vld [tilespmem:$0x210];
	_ =	sdelay $0x4  }
0x13c: {  	v57 =	vshll.u32 v3, $0x3  }
0x13d: {  	v3 =	vand.u32 $0x7, v3;
	v4 =	vand.u32 $0xFFFFFFC0, v57  }
0x13e: {  	v3 =	vor.u32 v3, v4  }
0x13f: {  	v4 =	vperm.xlane v3, v0;
	_ =	sdelay $0x1  }
0x140: {  	v4 =	vadd.s32 v1, v4;
	_ =	sdelay $0x3  }
0x141: {  	s0 =	simm.s32 $0xC400  }
0x142: {  	[hbm4b:s3+s2] =	stream.indirect_vreg.scatter [tilespmem:s0], [sflag:$0x6], $0x80, v4, vm0, $0xb8;
	[tilespmem:$0x18400] =	vst v63  }
0x143: {  	v3 =	vperm.xlane v3, v2;
	s0 =	simm.s32 $0xCC00  }
0x144: {  	[hbm4b:s4+s2] =	stream.indirect_vreg.scatter [tilespmem:s0], [sflag:$0x6], $0x80, v4, vm0, $0xb8;
	[tilespmem:$0x18400] =	vst v63  }
0x145: {  	v3 =	vadd.s32 v1, v3;
	s0 =	simm.s32 $0xD400  }
0x146: {  	[hbm4b:s5+s2] =	stream.indirect_vreg.scatter [tilespmem:s0], [sflag:$0x6], $0x80, v4, vm0, $0xb8;
	[tilespmem:$0x18400] =	vst v63  }
0x147: {  	s0 =	simm.s32 $0xDC00  }
0x148: {  	[hbm4b:s6+s2] =	stream.indirect_vreg.scatter [tilespmem:s0], [sflag:$0x6], $0x80, v4, vm0, $0xb8;
	[tilespmem:$0x18400] =	vst v63  }
0x149: {  	s0 =	simm.s32 $0xE400  }
0x14a: {  	[hbm4b:s3+s2] =	stream.indirect_vreg.scatter [tilespmem:s0], [sflag:$0x6], $0x80, v3, vm0, $0xb8;
	[tilespmem:$0x18400] =	vst v63  }
0x14b: {  	s0 =	simm.s32 $0xEC00  }
0x14c: {  	[hbm4b:s4+s2] =	stream.indirect_vreg.scatter [tilespmem:s0], [sflag:$0x6], $0x80, v3, vm0, $0xb8;
	[tilespmem:$0x18400] =	vst v63  }
0x14d: {  	s0 =	simm.s32 $0xF400  }
0x14e: {  	[hbm4b:s5+s2] =	stream.indirect_vreg.scatter [tilespmem:s0], [sflag:$0x6], $0x80, v3, vm0, $0xb8;
	[tilespmem:$0x18400] =	vst v63  }
0x14f: {  	s0 =	simm.s32 $0xFC00  }
0x150: {  	[hbm4b:s6+s2] =	stream.indirect_vreg.scatter [tilespmem:s0], [sflag:$0x6], $0x80, v3, vm0, $0xb8;
	[tilespmem:$0x18400] =	vst v63  }
0x151: {  	_ =	swait.ge [sflag:s25], $0x8000  }
0x152: {  	[sflag:s25] =	ssyncset.done $0x0  }
0x153: {  	s0 =	rddreg [dreg:$0x12];
	[sflag:s25] =	ssyncadd.s32 $0xFFFF8000  }
0x154: {  	[tilespmem:s26], [sflag:$0x3] =	stream.linear.gather [hbm4b:s0+s2], $0x8000, $0x38;
	[tilespmem:$0x18400] =	vst v63  }
0x155: {  	_ =	swait.ge [sflag:s1], $0x8000  }
0x156: {  	[sflag:s1] =	ssyncset.done $0x0  }
0x157: {  	[sflag:s1] =	ssyncadd.s32 $0xFFFF8000  }
0x158: {  	v3 =	vld [tilespmem:$0x280];
	_ =	sdelay $0x4  }
0x159: {  	v58 =	vshll.u32 v3, $0x3  }
0x15a: {  	v3 =	vand.u32 $0x7, v3;
	v4 =	vand.u32 $0xFFFFFFC0, v58  }
0x15b: {  	v3 =	vor.u32 v3, v4  }
0x15c: {  	v4 =	vperm.xlane v3, v0;
	_ =	sdelay $0x1  }
0x15d: {  	v4 =	vadd.s32 v1, v4;
	_ =	sdelay $0x4  }
0x15e: {  	[hbm4b:s3+s2] =	stream.indirect_vreg.scatter [tilespmem:s9], [sflag:$0x7], $0x80, v4, vm0, $0xb8;
	[tilespmem:$0x18400] =	vst v63  }
0x15f: {  	v3 =	vperm.xlane v3, v2  }
0x160: {  	[hbm4b:s4+s2] =	stream.indirect_vreg.scatter [tilespmem:s31], [sflag:$0x7], $0x80, v4, vm0, $0xb8;
	[tilespmem:$0x18400] =	vst v63  }
0x161: {  	v3 =	vadd.s32 v1, v3;
	s31 =	simm.s32 $0x11400  }
0x162: {  	[hbm4b:s5+s2] =	stream.indirect_vreg.scatter [tilespmem:s31], [sflag:$0x7], $0x80, v4, vm0, $0xb8;
	[tilespmem:$0x18400] =	vst v63  }
0x163: {  	_ = 	snop  }
0x164: {  	[hbm4b:s6+s2] =	stream.indirect_vreg.scatter [tilespmem:s13], [sflag:$0x7], $0x80, v4, vm0, $0xb8;
	[tilespmem:$0x18400] =	vst v63  }
0x165: {  	_ = 	snop  }
0x166: {  	[hbm4b:s3+s2] =	stream.indirect_vreg.scatter [tilespmem:s14], [sflag:$0x7], $0x80, v3, vm0, $0xb8;
	[tilespmem:$0x18400] =	vst v63  }
0x167: {  	_ = 	snop  }
0x168: {  	[hbm4b:s4+s2] =	stream.indirect_vreg.scatter [tilespmem:s15], [sflag:$0x7], $0x80, v3, vm0, $0xb8;
	[tilespmem:$0x18400] =	vst v63  }
0x169: {  	_ = 	snop  }
0x16a: {  	[hbm4b:s5+s2] =	stream.indirect_vreg.scatter [tilespmem:s16], [sflag:$0x7], $0x80, v3, vm0, $0xb8;
	[tilespmem:$0x18400] =	vst v63  }
0x16b: {  	_ = 	snop  }
0x16c: {  	[hbm4b:s6+s2] =	stream.indirect_vreg.scatter [tilespmem:s17], [sflag:$0x7], $0x80, v3, vm0, $0xb8;
	[tilespmem:$0x18400] =	vst v63  }
0x16d: {  	v3 =	vld [tilespmem:$0x290];
	_ =	sdelay $0x4  }
0x16e: {  	v59 =	vshll.u32 v3, $0x3  }
0x16f: {  	v3 =	vand.u32 $0x7, v3;
	v4 =	vand.u32 $0xFFFFFFC0, v59  }
0x170: {  	v3 =	vor.u32 v3, v4  }
0x171: {  	v4 =	vperm.xlane v3, v0;
	_ =	sdelay $0x1  }
0x172: {  	v4 =	vadd.s32 v1, v4;
	_ =	sdelay $0x4  }
0x173: {  	[hbm4b:s3+s2] =	stream.indirect_vreg.scatter [tilespmem:s18], [sflag:$0x7], $0x80, v4, vm0, $0xb8;
	[tilespmem:$0x18400] =	vst v63  }
0x174: {  	v3 =	vperm.xlane v3, v2  }
0x175: {  	[hbm4b:s4+s2] =	stream.indirect_vreg.scatter [tilespmem:s19], [sflag:$0x7], $0x80, v4, vm0, $0xb8;
	[tilespmem:$0x18400] =	vst v63  }
0x176: {  	v3 =	vadd.s32 v1, v3  }
0x177: {  	[hbm4b:s5+s2] =	stream.indirect_vreg.scatter [tilespmem:s20], [sflag:$0x7], $0x80, v4, vm0, $0xb8;
	[tilespmem:$0x18400] =	vst v63  }
0x178: {  	_ = 	snop  }
0x179: {  	[hbm4b:s6+s2] =	stream.indirect_vreg.scatter [tilespmem:s21], [sflag:$0x7], $0x80, v4, vm0, $0xb8;
	[tilespmem:$0x18400] =	vst v63  }
0x17a: {  	_ = 	snop  }
0x17b: {  	[hbm4b:s3+s2] =	stream.indirect_vreg.scatter [tilespmem:s22], [sflag:$0x7], $0x80, v3, vm0, $0xb8;
	[tilespmem:$0x18400] =	vst v63  }
0x17c: {  	_ = 	snop  }
0x17d: {  	[hbm4b:s4+s2] =	stream.indirect_vreg.scatter [tilespmem:s23], [sflag:$0x7], $0x80, v3, vm0, $0xb8;
	[tilespmem:$0x18400] =	vst v63  }
0x17e: {  	_ = 	snop  }
0x17f: {  	[hbm4b:s5+s2] =	stream.indirect_vreg.scatter [tilespmem:s24], [sflag:$0x7], $0x80, v3, vm0, $0xb8;
	[tilespmem:$0x18400] =	vst v63  }
0x180: {  	_ = 	snop  }
0x181: {  	[hbm4b:s6+s2] =	stream.indirect_vreg.scatter [tilespmem:s28], [sflag:$0x7], $0x80, v3, vm0, $0xb8;
	[tilespmem:$0x18400] =	vst v63  }
0x182: {  	_ =	swait.ge [sflag:s29], $0x8000  }
0x183: {  	[sflag:s29] =	ssyncset.done $0x0  }
0x184: {  	[sflag:s29] =	ssyncadd.s32 $0xFFFF8000  }
0x185: {  	v3 =	vld [tilespmem:$0x300];
	_ =	sdelay $0x4  }
0x186: {  	v60 =	vshll.u32 v3, $0x3  }
0x187: {  	v3 =	vand.u32 $0x7, v3;
	v4 =	vand.u32 $0xFFFFFFC0, v60  }
0x188: {  	v3 =	vor.u32 v3, v4  }
0x189: {  	v4 =	vperm.xlane v3, v0;
	_ =	sdelay $0x1  }
0x18a: {  	v4 =	vadd.s32 v1, v4;
	_ =	sdelay $0x4  }
0x18b: {  	[hbm4b:s3+s2] =	stream.indirect_vreg.scatter [tilespmem:s10], [sflag:$0x5], $0x80, v4, vm0, $0xb8;
	[tilespmem:$0x18400] =	vst v63  }
0x18c: {  	s1 =	simm.s32 $0xC00;
	v3 =	vperm.xlane v3, v2  }
0x18d: {  	[hbm4b:s4+s2] =	stream.indirect_vreg.scatter [tilespmem:s1], [sflag:$0x5], $0x80, v4, vm0, $0xb8;
	[tilespmem:$0x18400] =	vst v63  }
0x18e: {  	s13 =	simm.s32 $0x1400;
	v3 =	vadd.s32 v1, v3  }
0x18f: {  	[hbm4b:s5+s2] =	stream.indirect_vreg.scatter [tilespmem:s13], [sflag:$0x5], $0x80, v4, vm0, $0xb8;
	[tilespmem:$0x18400] =	vst v63  }
0x190: {  	s31 =	simm.s32 $0x1C00  }
0x191: {  	[hbm4b:s6+s2] =	stream.indirect_vreg.scatter [tilespmem:s31], [sflag:$0x5], $0x80, v4, vm0, $0xb8;
	[tilespmem:$0x18400] =	vst v63  }
0x192: {  	s1 =	simm.s32 $0x2400  }
0x193: {  	[hbm4b:s3+s2] =	stream.indirect_vreg.scatter [tilespmem:s1], [sflag:$0x5], $0x80, v3, vm0, $0xb8;
	[tilespmem:$0x18400] =	vst v63  }
0x194: {  	s13 =	simm.s32 $0x2C00  }
0x195: {  	[hbm4b:s4+s2] =	stream.indirect_vreg.scatter [tilespmem:s13], [sflag:$0x5], $0x80, v3, vm0, $0xb8;
	[tilespmem:$0x18400] =	vst v63  }
0x196: {  	s31 =	simm.s32 $0x3400  }
0x197: {  	[hbm4b:s5+s2] =	stream.indirect_vreg.scatter [tilespmem:s31], [sflag:$0x5], $0x80, v3, vm0, $0xb8;
	[tilespmem:$0x18400] =	vst v63  }
0x198: {  	s1 =	simm.s32 $0x3C00  }
0x199: {  	[hbm4b:s6+s2] =	stream.indirect_vreg.scatter [tilespmem:s1], [sflag:$0x5], $0x80, v3, vm0, $0xb8;
	[tilespmem:$0x18400] =	vst v63  }
0x19a: {  	v3 =	vld [tilespmem:$0x310];
	_ =	sdelay $0x4  }
0x19b: {  	v61 =	vshll.u32 v3, $0x3  }
0x19c: {  	v3 =	vand.u32 $0x7, v3;
	v4 =	vand.u32 $0xFFFFFFC0, v61  }
0x19d: {  	v3 =	vor.u32 v3, v4  }
0x19e: {  	v4 =	vperm.xlane v3, v0;
	_ =	sdelay $0x1  }
0x19f: {  	v4 =	vadd.s32 v1, v4;
	_ =	sdelay $0x3  }
0x1a0: {  	s13 =	simm.s32 $0x4400  }
0x1a1: {  	[hbm4b:s3+s2] =	stream.indirect_vreg.scatter [tilespmem:s13], [sflag:$0x5], $0x80, v4, vm0, $0xb8;
	[tilespmem:$0x18400] =	vst v63  }
0x1a2: {  	s31 =	simm.s32 $0x4C00;
	v3 =	vperm.xlane v3, v2  }
0x1a3: {  	[hbm4b:s4+s2] =	stream.indirect_vreg.scatter [tilespmem:s31], [sflag:$0x5], $0x80, v4, vm0, $0xb8;
	[tilespmem:$0x18400] =	vst v63  }
0x1a4: {  	s1 =	simm.s32 $0x5400;
	v3 =	vadd.s32 v1, v3  }
0x1a5: {  	[hbm4b:s5+s2] =	stream.indirect_vreg.scatter [tilespmem:s1], [sflag:$0x5], $0x80, v4, vm0, $0xb8;
	[tilespmem:$0x18400] =	vst v63  }
0x1a6: {  	s13 =	simm.s32 $0x5C00  }
0x1a7: {  	[hbm4b:s6+s2] =	stream.indirect_vreg.scatter [tilespmem:s13], [sflag:$0x5], $0x80, v4, vm0, $0xb8;
	[tilespmem:$0x18400] =	vst v63  }
0x1a8: {  	s31 =	simm.s32 $0x6400  }
0x1a9: {  	[hbm4b:s3+s2] =	stream.indirect_vreg.scatter [tilespmem:s31], [sflag:$0x5], $0x80, v3, vm0, $0xb8;
	[tilespmem:$0x18400] =	vst v63  }
0x1aa: {  	s1 =	simm.s32 $0x6C00  }
0x1ab: {  	[hbm4b:s4+s2] =	stream.indirect_vreg.scatter [tilespmem:s1], [sflag:$0x5], $0x80, v3, vm0, $0xb8;
	[tilespmem:$0x18400] =	vst v63  }
0x1ac: {  	s13 =	simm.s32 $0x7400  }
0x1ad: {  	[hbm4b:s5+s2] =	stream.indirect_vreg.scatter [tilespmem:s13], [sflag:$0x5], $0x80, v3, vm0, $0xb8;
	[tilespmem:$0x18400] =	vst v63  }
0x1ae: {  	s31 =	simm.s32 $0x7C00  }
0x1af: {  	[hbm4b:s6+s2] =	stream.indirect_vreg.scatter [tilespmem:s31], [sflag:$0x5], $0x80, v3, vm0, $0xb8;
	[tilespmem:$0x18400] =	vst v63  }
0x1b0: {  	_ =	swait.ge [sflag:s30], $0x8000  }
0x1b1: {  	[sflag:s30] =	ssyncset.done $0x0  }
0x1b2: {  	[sflag:s30] =	ssyncadd.s32 $0xFFFF8000  }
0x1b3: {  	v3 =	vld [tilespmem:$0x380];
	_ =	sdelay $0x4  }
0x1b4: {  	v62 =	vshll.u32 v3, $0x3  }
0x1b5: {  	v3 =	vand.u32 $0x7, v3;
	v4 =	vand.u32 $0xFFFFFFC0, v62  }
0x1b6: {  	v3 =	vor.u32 v3, v4  }
0x1b7: {  	v4 =	vperm.xlane v3, v0;
	_ =	sdelay $0x1  }
0x1b8: {  	v4 =	vadd.s32 v1, v4;
	_ =	sdelay $0x4  }
0x1b9: {  	[hbm4b:s3+s2] =	stream.indirect_vreg.scatter [tilespmem:s26], [sflag:$0x6], $0x80, v4, vm0, $0xb8;
	[tilespmem:$0x18400] =	vst v63  }
0x1ba: {  	s1 =	simm.s32 $0x8C00;
	v3 =	vperm.xlane v3, v2  }
0x1bb: {  	[hbm4b:s4+s2] =	stream.indirect_vreg.scatter [tilespmem:s1], [sflag:$0x6], $0x80, v4, vm0, $0xb8;
	[tilespmem:$0x18400] =	vst v63  }
0x1bc: {  	s13 =	simm.s32 $0x9400;
	v3 =	vadd.s32 v1, v3  }
0x1bd: {  	[hbm4b:s5+s2] =	stream.indirect_vreg.scatter [tilespmem:s13], [sflag:$0x6], $0x80, v4, vm0, $0xb8;
	[tilespmem:$0x18400] =	vst v63  }
0x1be: {  	s31 =	simm.s32 $0x9C00  }
0x1bf: {  	[hbm4b:s6+s2] =	stream.indirect_vreg.scatter [tilespmem:s31], [sflag:$0x6], $0x80, v4, vm0, $0xb8;
	[tilespmem:$0x18400] =	vst v63  }
0x1c0: {  	s1 =	simm.s32 $0xA400  }
0x1c1: {  	[hbm4b:s3+s2] =	stream.indirect_vreg.scatter [tilespmem:s1], [sflag:$0x6], $0x80, v3, vm0, $0xb8;
	[tilespmem:$0x18400] =	vst v63  }
0x1c2: {  	s13 =	simm.s32 $0xAC00  }
0x1c3: {  	[hbm4b:s4+s2] =	stream.indirect_vreg.scatter [tilespmem:s13], [sflag:$0x6], $0x80, v3, vm0, $0xb8;
	[tilespmem:$0x18400] =	vst v63  }
0x1c4: {  	s31 =	simm.s32 $0xB400  }
0x1c5: {  	[hbm4b:s5+s2] =	stream.indirect_vreg.scatter [tilespmem:s31], [sflag:$0x6], $0x80, v3, vm0, $0xb8;
	[tilespmem:$0x18400] =	vst v63  }
0x1c6: {  	s1 =	simm.s32 $0xBC00  }
0x1c7: {  	[hbm4b:s6+s2] =	stream.indirect_vreg.scatter [tilespmem:s1], [sflag:$0x6], $0x80, v3, vm0, $0xb8;
	[tilespmem:$0x18400] =	vst v63  }
0x1c8: {  	v3 =	vld [tilespmem:$0x390];
	_ =	sdelay $0x4  }
0x1c9: {  	v63 =	vshll.u32 v3, $0x3  }
0x1ca: {  	v3 =	vand.u32 $0x7, v3;
	v4 =	vand.u32 $0xFFFFFFC0, v63  }
0x1cb: {  	v3 =	vor.u32 v3, v4  }
0x1cc: {  	v4 =	vperm.xlane v3, v0;
	_ =	sdelay $0x1  }
0x1cd: {  	v4 =	vadd.s32 v1, v4;
	_ =	sdelay $0x3  }
0x1ce: {  	s13 =	simm.s32 $0xC400  }
0x1cf: {  	[hbm4b:s3+s2] =	stream.indirect_vreg.scatter [tilespmem:s13], [sflag:$0x6], $0x80, v4, vm0, $0xb8;
	[tilespmem:$0x18400] =	vst v63  }
0x1d0: {  	s31 =	simm.s32 $0xCC00;
	v3 =	vperm.xlane v3, v2  }
0x1d1: {  	[hbm4b:s4+s2] =	stream.indirect_vreg.scatter [tilespmem:s31], [sflag:$0x6], $0x80, v4, vm0, $0xb8;
	[tilespmem:$0x18400] =	vst v63  }
0x1d2: {  	s1 =	simm.s32 $0xD400;
	v3 =	vadd.s32 v1, v3  }
0x1d3: {  	[hbm4b:s5+s2] =	stream.indirect_vreg.scatter [tilespmem:s1], [sflag:$0x6], $0x80, v4, vm0, $0xb8;
	[tilespmem:$0x18400] =	vst v63  }
0x1d4: {  	s13 =	simm.s32 $0xDC00  }
0x1d5: {  	[hbm4b:s6+s2] =	stream.indirect_vreg.scatter [tilespmem:s13], [sflag:$0x6], $0x80, v4, vm0, $0xb8;
	[tilespmem:$0x18400] =	vst v63  }
0x1d6: {  	s31 =	simm.s32 $0xE400  }
0x1d7: {  	[hbm4b:s3+s2] =	stream.indirect_vreg.scatter [tilespmem:s31], [sflag:$0x6], $0x80, v3, vm0, $0xb8;
	[tilespmem:$0x18400] =	vst v63  }
0x1d8: {  	s1 =	simm.s32 $0xEC00  }
0x1d9: {  	[hbm4b:s4+s2] =	stream.indirect_vreg.scatter [tilespmem:s1], [sflag:$0x6], $0x80, v3, vm0, $0xb8;
	[tilespmem:$0x18400] =	vst v63  }
0x1da: {  	s13 =	simm.s32 $0xF400  }
0x1db: {  	[hbm4b:s5+s2] =	stream.indirect_vreg.scatter [tilespmem:s13], [sflag:$0x6], $0x80, v3, vm0, $0xb8;
	[tilespmem:$0x18400] =	vst v63  }
0x1dc: {  	s31 =	simm.s32 $0xFC00  }
0x1dd: {  	[hbm4b:s6+s2] =	stream.indirect_vreg.scatter [tilespmem:s31], [sflag:$0x6], $0x80, v3, vm0, $0xb8;
	[tilespmem:$0x18400] =	vst v63  }
0x1de: {  	_ =	swait.ge [sflag:s11], $0x8000  }
0x1df: {  	[sflag:s11] =	ssyncset.done $0x0  }
0x1e0: {  	[sflag:s11] =	ssyncadd.s32 $0xFFFF8000  }
0x1e1: {  	p0 =	sne.s32 s7, $0x1;
	_ =	swait.ge [sflag:s12], $0x8000  }
.Ltmp0:
0x1e2: {  	[sflag:s12] =	ssyncset.done $0x0;
	(pc) =	sbr.rel @p0 .LBB2_1-.Ltmp0, $4  }
0x1e3: {  	[sflag:s12] =	ssyncadd.s32 $0xFFFF8000  }
0x1e4: {  	_ =	swait.ge [sflag:s25], $0x8000  }
0x1e5: {  	[sflag:s25] =	ssyncset.done $0x0  }
0x1e6: {  	s7 =	sadd.s32 $0xFFFFFFFF, s7;
	[sflag:s25] =	ssyncadd.s32 $0xFFFF8000  }
0x1e7: {  	_ =	sfence.sel $0x180000  }
0x1e8: {  	[bflag:$0x0] =	sbarrier.arrive $0xFFFF  }
0x1e9: {  	_ =	strace $0x90000047  }
0x1ea: {  	s0 =	stileid.u32;
	[bflag:$0x2] =	sbarrier.arrive $0xFFFF  }
0x1eb: {  	p0 =	sne.s32 s0, $0x0;
	s0 =	rddreg [dreg:$0x2]  }
0x1ec: {  	s0 =	sadd.s32 @!p0 $0x100000, s0  }
0x1ed: {  	[sflag:s0] =	ssyncadd.tile.s32 @!p0 $0x1;
	_ =	shalt  }
.Lfunc_end2:
_tile_overlayer_lowered:
.L_overlay_start_2:
0x1ee: {  	(tag) =	ssettag $0x2  }
0x1ef: {  	s0 =	rddreg [dreg:$0x0];
	s2 =	stileid.u32  }
0x1f0: {  	s1 =	rddreg [dreg:$0x1];
	p0 =	sne.s32 s2, $0x0  }
0x1f1: {  	s3 =	rddreg [dreg:$0x2];
	[bflag:$0x3] =	sbarrier.arrive $0xFFFF;
	s2 =	simm.s32 @!p0 $0x1C08  }
0x1f2: {  	[timem:s3], [sflag:s2] =	dma.local @!p0 [hbm:s0], s1  }
0x1f3: {  	s0 =	simm.s32 @!p0 $0x8  }
0x1f4: {  	_ =	swait.ge @!p0 [sflag:s0], s1  }
0x1f5: {  	s1 =	ssub.s32 @!p0 $0x0, s1;
	[sflag:s0] =	ssyncset.done @!p0 $0x0  }
0x1f6: {  	[sflag:s0] =	ssyncadd.s32 @!p0 s1  }
0x1f7: {  	[bflag:$0x3] =	sbarrier.arrive $0xFFFF  }
0x1f8: {  	_ =	shalt  }

// kernel: kernel.9.cloned.1.call-start
scs
__scs_entry_jumppad:
0x0: {  	(pc) =	sbr.rel $0x88, $3  }
0x1: {  	(tag) =	ssettag $0x0;
	lr =	simm.s32 $0x1  }
0x2: {  	[smem:$0x3F9B] =	sst lr;
	_ =	strace $0xD0000000  }
0x3: {  	_ = 	snop  }
0x4: {  	_ = 	snop  }
0x5: {  	_ = 	snop  }
0x6: {  	_ = 	snop  }
0x7: {  	_ = 	snop  }
__scs_overlays_trampoline_lowered:
0x8: {  	[smem:$0x3FAA] =	sst s0  }
0x9: {  	[smem:$0x3FAB] =	sst s1  }
0xa: {  	[smem:$0x3FAC] =	sst s2  }
0xb: {  	[smem:$0x3FAD] =	sst s3  }
0xc: {  	[smem:$0x3FAE] =	sst s4  }
0xd: {  	[smem:$0x3FAF] =	sst s5  }
0xe: {  	[smem:$0x3FB0] =	sst s6  }
0xf: {  	[smem:$0x3FB1] =	sst s7  }
0x10: {  	[smem:$0x3FB2] =	sst s8  }
0x11: {  	[smem:$0x3FB3] =	sst s9;
	s0 =	simm.s32 @!p0 $0x0  }
0x12: {  	s1 =	sld [smem:$0x3F99];
	s0 =	simm.s32 @p0 $0x1  }
0x13: {  	[smem:$0x3FB4] =	sst s0;
	s0 =	simm.s32 @!p1 $0x0  }
0x14: {  	s2 =	sld [smem:$0x3F98];
	s0 =	simm.s32 @p1 $0x1  }
0x15: {  	[smem:$0x3FB5] =	sst s0;
	s0 =	simm.s32 @!p2 $0x0  }
0x16: {  	s3 =	sld [smem:$0x3FDB];
	s0 =	simm.s32 @p2 $0x1  }
0x17: {  	s4 =	simm.s32 $0x1BF5;
	[smem:$0x3FB7] =	sst s0  }
0x18: {  	s0 =	sld [smem:$0x3F9A];
	_ =	swait.ge [sflag:s4], $0x0  }
0x19: {  	s7 =	sld [smem:$0x3F9B]  }
0x1a: {  	s8 =	sadd.s32 $0xFFFFE003, lr  }
0x1b: {  	s9 =	sadd.s32 $0xFFFFFEF7, lr;
	s5 =	simm.s32 $0xFFFFFFFF;
	p2 =	slt.u32 s8, $0xFFFFF086  }
0x1c: {  	p1 =	slt.u32 s9, $0xF7A;
	s5 =	simm.s32 @!p2 $0x0  }
0x1d: {  	s5 =	simm.s32 @p1 $0x1;
	p0 =	seq.s32 s7, s2  }
0x1e: {  	s7 =	smul.u32 @!p0 $0xF7A, s2;
	p2 =	seq.s32 @!p0 s5, $0x0  }
0x1f: {  	s9 =	smul.u32 $0xF7A, s1;
	s8 =	simm.s32 @!p0 $0x1BF5;
	p2 =	por !p2, p0  }
0x20: {  	[sflag:s8] =	ssyncset.s32 @!p0 $0xFFFFF086;
	s6 =	sadd.s32 @!p0 s3, s7;
	s7 =	simm.s32 @!p0 $0x108  }
0x21: {  	s3 =	sadd.s32 s3, s9;
	s6 =	sadd.s32 @!p0 $0x88, s6;
	s7 =	simm.s32 @p2 $0x1082  }
0x22: {  	[simem:s7], [sflag:s8] =	dma.local @!p0 [hbm:s6], $0xF7A  }
0x23: {  	s9 =	sor.u32 $0xD0000000, s2;
	s6 =	simm.s32 $0x108;
	_ =	swait.ge @!p0 [sflag:s8], $0x0  }
0x24: {  	s3 =	sadd.s32 $0x88, s3;
	s6 =	simm.s32 @!p1 $0x1082;
	[sflag:s4] =	ssyncset.s32 $0xFFFFF086  }
0x25: {  	[simem:s6], [sflag:s4] =	dma.local [hbm:s3], $0xF7A  }
0x26: {  	[smem:$0x3F9B] =	sst s1;
	(tag) =	ssettag s2;
	_ =	strace s9  }
0x27: {  	s1 =	sld [smem:$0x3FAB]  }
0x28: {  	s2 =	sld [smem:$0x3FAC]  }
0x29: {  	s4 =	sld [smem:$0x3FAE]  }
0x2a: {  	p0 =	seq.s32 s5, $0x0;
	s5 =	sld [smem:$0x3FAF]  }
0x2b: {  	s6 =	sld [smem:$0x3FB0]  }
0x2c: {  	s7 =	sld [smem:$0x3FB1]  }
0x2d: {  	s3 =	simm.s32 $0x108;
	s8 =	sld [smem:$0x3FB2]  }
0x2e: {  	s3 =	simm.s32 @!p0 $0x1082;
	s9 =	sld [smem:$0x3FB3]  }
0x2f: {  	lr =	sadd.s32 s0, s3;
	s0 =	sld [smem:$0x3FAA]  }
0x30: {  	s3 =	sld [smem:$0x3FAD]  }
0x31: {  	[smem:$0x3FB6] =	sst s10  }
0x32: {  	s10 =	sld [smem:$0x3FB4];
	_ =	sdelay $0x3  }
0x33: {  	p0 =	seq.s32 s10, $0x1;
	s10 =	sld [smem:$0x3FB6];
	_ =	sdelay $0x3  }
0x34: {  	[smem:$0x3FB6] =	sst s10  }
0x35: {  	s10 =	sld [smem:$0x3FB5];
	_ =	sdelay $0x3  }
0x36: {  	p1 =	seq.s32 s10, $0x1;
	s10 =	sld [smem:$0x3FB6];
	_ =	sdelay $0x3  }
0x37: {  	[smem:$0x3FB6] =	sst s10  }
0x38: {  	s10 =	sld [smem:$0x3FB7]  }
0x39: {  	_ = 	snop;
	(pc) =	sbr.ind lr, $3  }
0x3a: {  	_ = 	snop  }
0x3b: {  	_ = 	snop  }
0x3c: {  	p2 =	seq.s32 s10, $0x1;
	s10 =	sld [smem:$0x3FB6]  }
0x3d: {  	_ =	shalt  }
0x3e: {  	_ =	shalt  }
0x3f: {  	_ =	shalt  }
0x40: {  	_ =	shalt  }
0x41: {  	_ =	shalt  }
0x42: {  	_ =	shalt  }
0x43: {  	_ =	shalt  }
0x44: {  	_ =	shalt  }
0x45: {  	_ =	shalt  }
0x46: {  	_ =	shalt  }
0x47: {  	_ =	shalt  }
0x48: {  	_ =	shalt  }
0x49: {  	_ =	shalt  }
0x4a: {  	_ =	shalt  }
0x4b: {  	_ =	shalt  }
0x4c: {  	_ =	shalt  }
0x4d: {  	_ =	shalt  }
0x4e: {  	_ =	shalt  }
0x4f: {  	_ =	shalt  }
0x50: {  	_ =	shalt  }
0x51: {  	_ =	shalt  }
0x52: {  	_ =	shalt  }
0x53: {  	_ =	shalt  }
0x54: {  	_ =	shalt  }
0x55: {  	_ =	shalt  }
0x56: {  	_ =	shalt  }
0x57: {  	_ =	shalt  }
0x58: {  	_ =	shalt  }
0x59: {  	_ =	shalt  }
0x5a: {  	_ =	shalt  }
0x5b: {  	_ =	shalt  }
0x5c: {  	_ =	shalt  }
0x5d: {  	_ =	shalt  }
0x5e: {  	_ =	shalt  }
0x5f: {  	_ =	shalt  }
0x60: {  	_ =	shalt  }
0x61: {  	_ =	shalt  }
0x62: {  	_ =	shalt  }
0x63: {  	_ =	shalt  }
0x64: {  	_ =	shalt  }
0x65: {  	_ =	shalt  }
0x66: {  	_ =	shalt  }
0x67: {  	_ =	shalt  }
0x68: {  	_ =	shalt  }
0x69: {  	_ =	shalt  }
0x6a: {  	_ =	shalt  }
0x6b: {  	_ =	shalt  }
0x6c: {  	_ =	shalt  }
0x6d: {  	_ =	shalt  }
0x6e: {  	_ =	shalt  }
0x6f: {  	_ =	shalt  }
0x70: {  	_ =	shalt  }
0x71: {  	_ =	shalt  }
0x72: {  	_ =	shalt  }
0x73: {  	_ =	shalt  }
0x74: {  	_ =	shalt  }
0x75: {  	_ =	shalt  }
0x76: {  	_ =	shalt  }
0x77: {  	_ =	shalt  }
0x78: {  	_ =	shalt  }
0x79: {  	_ =	shalt  }
0x7a: {  	_ =	shalt  }
0x7b: {  	_ =	shalt  }
0x7c: {  	_ =	shalt  }
0x7d: {  	_ =	shalt  }
0x7e: {  	_ =	shalt  }
0x7f: {  	_ =	shalt  }
0x80: {  	_ =	shalt  }
0x81: {  	_ =	shalt  }
0x82: {  	_ =	shalt  }
0x83: {  	_ =	shalt  }
0x84: {  	_ =	shalt  }
0x85: {  	_ =	shalt  }
0x86: {  	_ =	shalt  }
0x87: {  	_ =	shalt  }
.Lfunc_end0:
.L_simem_size_0:
called_computation.1_lowered:
.L_overlay_start_0:
0x88: {  	s2 =	sld [smem:$0x3FD9]  }
0x89: {  	s3 =	sld [smem:$0x3FFE];
	_ =	sdelay $0x1  }
0x8a: {  	s1 =	srdreg.scid  }
0x8b: {  	s0 =	sand.u32 $0x1, s1  }
0x8c: {  	s17 =	sshll.u32 s0, $0xA;
	s2 =	sadd.s32 s3, s2  }
0x8d: {  	s2 =	sadd.s32 s2, s17  }
0x8e: {  	[smem:$0x3FC2] =	sst s2  }
0x8f: {  	_ = 	snop  }
0x90: {  	s2 =	sld [smem:$0x3FD0];
	(tm) =	ssettm $0x1  }
0x91: {  	s18 =	sld [smem:$0x3FFB];
	_ =	sdelay $0x3  }
0x92: {  	_ =	strace s18  }
0x93: {  	s3 =	sld [smem:$0x3FFC];
	_ =	sdelay $0x3  }
0x94: {  	_ =	strace s3  }
0x95: {  	s3 =	sld [smem:$0x3FFD];
	_ =	sdelay $0x3  }
0x96: {  	_ =	strace s3  }
0x97: {  	_ =	strace $0x8FFFFFFF  }
0x98: {  	s19 =	sld [smem:$0x3FDB];
	_ =	sdelay $0x1  }
0x99: {  	s4 =	simm.s32 $_scs_section_size  }
0x9a: {  	s5 =	simm.s32 $_size__tile_overlayer_lowered;
	s6 =	simm.s32 $_tile_overlayer_lowered  }
0x9b: {  	s22 =	simm.s32 $0x1BFF;
	s21 =	sshll.u32 s6, $0x1;
	s3 =	sadd.s32 s4, s19  }
0x9c: {  	s7 =	simm.s32 $0x0;
	s20 =	sshll.u32 s5, $0x1;
	s5 =	sadd.s32 s21, s3  }
0x9d: {  	[timem:s7], [sflag:s22] =	dma.local [hbm:s5], s20  }
0x9e: {  	_ =	swait.ge [sflag:s22], s20  }
0x9f: {  	s4 =	ssub.s32 $0x0, s20;
	[sflag:s22] =	ssyncset.done $0x0  }
0xa0: {  	[sflag:s22] =	ssyncadd.s32 s4;
	_ =	sdelay $0x1  }
0xa1: {  	s23 =	simm.s32 $0x1B8B  }
0xa2: {  	_ =	swait.ge [sflag:s23], $0x1  }
0xa3: {  	[sflag:s23] =	ssyncset.done $0x0  }
0xa4: {  	s25 =	simm.s32 $0x1B8E;
	s24 =	sld [smem:$0x3FFE];
	[sflag:s23] =	ssyncadd.s32 $0xFFFFFFFF  }
0xa5: {  	s26 =	simm.s32 $execute0_lowered;
	[smem:$0x3FD2] =	sst s25  }
0xa6: {  	s5 =	sshll.u32 s26, $0x1;
	_ =	strace $0x80000049;
	[dreg:$0x1] =	wrdreg $0xFFFFFFFF  }
0xa7: {  	s28 =	simm.s32 $_size_execute0_lowered;
	s3 =	sadd.s32 s3, s5;
	[dreg:$0x0] =	wrdreg $0x0  }
0xa8: {  	s5 =	sshll.u32 s28, $0x1;
	[dreg:$0x2] =	wrdreg s3  }
0xa9: {  	[dreg:$0x3] =	wrdreg s5  }
0xaa: {  	[dreg:$0x4] =	wrdreg $0xC0  }
0xab: {  	_ =	task [dreg:s7], $0x5FFFF  }
0xac: {  	[dreg:$0x1] =	wrdreg $0xFFFFFFFF  }
0xad: {  	[dreg:$0x0] =	wrdreg $0x60  }
0xae: {  	[dreg:$0x2] =	wrdreg s24  }
0xaf: {  	[dreg:$0x3] =	wrdreg s2  }
0xb0: {  	[dreg:$0x4] =	wrdreg $0x9  }
0xb1: {  	_ =	task.clear_ibuf [dreg:s7], $0x5FFFF;
	_ =	strace $0x90000049  }
0xb2: {  	s29 =	simm.s32 $0x9;
	_ =	strace $0x8000004B  }
0xb3: {  	_ =	swait.ge [sflag:s29], $0x1  }
0xb4: {  	[sflag:s29] =	ssyncadd.s32 $0xFFFFFFFF  }
0xb5: {  	_ =	strace $0x9000004B  }
0xb6: {  	_ =	sfence  }
0xb7: {  	s30 =	sld [smem:$0x0];
	_ =	sdelay $0x2  }
0xb8: {  	s31 =	sshll.u32 s1, $0xD;
	s1 =	sshrl.u32 s1, $0x2  }
0xb9: {  	s3 =	sand.u32 $0x4000, s31;
	s1 =	sadd.s32 s1, s30  }
0xba: {  	s0 =	sor.u32 s3, s0;
	s1 =	sshll.u32 s1, $0x11  }
0xbb: {  	s0 =	sor.u32 s1, s0  }
0xbc: {  	s0 =	sadd.s32 $0x8F2B, s0  }
0xbd: {  	[sflag:s0] =	ssyncadd.remote.s32 $0x1  }
0xbe: {  	_ =	sfence.sel $0xFFFF  }
0xbf: {  	[dreg:$0x0] =	wrdreg $0xFFFFFFFF;
	(pc) =	sbr.abs _section_cstart, $3  }
0xc0: {  	[dreg:$0x1] =	wrdreg $0xFFFFFFFF  }
0xc1: {  	_ =	task.clear_ibuf [dreg:s7], $0x2FFFF;
	_ =	strace $0x9FFFFFFF  }
0xc2: {  	(tm) =	ssettm $0x7FFFFFFF  }
0xc3: {  	_ =	shalt  }
tec
execute0_lowered:
.L_overlay_start_1:
0x0: {  	(tag) =	ssettag $0x1  }
0x1: {  	s0 =	rddreg [dreg:$0x0]  }
0x2: {  	s1 =	rddreg [dreg:$0x1]  }
0x3: {  	s2 =	srdreg.scid;
	s3 =	stileid.u32  }
0x4: {  	s31 =	simm.s32 $0x11400;
	s4 =	sand.u32 $0x1, s2;
	s2 =	simm.s32 $0x0  }
0x5: {  	s3 =	sshll.u32 s3, $0x9;
	s18 =	sadd.s32 $0x1000, s0;
	s5 =	sshll.u32 s4, $0x8  }
0x6: {  	[smem:$0x7FF] =	sst s2;
	s4 =	ssub.s32 $0x2, s4;
	s3 =	sor.u32 s5, s3  }
0x7: {  	_ =	strace $0x8000004A;
	s6 =	sshrl.u32 s3, $0x3;
	s7 =	sor.u32 $0x20, s3  }
0x8: {  	s20 =	sor.u32 $0x40, s3;
	s9 =	sor.u32 $0x60, s3;
	s11 =	sor.u32 $0x80, s3  }
0x9: {  	s25 =	sor.u32 $0xA0, s3;
	s12 =	sor.u32 $0xC0, s3;
	s14 =	sor.u32 $0xE0, s3  }
0xa: {  	s3 =	sshll.u32 s3, $0x7;
	s6 =	sadd.s32 s18, s6;
	s8 =	sshrl.u32 s7, $0x3  }
0xb: {  	s21 =	sshrl.u32 s20, $0x3;
	s10 =	sshrl.u32 s9, $0x3;
	s23 =	sshrl.u32 s11, $0x3  }
0xc: {  	s26 =	sshrl.u32 s25, $0x3;
	s13 =	sshrl.u32 s12, $0x3;
	s29 =	sshrl.u32 s14, $0x3  }
0xd: {  	s3 =	sadd.s32 s1, s3;
	s30 =	sshll.u32 s7, $0x7;
	[dreg:$0x3] =	wrdreg s6  }
0xe: {  	s16 =	sshll.u32 s25, $0x7;
	s19 =	sadd.s32 s18, s8;
	[dreg:$0xb] =	wrdreg s3  }
0xf: {  	s6 =	sadd.s32 s18, s21;
	s22 =	sadd.s32 s18, s10;
	[dreg:$0x4] =	wrdreg s19  }
0x10: {  	s24 =	sadd.s32 s18, s23;
	s28 =	sadd.s32 s18, s13;
	[dreg:$0x5] =	wrdreg s6  }
0x11: {  	s5 =	sadd.s32 s18, s29;
	s8 =	sshll.u32 s9, $0x7;
	[dreg:$0x6] =	wrdreg s22  }
0x12: {  	s13 =	sshll.u32 s11, $0x7;
	s17 =	sadd.s32 s1, s16;
	[dreg:$0x7] =	wrdreg s24  }
0x13: {  	s3 =	sadd.s32 $0x181400, s0;
	s21 =	simm.s32 $0x80;
	[dreg:$0x9] =	wrdreg s28  }
0x14: {  	s23 =	sshrl.u32 s4, $0x1;
	s29 =	simm.s32 $0x300;
	[dreg:$0xa] =	wrdreg s5  }
0x15: {  	s11 =	simm.s32 $0x12C00;
	s16 =	simm.s32 $0x15400;
	[dreg:$0x10] =	wrdreg s17  }
0x16: {  	s6 =	sadd.s32 s18, s26;
	s5 =	sadd.s32 s1, s30;
	[dreg:$0x13] =	wrdreg s21  }
0x17: {  	s9 =	sadd.s32 s1, s8;
	s15 =	sadd.s32 s1, s13;
	[dreg:$0x18] =	wrdreg s29  }
0x18: {  	s18 =	sshll.u32 s12, $0x7;
	s22 =	simm.s32 $0x100;
	[dreg:$0x8] =	wrdreg s6  }
0x19: {  	s24 =	simm.s32 $0x180;
	s25 =	ssub.s32 s4, s23;
	[dreg:$0xc] =	wrdreg s5  }
0x1a: {  	s26 =	simm.s32 $0x200;
	s4 =	sadd.s32 $0x181500, s0;
	[dreg:$0xe] =	wrdreg s9  }
0x1b: {  	s28 =	simm.s32 $0x280;
	s30 =	simm.s32 $0x380;
	[dreg:$0xf] =	wrdreg s15  }
0x1c: {  	s8 =	simm.s32 $0x1;
	s21 =	simm.s32 $0x3;
	[dreg:$0x14] =	wrdreg s22  }
0x1d: {  	s23 =	simm.s32 $0x8400;
	s12 =	simm.s32 $0x13400;
	[dreg:$0x15] =	wrdreg s24  }
0x1e: {  	s13 =	simm.s32 $0x13C00;
	s17 =	simm.s32 $0x15C00;
	[dreg:$0x16] =	wrdreg s26  }
0x1f: {  	s6 =	sshll.u32 s20, $0x7;
	s19 =	sadd.s32 s1, s18;
	[dreg:$0x17] =	wrdreg s28  }
0x20: {  	s20 =	sshll.u32 s14, $0x7;
	s5 =	sadd.s32 $0x181600, s0;
	[dreg:$0x19] =	wrdreg s30  }
0x21: {  	s9 =	simm.s32 $0x2;
	s22 =	simm.s32 $0x6;
	s14 =	simm.s32 $0x14400  }
0x22: {  	s15 =	simm.s32 $0x14C00;
	s18 =	simm.s32 $0x16400;
	s24 =	simm.s32 $0x16C00  }
0x23: {  	v2 =	vlaneseq.u32;
	s7 =	sadd.s32 s1, s6;
	[dreg:$0x11] =	wrdreg s19;
	s1 =	sadd.s32 s1, s20  }
0x24: {  	vm0 =	vmmov $0xffff;
	v1 =	vshrl.u32 v2, $0x3;
	s6 =	sadd.s32 $0x181700, s0;
	s20 =	simm.s32 $0x5;
	[dreg:$0xd] =	wrdreg s7  }
0x25: {  	v0 =	vand.u32 $0x7, v2;
	v2 =	vor.u32 $0x8, v2;
	v1 =	vmul.u32 $0x8, v1;
	[dreg:$0x12] =	wrdreg s1;
	s7 =	smax.u32 s25, $0x1;
	s25 =	simm.s32 $0x400  }
.LBB2_1:
0x26: {  	s26 =	rddreg [dreg:$0x3]  }
0x27: {  	s28 =	rddreg [dreg:$0x4]  }
0x28: {  	s29 =	rddreg [dreg:$0x13]  }
0x29: {  	s1 =	rddreg [dreg:$0x5]  }
0x2a: {  	s10 =	rddreg [dreg:$0x14]  }
0x2b: {  	s19 =	rddreg [dreg:$0x6]  }
0x2c: {  	[tilespmem:s2], [sflag:$0x1] =	stream.linear.gather [hbm4b:s26+s2], $0x20, $0x38;
	[tilespmem:$0x18400] =	vst v63  }
0x2d: {  	s30 =	rddreg [dreg:$0x15]  }
0x2e: {  	[tilespmem:s29], [sflag:$0x1] =	stream.linear.gather [hbm4b:s28+s2], $0x20, $0x38;
	[tilespmem:$0x18400] =	vst v63  }
0x2f: {  	s0 =	rddreg [dreg:$0x7]  }
0x30: {  	[tilespmem:s10], [sflag:$0x1] =	stream.linear.gather [hbm4b:s1+s2], $0x20, $0x38;
	[tilespmem:$0x18400] =	vst v63  }
0x31: {  	s1 =	rddreg [dreg:$0x16]  }
0x32: {  	s10 =	rddreg [dreg:$0x8]  }
0x33: {  	[tilespmem:s30], [sflag:$0x1] =	stream.linear.gather [hbm4b:s19+s2], $0x20, $0x38;
	[tilespmem:$0x18400] =	vst v63  }
0x34: {  	s19 =	rddreg [dreg:$0x17]  }
0x35: {  	[tilespmem:s1], [sflag:$0x1] =	stream.linear.gather [hbm4b:s0+s2], $0x20, $0x38;
	[tilespmem:$0x18400] =	vst v63  }
0x36: {  	s0 =	rddreg [dreg:$0x9]  }
0x37: {  	s1 =	rddreg [dreg:$0x18]  }
0x38: {  	[tilespmem:s19], [sflag:$0x1] =	stream.linear.gather [hbm4b:s10+s2], $0x20, $0x38;
	[tilespmem:$0x18400] =	vst v63  }
0x39: {  	s10 =	rddreg [dreg:$0xa]  }
0x3a: {  	[tilespmem:s1], [sflag:$0x1] =	stream.linear.gather [hbm4b:s0+s2], $0x20, $0x38;
	[tilespmem:$0x18400] =	vst v63  }
0x3b: {  	s19 =	rddreg [dreg:$0x19]  }
0x3c: {  	[tilespmem:s19], [sflag:$0x1] =	stream.linear.gather [hbm4b:s10+s2], $0x20, $0x38;
	[tilespmem:$0x18400] =	vst v63  }
0x3d: {  	_ =	swait.ge [sflag:s8], $0x20  }
0x3e: {  	[sflag:s8] =	ssyncset.done $0x0  }
0x3f: {  	[sflag:s8] =	ssyncadd.s32 $0xFFFFFFE0  }
0x40: {  	_ =	swait.ge [sflag:s8], $0x20  }
0x41: {  	[sflag:s8] =	ssyncset.done $0x0  }
0x42: {  	[sflag:s8] =	ssyncadd.s32 $0xFFFFFFE0  }
0x43: {  	_ =	swait.ge [sflag:s8], $0x20  }
0x44: {  	[sflag:s8] =	ssyncset.done $0x0  }
0x45: {  	[sflag:s8] =	ssyncadd.s32 $0xFFFFFFE0  }
0x46: {  	_ =	swait.ge [sflag:s8], $0x20  }
0x47: {  	[sflag:s8] =	ssyncset.done $0x0  }
0x48: {  	[sflag:s8] =	ssyncadd.s32 $0xFFFFFFE0  }
0x49: {  	_ =	swait.ge [sflag:s8], $0x20  }
0x4a: {  	[sflag:s8] =	ssyncset.done $0x0  }
0x4b: {  	[sflag:s8] =	ssyncadd.s32 $0xFFFFFFE0  }
0x4c: {  	_ =	swait.ge [sflag:s8], $0x20  }
0x4d: {  	[sflag:s8] =	ssyncset.done $0x0  }
0x4e: {  	[sflag:s8] =	ssyncadd.s32 $0xFFFFFFE0  }
0x4f: {  	_ =	swait.ge [sflag:s8], $0x20  }
0x50: {  	[sflag:s8] =	ssyncset.done $0x0  }
0x51: {  	[sflag:s8] =	ssyncadd.s32 $0xFFFFFFE0  }
0x52: {  	_ =	swait.ge [sflag:s8], $0x20  }
0x53: {  	[sflag:s8] =	ssyncset.done $0x0  }
0x54: {  	[sflag:s8] =	ssyncadd.s32 $0xFFFFFFE0  }
0x55: {  	v3 =	vld [tilespmem:$0x0];
	_ =	sdelay $0x4  }
0x56: {  	v4 =	vshll.u32 v3, $0x3  }
0x57: {  	v3 =	vand.u32 $0x7, v3;
	v4 =	vand.u32 $0xFFFFFFC0, v4  }
0x58: {  	v3 =	vor.u32 v3, v4  }
0x59: {  	v4 =	vperm.xlane v3, v0;
	_ =	sdelay $0x1  }
0x5a: {  	v4 =	vadd.s32 v1, v4;
	_ =	sdelay $0x4  }
0x5b: {  	[tilespmem:s25], [sflag:$0x2] =	stream.indirect_vreg.gather [hbm4b:s3+s2], $0x80, v4, vm0, $0xb8;
	[tilespmem:$0x18400] =	vst v63  }
0x5c: {  	s0 =	simm.s32 $0xC00;
	v3 =	vperm.xlane v3, v2  }
0x5d: {  	[tilespmem:s0], [sflag:$0x2] =	stream.indirect_vreg.gather [hbm4b:s4+s2], $0x80, v4, vm0, $0xb8;
	[tilespmem:$0x18400] =	vst v63  }
0x5e: {  	s30 =	simm.s32 $0x1400;
	v3 =	vadd.s32 v1, v3  }
0x5f: {  	[tilespmem:s30], [sflag:$0x2] =	stream.indirect_vreg.gather [hbm4b:s5+s2], $0x80, v4, vm0, $0xb8;
	[tilespmem:$0x18400] =	vst v63  }
0x60: {  	s10 =	simm.s32 $0x1C00  }
0x61: {  	[tilespmem:s10], [sflag:$0x2] =	stream.indirect_vreg.gather [hbm4b:s6+s2], $0x80, v4, vm0, $0xb8;
	[tilespmem:$0x18400] =	vst v63  }
0x62: {  	s19 =	simm.s32 $0x2400  }
0x63: {  	[tilespmem:s19], [sflag:$0x2] =	stream.indirect_vreg.gather [hbm4b:s3+s2], $0x80, v3, vm0, $0xb8;
	[tilespmem:$0x18400] =	vst v63  }
0x64: {  	s26 =	simm.s32 $0x2C00  }
0x65: {  	[tilespmem:s26], [sflag:$0x2] =	stream.indirect_vreg.gather [hbm4b:s4+s2], $0x80, v3, vm0, $0xb8;
	[tilespmem:$0x18400] =	vst v63  }
0x66: {  	s28 =	simm.s32 $0x3400  }
0x67: {  	[tilespmem:s28], [sflag:$0x2] =	stream.indirect_vreg.gather [hbm4b:s5+s2], $0x80, v3, vm0, $0xb8;
	[tilespmem:$0x18400] =	vst v63  }
0x68: {  	s29 =	simm.s32 $0x3C00  }
0x69: {  	[tilespmem:s29], [sflag:$0x2] =	stream.indirect_vreg.gather [hbm4b:s6+s2], $0x80, v3, vm0, $0xb8;
	[tilespmem:$0x18400] =	vst v63  }
0x6a: {  	v3 =	vld [tilespmem:$0x10];
	_ =	sdelay $0x4  }
0x6b: {  	v49 =	vshll.u32 v3, $0x3  }
0x6c: {  	v3 =	vand.u32 $0x7, v3;
	v4 =	vand.u32 $0xFFFFFFC0, v49  }
0x6d: {  	v3 =	vor.u32 v3, v4  }
0x6e: {  	v4 =	vperm.xlane v3, v0;
	_ =	sdelay $0x1  }
0x6f: {  	v4 =	vadd.s32 v1, v4;
	_ =	sdelay $0x3  }
0x70: {  	s30 =	simm.s32 $0x4400  }
0x71: {  	[tilespmem:s30], [sflag:$0x2] =	stream.indirect_vreg.gather [hbm4b:s3+s2], $0x80, v4, vm0, $0xb8;
	[tilespmem:$0x18400] =	vst v63  }
0x72: {  	s10 =	simm.s32 $0x4C00;
	v3 =	vperm.xlane v3, v2  }
0x73: {  	[tilespmem:s10], [sflag:$0x2] =	stream.indirect_vreg.gather [hbm4b:s4+s2], $0x80, v4, vm0, $0xb8;
	[tilespmem:$0x18400] =	vst v63  }
0x74: {  	s26 =	simm.s32 $0x5400;
	v3 =	vadd.s32 v1, v3  }
0x75: {  	[tilespmem:s26], [sflag:$0x2] =	stream.indirect_vreg.gather [hbm4b:s5+s2], $0x80, v4, vm0, $0xb8;
	[tilespmem:$0x18400] =	vst v63  }
0x76: {  	s28 =	simm.s32 $0x5C00  }
0x77: {  	[tilespmem:s28], [sflag:$0x2] =	stream.indirect_vreg.gather [hbm4b:s6+s2], $0x80, v4, vm0, $0xb8;
	[tilespmem:$0x18400] =	vst v63  }
0x78: {  	s29 =	simm.s32 $0x6400  }
0x79: {  	[tilespmem:s29], [sflag:$0x2] =	stream.indirect_vreg.gather [hbm4b:s3+s2], $0x80, v3, vm0, $0xb8;
	[tilespmem:$0x18400] =	vst v63  }
0x7a: {  	s30 =	simm.s32 $0x6C00  }
0x7b: {  	[tilespmem:s30], [sflag:$0x2] =	stream.indirect_vreg.gather [hbm4b:s4+s2], $0x80, v3, vm0, $0xb8;
	[tilespmem:$0x18400] =	vst v63  }
0x7c: {  	s10 =	simm.s32 $0x7400  }
0x7d: {  	[tilespmem:s10], [sflag:$0x2] =	stream.indirect_vreg.gather [hbm4b:s5+s2], $0x80, v3, vm0, $0xb8;
	[tilespmem:$0x18400] =	vst v63  }
0x7e: {  	s26 =	simm.s32 $0x7C00  }
0x7f: {  	[tilespmem:s26], [sflag:$0x2] =	stream.indirect_vreg.gather [hbm4b:s6+s2], $0x80, v3, vm0, $0xb8;
	[tilespmem:$0x18400] =	vst v63  }
0x80: {  	v3 =	vld [tilespmem:$0x80];
	_ =	sdelay $0x4  }
0x81: {  	v50 =	vshll.u32 v3, $0x3  }
0x82: {  	v3 =	vand.u32 $0x7, v3;
	v4 =	vand.u32 $0xFFFFFFC0, v50  }
0x83: {  	v3 =	vor.u32 v3, v4  }
0x84: {  	v4 =	vperm.xlane v3, v0;
	_ =	sdelay $0x1  }
0x85: {  	v4 =	vadd.s32 v1, v4;
	_ =	sdelay $0x4  }
0x86: {  	[tilespmem:s23], [sflag:$0x3] =	stream.indirect_vreg.gather [hbm4b:s3+s2], $0x80, v4, vm0, $0xb8;
	[tilespmem:$0x18400] =	vst v63  }
0x87: {  	s28 =	simm.s32 $0x8C00;
	v3 =	vperm.xlane v3, v2  }
0x88: {  	[tilespmem:s28], [sflag:$0x3] =	stream.indirect_vreg.gather [hbm4b:s4+s2], $0x80, v4, vm0, $0xb8;
	[tilespmem:$0x18400] =	vst v63  }
0x89: {  	s29 =	simm.s32 $0x9400;
	v3 =	vadd.s32 v1, v3  }
0x8a: {  	[tilespmem:s29], [sflag:$0x3] =	stream.indirect_vreg.gather [hbm4b:s5+s2], $0x80, v4, vm0, $0xb8;
	[tilespmem:$0x18400] =	vst v63  }
0x8b: {  	s30 =	simm.s32 $0x9C00  }
0x8c: {  	[tilespmem:s30], [sflag:$0x3] =	stream.indirect_vreg.gather [hbm4b:s6+s2], $0x80, v4, vm0, $0xb8;
	[tilespmem:$0x18400] =	vst v63  }
0x8d: {  	s10 =	simm.s32 $0xA400  }
0x8e: {  	[tilespmem:s10], [sflag:$0x3] =	stream.indirect_vreg.gather [hbm4b:s3+s2], $0x80, v3, vm0, $0xb8;
	[tilespmem:$0x18400] =	vst v63  }
0x8f: {  	s26 =	simm.s32 $0xAC00  }
0x90: {  	[tilespmem:s26], [sflag:$0x3] =	stream.indirect_vreg.gather [hbm4b:s4+s2], $0x80, v3, vm0, $0xb8;
	[tilespmem:$0x18400] =	vst v63  }
0x91: {  	s28 =	simm.s32 $0xB400  }
0x92: {  	[tilespmem:s28], [sflag:$0x3] =	stream.indirect_vreg.gather [hbm4b:s5+s2], $0x80, v3, vm0, $0xb8;
	[tilespmem:$0x18400] =	vst v63  }
0x93: {  	s29 =	simm.s32 $0xBC00  }
0x94: {  	[tilespmem:s29], [sflag:$0x3] =	stream.indirect_vreg.gather [hbm4b:s6+s2], $0x80, v3, vm0, $0xb8;
	[tilespmem:$0x18400] =	vst v63  }
0x95: {  	v3 =	vld [tilespmem:$0x90];
	_ =	sdelay $0x4  }
0x96: {  	v51 =	vshll.u32 v3, $0x3  }
0x97: {  	v3 =	vand.u32 $0x7, v3;
	v4 =	vand.u32 $0xFFFFFFC0, v51  }
0x98: {  	v3 =	vor.u32 v3, v4  }
0x99: {  	v4 =	vperm.xlane v3, v0;
	_ =	sdelay $0x1  }
0x9a: {  	v4 =	vadd.s32 v1, v4;
	_ =	sdelay $0x3  }
0x9b: {  	s30 =	simm.s32 $0xC400  }
0x9c: {  	[tilespmem:s30], [sflag:$0x3] =	stream.indirect_vreg.gather [hbm4b:s3+s2], $0x80, v4, vm0, $0xb8;
	[tilespmem:$0x18400] =	vst v63  }
0x9d: {  	s10 =	simm.s32 $0xCC00;
	v3 =	vperm.xlane v3, v2  }
0x9e: {  	[tilespmem:s10], [sflag:$0x3] =	stream.indirect_vreg.gather [hbm4b:s4+s2], $0x80, v4, vm0, $0xb8;
	[tilespmem:$0x18400] =	vst v63  }
0x9f: {  	s26 =	simm.s32 $0xD400;
	v3 =	vadd.s32 v1, v3  }
0xa0: {  	[tilespmem:s26], [sflag:$0x3] =	stream.indirect_vreg.gather [hbm4b:s5+s2], $0x80, v4, vm0, $0xb8;
	[tilespmem:$0x18400] =	vst v63  }
0xa1: {  	s28 =	simm.s32 $0xDC00  }
0xa2: {  	[tilespmem:s28], [sflag:$0x3] =	stream.indirect_vreg.gather [hbm4b:s6+s2], $0x80, v4, vm0, $0xb8;
	[tilespmem:$0x18400] =	vst v63  }
0xa3: {  	s29 =	simm.s32 $0xE400  }
0xa4: {  	[tilespmem:s29], [sflag:$0x3] =	stream.indirect_vreg.gather [hbm4b:s3+s2], $0x80, v3, vm0, $0xb8;
	[tilespmem:$0x18400] =	vst v63  }
0xa5: {  	s30 =	simm.s32 $0xEC00  }
0xa6: {  	[tilespmem:s30], [sflag:$0x3] =	stream.indirect_vreg.gather [hbm4b:s4+s2], $0x80, v3, vm0, $0xb8;
	[tilespmem:$0x18400] =	vst v63  }
0xa7: {  	s10 =	simm.s32 $0xF400  }
0xa8: {  	[tilespmem:s10], [sflag:$0x3] =	stream.indirect_vreg.gather [hbm4b:s5+s2], $0x80, v3, vm0, $0xb8;
	[tilespmem:$0x18400] =	vst v63  }
0xa9: {  	s26 =	simm.s32 $0xFC00  }
0xaa: {  	[tilespmem:s26], [sflag:$0x3] =	stream.indirect_vreg.gather [hbm4b:s6+s2], $0x80, v3, vm0, $0xb8;
	[tilespmem:$0x18400] =	vst v63  }
0xab: {  	v3 =	vld [tilespmem:$0x100];
	_ =	sdelay $0x4  }
0xac: {  	v52 =	vshll.u32 v3, $0x3  }
0xad: {  	v3 =	vand.u32 $0x7, v3;
	v4 =	vand.u32 $0xFFFFFFC0, v52  }
0xae: {  	v3 =	vor.u32 v3, v4  }
0xaf: {  	v4 =	vperm.xlane v3, v0;
	_ =	sdelay $0x1  }
0xb0: {  	v4 =	vadd.s32 v1, v4;
	_ =	sdelay $0x3  }
0xb1: {  	s28 =	simm.s32 $0x10400  }
0xb2: {  	[tilespmem:s28], [sflag:$0x4] =	stream.indirect_vreg.gather [hbm4b:s3+s2], $0x80, v4, vm0, $0xb8;
	[tilespmem:$0x18400] =	vst v63  }
0xb3: {  	s30 =	simm.s32 $0x10C00;
	v3 =	vperm.xlane v3, v2  }
0xb4: {  	[tilespmem:s30], [sflag:$0x4] =	stream.indirect_vreg.gather [hbm4b:s4+s2], $0x80, v4, vm0, $0xb8;
	[tilespmem:$0x18400] =	vst v63  }
0xb5: {  	v3 =	vadd.s32 v1, v3  }
0xb6: {  	[tilespmem:s31], [sflag:$0x4] =	stream.indirect_vreg.gather [hbm4b:s5+s2], $0x80, v4, vm0, $0xb8;
	[tilespmem:$0x18400] =	vst v63  }
0xb7: {  	s29 =	simm.s32 $0x11C00  }
0xb8: {  	[tilespmem:s29], [sflag:$0x4] =	stream.indirect_vreg.gather [hbm4b:s6+s2], $0x80, v4, vm0, $0xb8;
	[tilespmem:$0x18400] =	vst v63  }
0xb9: {  	s10 =	simm.s32 $0x12400  }
0xba: {  	[tilespmem:s10], [sflag:$0x4] =	stream.indirect_vreg.gather [hbm4b:s3+s2], $0x80, v3, vm0, $0xb8;
	[tilespmem:$0x18400] =	vst v63  }
0xbb: {  	_ = 	snop  }
0xbc: {  	[tilespmem:s11], [sflag:$0x4] =	stream.indirect_vreg.gather [hbm4b:s4+s2], $0x80, v3, vm0, $0xb8;
	[tilespmem:$0x18400] =	vst v63  }
0xbd: {  	_ = 	snop  }
0xbe: {  	[tilespmem:s12], [sflag:$0x4] =	stream.indirect_vreg.gather [hbm4b:s5+s2], $0x80, v3, vm0, $0xb8;
	[tilespmem:$0x18400] =	vst v63  }
0xbf: {  	_ = 	snop  }
0xc0: {  	[tilespmem:s13], [sflag:$0x4] =	stream.indirect_vreg.gather [hbm4b:s6+s2], $0x80, v3, vm0, $0xb8;
	[tilespmem:$0x18400] =	vst v63  }
0xc1: {  	v3 =	vld [tilespmem:$0x110];
	_ =	sdelay $0x4  }
0xc2: {  	v53 =	vshll.u32 v3, $0x3  }
0xc3: {  	v3 =	vand.u32 $0x7, v3;
	v4 =	vand.u32 $0xFFFFFFC0, v53  }
0xc4: {  	v3 =	vor.u32 v3, v4  }
0xc5: {  	v4 =	vperm.xlane v3, v0;
	_ =	sdelay $0x1  }
0xc6: {  	v4 =	vadd.s32 v1, v4;
	_ =	sdelay $0x4  }
0xc7: {  	[tilespmem:s14], [sflag:$0x4] =	stream.indirect_vreg.gather [hbm4b:s3+s2], $0x80, v4, vm0, $0xb8;
	[tilespmem:$0x18400] =	vst v63  }
0xc8: {  	v3 =	vperm.xlane v3, v2  }
0xc9: {  	[tilespmem:s15], [sflag:$0x4] =	stream.indirect_vreg.gather [hbm4b:s4+s2], $0x80, v4, vm0, $0xb8;
	[tilespmem:$0x18400] =	vst v63  }
0xca: {  	v3 =	vadd.s32 v1, v3  }
0xcb: {  	[tilespmem:s16], [sflag:$0x4] =	stream.indirect_vreg.gather [hbm4b:s5+s2], $0x80, v4, vm0, $0xb8;
	[tilespmem:$0x18400] =	vst v63  }
0xcc: {  	_ = 	snop  }
0xcd: {  	[tilespmem:s17], [sflag:$0x4] =	stream.indirect_vreg.gather [hbm4b:s6+s2], $0x80, v4, vm0, $0xb8;
	[tilespmem:$0x18400] =	vst v63  }
0xce: {  	_ = 	snop  }
0xcf: {  	[tilespmem:s18], [sflag:$0x4] =	stream.indirect_vreg.gather [hbm4b:s3+s2], $0x80, v3, vm0, $0xb8;
	[tilespmem:$0x18400] =	vst v63  }
0xd0: {  	_ = 	snop  }
0xd1: {  	[tilespmem:s24], [sflag:$0x4] =	stream.indirect_vreg.gather [hbm4b:s4+s2], $0x80, v3, vm0, $0xb8;
	[tilespmem:$0x18400] =	vst v63  }
0xd2: {  	s28 =	simm.s32 $0x17400  }
0xd3: {  	[tilespmem:s28], [sflag:$0x4] =	stream.indirect_vreg.gather [hbm4b:s5+s2], $0x80, v3, vm0, $0xb8;
	[tilespmem:$0x18400] =	vst v63  }
0xd4: {  	s29 =	simm.s32 $0x17C00  }
0xd5: {  	[tilespmem:s29], [sflag:$0x4] =	stream.indirect_vreg.gather [hbm4b:s6+s2], $0x80, v3, vm0, $0xb8;
	[tilespmem:$0x18400] =	vst v63  }
0xd6: {  	_ =	swait.ge [sflag:s9], $0x8000  }
0xd7: {  	[sflag:s9] =	ssyncset.done $0x0  }
0xd8: {  	s0 =	rddreg [dreg:$0xb];
	[sflag:s9] =	ssyncadd.s32 $0xFFFF8000  }
0xd9: {  	[hbm4b:s0+s2] =	stream.linear.scatter [tilespmem:s25], [sflag:$0x5], $0x8000, $0x38;
	[tilespmem:$0x18400] =	vst v63  }
0xda: {  	_ =	swait.ge [sflag:s20], $0x8000  }
0xdb: {  	[sflag:s20] =	ssyncset.done $0x0  }
0xdc: {  	[sflag:s20] =	ssyncadd.s32 $0xFFFF8000  }
0xdd: {  	v3 =	vld [tilespmem:$0x180];
	_ =	sdelay $0x4  }
0xde: {  	v54 =	vshll.u32 v3, $0x3  }
0xdf: {  	v3 =	vand.u32 $0x7, v3;
	v4 =	vand.u32 $0xFFFFFFC0, v54  }
0xe0: {  	v3 =	vor.u32 v3, v4  }
0xe1: {  	v4 =	vperm.xlane v3, v0;
	_ =	sdelay $0x1  }
0xe2: {  	v4 =	vadd.s32 v1, v4;
	_ =	sdelay $0x4  }
0xe3: {  	[tilespmem:s25], [sflag:$0x2] =	stream.indirect_vreg.gather [hbm4b:s3+s2], $0x80, v4, vm0, $0xb8;
	[tilespmem:$0x18400] =	vst v63  }
0xe4: {  	s1 =	simm.s32 $0xC00;
	v3 =	vperm.xlane v3, v2  }
0xe5: {  	[tilespmem:s1], [sflag:$0x2] =	stream.indirect_vreg.gather [hbm4b:s4+s2], $0x80, v4, vm0, $0xb8;
	[tilespmem:$0x18400] =	vst v63  }
0xe6: {  	v3 =	vadd.s32 v1, v3;
	s1 =	simm.s32 $0x1400  }
0xe7: {  	[tilespmem:s1], [sflag:$0x2] =	stream.indirect_vreg.gather [hbm4b:s5+s2], $0x80, v4, vm0, $0xb8;
	[tilespmem:$0x18400] =	vst v63  }
0xe8: {  	s26 =	simm.s32 $0x1C00  }
0xe9: {  	[tilespmem:s26], [sflag:$0x2] =	stream.indirect_vreg.gather [hbm4b:s6+s2], $0x80, v4, vm0, $0xb8;
	[tilespmem:$0x18400] =	vst v63  }
0xea: {  	s1 =	simm.s32 $0x2400  }
0xeb: {  	[tilespmem:s1], [sflag:$0x2] =	stream.indirect_vreg.gather [hbm4b:s3+s2], $0x80, v3, vm0, $0xb8;
	[tilespmem:$0x18400] =	vst v63  }
0xec: {  	s26 =	simm.s32 $0x2C00  }
0xed: {  	[tilespmem:s26], [sflag:$0x2] =	stream.indirect_vreg.gather [hbm4b:s4+s2], $0x80, v3, vm0, $0xb8;
	[tilespmem:$0x18400] =	vst v63  }
0xee: {  	s1 =	simm.s32 $0x3400  }
0xef: {  	[tilespmem:s1], [sflag:$0x2] =	stream.indirect_vreg.gather [hbm4b:s5+s2], $0x80, v3, vm0, $0xb8;
	[tilespmem:$0x18400] =	vst v63  }
0xf0: {  	s19 =	simm.s32 $0x3C00  }
0xf1: {  	[tilespmem:s19], [sflag:$0x2] =	stream.indirect_vreg.gather [hbm4b:s6+s2], $0x80, v3, vm0, $0xb8;
	[tilespmem:$0x18400] =	vst v63  }
0xf2: {  	v3 =	vld [tilespmem:$0x190];
	_ =	sdelay $0x4  }
0xf3: {  	v55 =	vshll.u32 v3, $0x3  }
0xf4: {  	v3 =	vand.u32 $0x7, v3;
	v4 =	vand.u32 $0xFFFFFFC0, v55  }
0xf5: {  	v3 =	vor.u32 v3, v4  }
0xf6: {  	v4 =	vperm.xlane v3, v0;
	_ =	sdelay $0x1  }
0xf7: {  	v4 =	vadd.s32 v1, v4;
	_ =	sdelay $0x3  }
0xf8: {  	s19 =	simm.s32 $0x4400  }
0xf9: {  	[tilespmem:s19], [sflag:$0x2] =	stream.indirect_vreg.gather [hbm4b:s3+s2], $0x80, v4, vm0, $0xb8;
	[tilespmem:$0x18400] =	vst v63  }
0xfa: {  	s26 =	simm.s32 $0x4C00;
	v3 =	vperm.xlane v3, v2  }
0xfb: {  	[tilespmem:s26], [sflag:$0x2] =	stream.indirect_vreg.gather [hbm4b:s4+s2], $0x80, v4, vm0, $0xb8;
	[tilespmem:$0x18400] =	vst v63  }
0xfc: {  	s1 =	simm.s32 $0x5400;
	v3 =	vadd.s32 v1, v3  }
0xfd: {  	[tilespmem:s1], [sflag:$0x2] =	stream.indirect_vreg.gather [hbm4b:s5+s2], $0x80, v4, vm0, $0xb8;
	[tilespmem:$0x18400] =	vst v63  }
0xfe: {  	s19 =	simm.s32 $0x5C00  }
0xff: {  	[tilespmem:s19], [sflag:$0x2] =	stream.indirect_vreg.gather [hbm4b:s6+s2], $0x80, v4, vm0, $0xb8;
	[tilespmem:$0x18400] =	vst v63  }
0x100: {  	s26 =	simm.s32 $0x6400  }
0x101: {  	[tilespmem:s26], [sflag:$0x2] =	stream.indirect_vreg.gather [hbm4b:s3+s2], $0x80, v3, vm0, $0xb8;
	[tilespmem:$0x18400] =	vst v63  }
0x102: {  	s1 =	simm.s32 $0x6C00  }
0x103: {  	[tilespmem:s1], [sflag:$0x2] =	stream.indirect_vreg.gather [hbm4b:s4+s2], $0x80, v3, vm0, $0xb8;
	[tilespmem:$0x18400] =	vst v63  }
0x104: {  	s19 =	simm.s32 $0x7400  }
0x105: {  	[tilespmem:s19], [sflag:$0x2] =	stream.indirect_vreg.gather [hbm4b:s5+s2], $0x80, v3, vm0, $0xb8;
	[tilespmem:$0x18400] =	vst v63  }
0x106: {  	s26 =	simm.s32 $0x7C00  }
0x107: {  	[tilespmem:s26], [sflag:$0x2] =	stream.indirect_vreg.gather [hbm4b:s6+s2], $0x80, v3, vm0, $0xb8;
	[tilespmem:$0x18400] =	vst v63  }
0x108: {  	_ =	swait.ge [sflag:s21], $0x8000  }
0x109: {  	[sflag:s21] =	ssyncset.done $0x0  }
0x10a: {  	s0 =	rddreg [dreg:$0xc];
	[sflag:s21] =	ssyncadd.s32 $0xFFFF8000  }
0x10b: {  	[hbm4b:s0+s2] =	stream.linear.scatter [tilespmem:s23], [sflag:$0x6], $0x8000, $0x38;
	[tilespmem:$0x18400] =	vst v63  }
0x10c: {  	_ =	swait.ge [sflag:s22], $0x8000  }
0x10d: {  	[sflag:s22] =	ssyncset.done $0x0  }
0x10e: {  	[sflag:s22] =	ssyncadd.s32 $0xFFFF8000  }
0x10f: {  	v3 =	vld [tilespmem:$0x200];
	_ =	sdelay $0x4  }
0x110: {  	v56 =	vshll.u32 v3, $0x3  }
0x111: {  	v3 =	vand.u32 $0x7, v3;
	v4 =	vand.u32 $0xFFFFFFC0, v56  }
0x112: {  	v3 =	vor.u32 v3, v4  }
0x113: {  	v4 =	vperm.xlane v3, v0;
	_ =	sdelay $0x1  }
0x114: {  	v4 =	vadd.s32 v1, v4;
	_ =	sdelay $0x4  }
0x115: {  	[tilespmem:s23], [sflag:$0x3] =	stream.indirect_vreg.gather [hbm4b:s3+s2], $0x80, v4, vm0, $0xb8;
	[tilespmem:$0x18400] =	vst v63  }
0x116: {  	s1 =	simm.s32 $0x8C00;
	v3 =	vperm.xlane v3, v2  }
0x117: {  	[tilespmem:s1], [sflag:$0x3] =	stream.indirect_vreg.gather [hbm4b:s4+s2], $0x80, v4, vm0, $0xb8;
	[tilespmem:$0x18400] =	vst v63  }
0x118: {  	s19 =	simm.s32 $0x9400;
	v3 =	vadd.s32 v1, v3  }
0x119: {  	[tilespmem:s19], [sflag:$0x3] =	stream.indirect_vreg.gather [hbm4b:s5+s2], $0x80, v4, vm0, $0xb8;
	[tilespmem:$0x18400] =	vst v63  }
0x11a: {  	s26 =	simm.s32 $0x9C00  }
0x11b: {  	[tilespmem:s26], [sflag:$0x3] =	stream.indirect_vreg.gather [hbm4b:s6+s2], $0x80, v4, vm0, $0xb8;
	[tilespmem:$0x18400] =	vst v63  }
0x11c: {  	s1 =	simm.s32 $0xA400  }
0x11d: {  	[tilespmem:s1], [sflag:$0x3] =	stream.indirect_vreg.gather [hbm4b:s3+s2], $0x80, v3, vm0, $0xb8;
	[tilespmem:$0x18400] =	vst v63  }
0x11e: {  	s19 =	simm.s32 $0xAC00  }
0x11f: {  	[tilespmem:s19], [sflag:$0x3] =	stream.indirect_vreg.gather [hbm4b:s4+s2], $0x80, v3, vm0, $0xb8;
	[tilespmem:$0x18400] =	vst v63  }
0x120: {  	s26 =	simm.s32 $0xB400  }
0x121: {  	[tilespmem:s26], [sflag:$0x3] =	stream.indirect_vreg.gather [hbm4b:s5+s2], $0x80, v3, vm0, $0xb8;
	[tilespmem:$0x18400] =	vst v63  }
0x122: {  	s1 =	simm.s32 $0xBC00  }
0x123: {  	[tilespmem:s1], [sflag:$0x3] =	stream.indirect_vreg.gather [hbm4b:s6+s2], $0x80, v3, vm0, $0xb8;
	[tilespmem:$0x18400] =	vst v63  }
0x124: {  	v3 =	vld [tilespmem:$0x210];
	_ =	sdelay $0x4  }
0x125: {  	v57 =	vshll.u32 v3, $0x3  }
0x126: {  	v3 =	vand.u32 $0x7, v3;
	v4 =	vand.u32 $0xFFFFFFC0, v57  }
0x127: {  	v3 =	vor.u32 v3, v4  }
0x128: {  	v4 =	vperm.xlane v3, v0;
	_ =	sdelay $0x1  }
0x129: {  	v4 =	vadd.s32 v1, v4;
	_ =	sdelay $0x3  }
0x12a: {  	s19 =	simm.s32 $0xC400  }
0x12b: {  	[tilespmem:s19], [sflag:$0x3] =	stream.indirect_vreg.gather [hbm4b:s3+s2], $0x80, v4, vm0, $0xb8;
	[tilespmem:$0x18400] =	vst v63  }
0x12c: {  	s26 =	simm.s32 $0xCC00;
	v3 =	vperm.xlane v3, v2  }
0x12d: {  	[tilespmem:s26], [sflag:$0x3] =	stream.indirect_vreg.gather [hbm4b:s4+s2], $0x80, v4, vm0, $0xb8;
	[tilespmem:$0x18400] =	vst v63  }
0x12e: {  	s1 =	simm.s32 $0xD400;
	v3 =	vadd.s32 v1, v3  }
0x12f: {  	[tilespmem:s1], [sflag:$0x3] =	stream.indirect_vreg.gather [hbm4b:s5+s2], $0x80, v4, vm0, $0xb8;
	[tilespmem:$0x18400] =	vst v63  }
0x130: {  	s19 =	simm.s32 $0xDC00  }
0x131: {  	[tilespmem:s19], [sflag:$0x3] =	stream.indirect_vreg.gather [hbm4b:s6+s2], $0x80, v4, vm0, $0xb8;
	[tilespmem:$0x18400] =	vst v63  }
0x132: {  	s26 =	simm.s32 $0xE400  }
0x133: {  	[tilespmem:s26], [sflag:$0x3] =	stream.indirect_vreg.gather [hbm4b:s3+s2], $0x80, v3, vm0, $0xb8;
	[tilespmem:$0x18400] =	vst v63  }
0x134: {  	s1 =	simm.s32 $0xEC00  }
0x135: {  	[tilespmem:s1], [sflag:$0x3] =	stream.indirect_vreg.gather [hbm4b:s4+s2], $0x80, v3, vm0, $0xb8;
	[tilespmem:$0x18400] =	vst v63  }
0x136: {  	s19 =	simm.s32 $0xF400  }
0x137: {  	[tilespmem:s19], [sflag:$0x3] =	stream.indirect_vreg.gather [hbm4b:s5+s2], $0x80, v3, vm0, $0xb8;
	[tilespmem:$0x18400] =	vst v63  }
0x138: {  	s0 =	simm.s32 $0x4;
	s26 =	simm.s32 $0xFC00  }
0x139: {  	[tilespmem:s26], [sflag:$0x3] =	stream.indirect_vreg.gather [hbm4b:s6+s2], $0x80, v3, vm0, $0xb8;
	[tilespmem:$0x18400] =	vst v63  }
0x13a: {  	_ =	swait.ge [sflag:s0], $0x8000  }
0x13b: {  	[sflag:s0] =	ssyncset.done $0x0  }
0x13c: {  	s19 =	simm.s32 $0x10400;
	s1 =	rddreg [dreg:$0xd];
	[sflag:s0] =	ssyncadd.s32 $0xFFFF8000  }
0x13d: {  	[hbm4b:s1+s2] =	stream.linear.scatter [tilespmem:s19], [sflag:$0x7], $0x8000, $0x38;
	[tilespmem:$0x18400] =	vst v63  }
0x13e: {  	s1 =	simm.s32 $0x7  }
0x13f: {  	_ =	swait.ge [sflag:s1], $0x8000  }
0x140: {  	[sflag:s1] =	ssyncset.done $0x0  }
0x141: {  	[sflag:s1] =	ssyncadd.s32 $0xFFFF8000  }
0x142: {  	v3 =	vld [tilespmem:$0x280];
	_ =	sdelay $0x4  }
0x143: {  	v58 =	vshll.u32 v3, $0x3  }
0x144: {  	v3 =	vand.u32 $0x7, v3;
	v4 =	vand.u32 $0xFFFFFFC0, v58  }
0x145: {  	v3 =	vor.u32 v3, v4  }
0x146: {  	v4 =	vperm.xlane v3, v0;
	_ =	sdelay $0x1  }
0x147: {  	v4 =	vadd.s32 v1, v4;
	_ =	sdelay $0x4  }
0x148: {  	[tilespmem:s19], [sflag:$0x4] =	stream.indirect_vreg.gather [hbm4b:s3+s2], $0x80, v4, vm0, $0xb8;
	[tilespmem:$0x18400] =	vst v63  }
0x149: {  	v3 =	vperm.xlane v3, v2  }
0x14a: {  	[tilespmem:s30], [sflag:$0x4] =	stream.indirect_vreg.gather [hbm4b:s4+s2], $0x80, v4, vm0, $0xb8;
	[tilespmem:$0x18400] =	vst v63  }
0x14b: {  	v3 =	vadd.s32 v1, v3  }
0x14c: {  	[tilespmem:s31], [sflag:$0x4] =	stream.indirect_vreg.gather [hbm4b:s5+s2], $0x80, v4, vm0, $0xb8;
	[tilespmem:$0x18400] =	vst v63  }
0x14d: {  	s30 =	simm.s32 $0x11C00  }
0x14e: {  	[tilespmem:s30], [sflag:$0x4] =	stream.indirect_vreg.gather [hbm4b:s6+s2], $0x80, v4, vm0, $0xb8;
	[tilespmem:$0x18400] =	vst v63  }
0x14f: {  	_ = 	snop  }
0x150: {  	[tilespmem:s10], [sflag:$0x4] =	stream.indirect_vreg.gather [hbm4b:s3+s2], $0x80, v3, vm0, $0xb8;
	[tilespmem:$0x18400] =	vst v63  }
0x151: {  	_ = 	snop  }
0x152: {  	[tilespmem:s11], [sflag:$0x4] =	stream.indirect_vreg.gather [hbm4b:s4+s2], $0x80, v3, vm0, $0xb8;
	[tilespmem:$0x18400] =	vst v63  }
0x153: {  	_ = 	snop  }
0x154: {  	[tilespmem:s12], [sflag:$0x4] =	stream.indirect_vreg.gather [hbm4b:s5+s2], $0x80, v3, vm0, $0xb8;
	[tilespmem:$0x18400] =	vst v63  }
0x155: {  	_ = 	snop  }
0x156: {  	[tilespmem:s13], [sflag:$0x4] =	stream.indirect_vreg.gather [hbm4b:s6+s2], $0x80, v3, vm0, $0xb8;
	[tilespmem:$0x18400] =	vst v63  }
0x157: {  	v3 =	vld [tilespmem:$0x290];
	_ =	sdelay $0x4  }
0x158: {  	v59 =	vshll.u32 v3, $0x3  }
0x159: {  	v3 =	vand.u32 $0x7, v3;
	v4 =	vand.u32 $0xFFFFFFC0, v59  }
0x15a: {  	v3 =	vor.u32 v3, v4  }
0x15b: {  	v4 =	vperm.xlane v3, v0;
	_ =	sdelay $0x1  }
0x15c: {  	v4 =	vadd.s32 v1, v4;
	_ =	sdelay $0x4  }
0x15d: {  	[tilespmem:s14], [sflag:$0x4] =	stream.indirect_vreg.gather [hbm4b:s3+s2], $0x80, v4, vm0, $0xb8;
	[tilespmem:$0x18400] =	vst v63  }
0x15e: {  	v3 =	vperm.xlane v3, v2  }
0x15f: {  	[tilespmem:s15], [sflag:$0x4] =	stream.indirect_vreg.gather [hbm4b:s4+s2], $0x80, v4, vm0, $0xb8;
	[tilespmem:$0x18400] =	vst v63  }
0x160: {  	v3 =	vadd.s32 v1, v3  }
0x161: {  	[tilespmem:s16], [sflag:$0x4] =	stream.indirect_vreg.gather [hbm4b:s5+s2], $0x80, v4, vm0, $0xb8;
	[tilespmem:$0x18400] =	vst v63  }
0x162: {  	_ = 	snop  }
0x163: {  	[tilespmem:s17], [sflag:$0x4] =	stream.indirect_vreg.gather [hbm4b:s6+s2], $0x80, v4, vm0, $0xb8;
	[tilespmem:$0x18400] =	vst v63  }
0x164: {  	_ = 	snop  }
0x165: {  	[tilespmem:s18], [sflag:$0x4] =	stream.indirect_vreg.gather [hbm4b:s3+s2], $0x80, v3, vm0, $0xb8;
	[tilespmem:$0x18400] =	vst v63  }
0x166: {  	_ = 	snop  }
0x167: {  	[tilespmem:s24], [sflag:$0x4] =	stream.indirect_vreg.gather [hbm4b:s4+s2], $0x80, v3, vm0, $0xb8;
	[tilespmem:$0x18400] =	vst v63  }
0x168: {  	_ = 	snop  }
0x169: {  	[tilespmem:s28], [sflag:$0x4] =	stream.indirect_vreg.gather [hbm4b:s5+s2], $0x80, v3, vm0, $0xb8;
	[tilespmem:$0x18400] =	vst v63  }
0x16a: {  	_ = 	snop  }
0x16b: {  	[tilespmem:s29], [sflag:$0x4] =	stream.indirect_vreg.gather [hbm4b:s6+s2], $0x80, v3, vm0, $0xb8;
	[tilespmem:$0x18400] =	vst v63  }
0x16c: {  	_ =	swait.ge [sflag:s9], $0x8000  }
0x16d: {  	[sflag:s9] =	ssyncset.done $0x0  }
0x16e: {  	s10 =	rddreg [dreg:$0xe];
	[sflag:s9] =	ssyncadd.s32 $0xFFFF8000  }
0x16f: {  	[hbm4b:s10+s2] =	stream.linear.scatter [tilespmem:s25], [sflag:$0x5], $0x8000, $0x38;
	[tilespmem:$0x18400] =	vst v63  }
0x170: {  	_ =	swait.ge [sflag:s20], $0x8000  }
0x171: {  	[sflag:s20] =	ssyncset.done $0x0  }
0x172: {  	[sflag:s20] =	ssyncadd.s32 $0xFFFF8000  }
0x173: {  	v3 =	vld [tilespmem:$0x300];
	_ =	sdelay $0x4  }
0x174: {  	v60 =	vshll.u32 v3, $0x3  }
0x175: {  	v3 =	vand.u32 $0x7, v3;
	v4 =	vand.u32 $0xFFFFFFC0, v60  }
0x176: {  	v3 =	vor.u32 v3, v4  }
0x177: {  	v4 =	vperm.xlane v3, v0;
	_ =	sdelay $0x1  }
0x178: {  	v4 =	vadd.s32 v1, v4;
	_ =	sdelay $0x4  }
0x179: {  	[tilespmem:s25], [sflag:$0x2] =	stream.indirect_vreg.gather [hbm4b:s3+s2], $0x80, v4, vm0, $0xb8;
	[tilespmem:$0x18400] =	vst v63  }
0x17a: {  	s19 =	simm.s32 $0xC00;
	v3 =	vperm.xlane v3, v2  }
0x17b: {  	[tilespmem:s19], [sflag:$0x2] =	stream.indirect_vreg.gather [hbm4b:s4+s2], $0x80, v4, vm0, $0xb8;
	[tilespmem:$0x18400] =	vst v63  }
0x17c: {  	s26 =	simm.s32 $0x1400;
	v3 =	vadd.s32 v1, v3  }
0x17d: {  	[tilespmem:s26], [sflag:$0x2] =	stream.indirect_vreg.gather [hbm4b:s5+s2], $0x80, v4, vm0, $0xb8;
	[tilespmem:$0x18400] =	vst v63  }
0x17e: {  	s28 =	simm.s32 $0x1C00  }
0x17f: {  	[tilespmem:s28], [sflag:$0x2] =	stream.indirect_vreg.gather [hbm4b:s6+s2], $0x80, v4, vm0, $0xb8;
	[tilespmem:$0x18400] =	vst v63  }
0x180: {  	s29 =	simm.s32 $0x2400  }
0x181: {  	[tilespmem:s29], [sflag:$0x2] =	stream.indirect_vreg.gather [hbm4b:s3+s2], $0x80, v3, vm0, $0xb8;
	[tilespmem:$0x18400] =	vst v63  }
0x182: {  	s30 =	simm.s32 $0x2C00  }
0x183: {  	[tilespmem:s30], [sflag:$0x2] =	stream.indirect_vreg.gather [hbm4b:s4+s2], $0x80, v3, vm0, $0xb8;
	[tilespmem:$0x18400] =	vst v63  }
0x184: {  	s19 =	simm.s32 $0x3400  }
0x185: {  	[tilespmem:s19], [sflag:$0x2] =	stream.indirect_vreg.gather [hbm4b:s5+s2], $0x80, v3, vm0, $0xb8;
	[tilespmem:$0x18400] =	vst v63  }
0x186: {  	s26 =	simm.s32 $0x3C00  }
0x187: {  	[tilespmem:s26], [sflag:$0x2] =	stream.indirect_vreg.gather [hbm4b:s6+s2], $0x80, v3, vm0, $0xb8;
	[tilespmem:$0x18400] =	vst v63  }
0x188: {  	v3 =	vld [tilespmem:$0x310];
	_ =	sdelay $0x4  }
0x189: {  	v61 =	vshll.u32 v3, $0x3  }
0x18a: {  	v3 =	vand.u32 $0x7, v3;
	v4 =	vand.u32 $0xFFFFFFC0, v61  }
0x18b: {  	v3 =	vor.u32 v3, v4  }
0x18c: {  	v4 =	vperm.xlane v3, v0;
	_ =	sdelay $0x1  }
0x18d: {  	v4 =	vadd.s32 v1, v4;
	_ =	sdelay $0x3  }
0x18e: {  	s28 =	simm.s32 $0x4400  }
0x18f: {  	[tilespmem:s28], [sflag:$0x2] =	stream.indirect_vreg.gather [hbm4b:s3+s2], $0x80, v4, vm0, $0xb8;
	[tilespmem:$0x18400] =	vst v63  }
0x190: {  	s29 =	simm.s32 $0x4C00;
	v3 =	vperm.xlane v3, v2  }
0x191: {  	[tilespmem:s29], [sflag:$0x2] =	stream.indirect_vreg.gather [hbm4b:s4+s2], $0x80, v4, vm0, $0xb8;
	[tilespmem:$0x18400] =	vst v63  }
0x192: {  	s30 =	simm.s32 $0x5400;
	v3 =	vadd.s32 v1, v3  }
0x193: {  	[tilespmem:s30], [sflag:$0x2] =	stream.indirect_vreg.gather [hbm4b:s5+s2], $0x80, v4, vm0, $0xb8;
	[tilespmem:$0x18400] =	vst v63  }
0x194: {  	s19 =	simm.s32 $0x5C00  }
0x195: {  	[tilespmem:s19], [sflag:$0x2] =	stream.indirect_vreg.gather [hbm4b:s6+s2], $0x80, v4, vm0, $0xb8;
	[tilespmem:$0x18400] =	vst v63  }
0x196: {  	s26 =	simm.s32 $0x6400  }
0x197: {  	[tilespmem:s26], [sflag:$0x2] =	stream.indirect_vreg.gather [hbm4b:s3+s2], $0x80, v3, vm0, $0xb8;
	[tilespmem:$0x18400] =	vst v63  }
0x198: {  	s28 =	simm.s32 $0x6C00  }
0x199: {  	[tilespmem:s28], [sflag:$0x2] =	stream.indirect_vreg.gather [hbm4b:s4+s2], $0x80, v3, vm0, $0xb8;
	[tilespmem:$0x18400] =	vst v63  }
0x19a: {  	s29 =	simm.s32 $0x7400  }
0x19b: {  	[tilespmem:s29], [sflag:$0x2] =	stream.indirect_vreg.gather [hbm4b:s5+s2], $0x80, v3, vm0, $0xb8;
	[tilespmem:$0x18400] =	vst v63  }
0x19c: {  	s30 =	simm.s32 $0x7C00  }
0x19d: {  	[tilespmem:s30], [sflag:$0x2] =	stream.indirect_vreg.gather [hbm4b:s6+s2], $0x80, v3, vm0, $0xb8;
	[tilespmem:$0x18400] =	vst v63  }
0x19e: {  	_ =	swait.ge [sflag:s21], $0x8000  }
0x19f: {  	[sflag:s21] =	ssyncset.done $0x0  }
0x1a0: {  	s10 =	rddreg [dreg:$0xf];
	[sflag:s21] =	ssyncadd.s32 $0xFFFF8000  }
0x1a1: {  	[hbm4b:s10+s2] =	stream.linear.scatter [tilespmem:s23], [sflag:$0x6], $0x8000, $0x38;
	[tilespmem:$0x18400] =	vst v63  }
0x1a2: {  	_ =	swait.ge [sflag:s22], $0x8000  }
0x1a3: {  	[sflag:s22] =	ssyncset.done $0x0  }
0x1a4: {  	[sflag:s22] =	ssyncadd.s32 $0xFFFF8000  }
0x1a5: {  	v3 =	vld [tilespmem:$0x380];
	_ =	sdelay $0x4  }
0x1a6: {  	v62 =	vshll.u32 v3, $0x3  }
0x1a7: {  	v3 =	vand.u32 $0x7, v3;
	v4 =	vand.u32 $0xFFFFFFC0, v62  }
0x1a8: {  	v3 =	vor.u32 v3, v4  }
0x1a9: {  	v4 =	vperm.xlane v3, v0;
	_ =	sdelay $0x1  }
0x1aa: {  	v4 =	vadd.s32 v1, v4;
	_ =	sdelay $0x4  }
0x1ab: {  	[tilespmem:s23], [sflag:$0x3] =	stream.indirect_vreg.gather [hbm4b:s3+s2], $0x80, v4, vm0, $0xb8;
	[tilespmem:$0x18400] =	vst v63  }
0x1ac: {  	s19 =	simm.s32 $0x8C00;
	v3 =	vperm.xlane v3, v2  }
0x1ad: {  	[tilespmem:s19], [sflag:$0x3] =	stream.indirect_vreg.gather [hbm4b:s4+s2], $0x80, v4, vm0, $0xb8;
	[tilespmem:$0x18400] =	vst v63  }
0x1ae: {  	s26 =	simm.s32 $0x9400;
	v3 =	vadd.s32 v1, v3  }
0x1af: {  	[tilespmem:s26], [sflag:$0x3] =	stream.indirect_vreg.gather [hbm4b:s5+s2], $0x80, v4, vm0, $0xb8;
	[tilespmem:$0x18400] =	vst v63  }
0x1b0: {  	s28 =	simm.s32 $0x9C00  }
0x1b1: {  	[tilespmem:s28], [sflag:$0x3] =	stream.indirect_vreg.gather [hbm4b:s6+s2], $0x80, v4, vm0, $0xb8;
	[tilespmem:$0x18400] =	vst v63  }
0x1b2: {  	s29 =	simm.s32 $0xA400  }
0x1b3: {  	[tilespmem:s29], [sflag:$0x3] =	stream.indirect_vreg.gather [hbm4b:s3+s2], $0x80, v3, vm0, $0xb8;
	[tilespmem:$0x18400] =	vst v63  }
0x1b4: {  	s30 =	simm.s32 $0xAC00  }
0x1b5: {  	[tilespmem:s30], [sflag:$0x3] =	stream.indirect_vreg.gather [hbm4b:s4+s2], $0x80, v3, vm0, $0xb8;
	[tilespmem:$0x18400] =	vst v63  }
0x1b6: {  	s19 =	simm.s32 $0xB400  }
0x1b7: {  	[tilespmem:s19], [sflag:$0x3] =	stream.indirect_vreg.gather [hbm4b:s5+s2], $0x80, v3, vm0, $0xb8;
	[tilespmem:$0x18400] =	vst v63  }
0x1b8: {  	s26 =	simm.s32 $0xBC00  }
0x1b9: {  	[tilespmem:s26], [sflag:$0x3] =	stream.indirect_vreg.gather [hbm4b:s6+s2], $0x80, v3, vm0, $0xb8;
	[tilespmem:$0x18400] =	vst v63  }
0x1ba: {  	v3 =	vld [tilespmem:$0x390];
	_ =	sdelay $0x4  }
0x1bb: {  	v63 =	vshll.u32 v3, $0x3  }
0x1bc: {  	v3 =	vand.u32 $0x7, v3;
	v4 =	vand.u32 $0xFFFFFFC0, v63  }
0x1bd: {  	v3 =	vor.u32 v3, v4  }
0x1be: {  	v4 =	vperm.xlane v3, v0;
	_ =	sdelay $0x1  }
0x1bf: {  	v4 =	vadd.s32 v1, v4;
	_ =	sdelay $0x3  }
0x1c0: {  	s28 =	simm.s32 $0xC400  }
0x1c1: {  	[tilespmem:s28], [sflag:$0x3] =	stream.indirect_vreg.gather [hbm4b:s3+s2], $0x80, v4, vm0, $0xb8;
	[tilespmem:$0x18400] =	vst v63  }
0x1c2: {  	s29 =	simm.s32 $0xCC00;
	v3 =	vperm.xlane v3, v2  }
0x1c3: {  	[tilespmem:s29], [sflag:$0x3] =	stream.indirect_vreg.gather [hbm4b:s4+s2], $0x80, v4, vm0, $0xb8;
	[tilespmem:$0x18400] =	vst v63  }
0x1c4: {  	s30 =	simm.s32 $0xD400;
	v3 =	vadd.s32 v1, v3  }
0x1c5: {  	[tilespmem:s30], [sflag:$0x3] =	stream.indirect_vreg.gather [hbm4b:s5+s2], $0x80, v4, vm0, $0xb8;
	[tilespmem:$0x18400] =	vst v63  }
0x1c6: {  	s19 =	simm.s32 $0xDC00  }
0x1c7: {  	[tilespmem:s19], [sflag:$0x3] =	stream.indirect_vreg.gather [hbm4b:s6+s2], $0x80, v4, vm0, $0xb8;
	[tilespmem:$0x18400] =	vst v63  }
0x1c8: {  	s26 =	simm.s32 $0xE400  }
0x1c9: {  	[tilespmem:s26], [sflag:$0x3] =	stream.indirect_vreg.gather [hbm4b:s3+s2], $0x80, v3, vm0, $0xb8;
	[tilespmem:$0x18400] =	vst v63  }
0x1ca: {  	s28 =	simm.s32 $0xEC00  }
0x1cb: {  	[tilespmem:s28], [sflag:$0x3] =	stream.indirect_vreg.gather [hbm4b:s4+s2], $0x80, v3, vm0, $0xb8;
	[tilespmem:$0x18400] =	vst v63  }
0x1cc: {  	s29 =	simm.s32 $0xF400  }
0x1cd: {  	[tilespmem:s29], [sflag:$0x3] =	stream.indirect_vreg.gather [hbm4b:s5+s2], $0x80, v3, vm0, $0xb8;
	[tilespmem:$0x18400] =	vst v63  }
0x1ce: {  	s30 =	simm.s32 $0xFC00  }
0x1cf: {  	[tilespmem:s30], [sflag:$0x3] =	stream.indirect_vreg.gather [hbm4b:s6+s2], $0x80, v3, vm0, $0xb8;
	[tilespmem:$0x18400] =	vst v63  }
0x1d0: {  	_ =	swait.ge [sflag:s0], $0x8000  }
0x1d1: {  	[sflag:s0] =	ssyncset.done $0x0  }
0x1d2: {  	s28 =	simm.s32 $0x10400;
	s19 =	rddreg [dreg:$0x10];
	[sflag:s0] =	ssyncadd.s32 $0xFFFF8000  }
0x1d3: {  	[hbm4b:s19+s2] =	stream.linear.scatter [tilespmem:s28], [sflag:$0x7], $0x8000, $0x38;
	[tilespmem:$0x18400] =	vst v63  }
0x1d4: {  	_ =	swait.ge [sflag:s9], $0x8000  }
0x1d5: {  	[sflag:s9] =	ssyncset.done $0x0  }
0x1d6: {  	s29 =	rddreg [dreg:$0x11];
	[sflag:s9] =	ssyncadd.s32 $0xFFFF8000  }
0x1d7: {  	[hbm4b:s29+s2] =	stream.linear.scatter [tilespmem:s25], [sflag:$0x5], $0x8000, $0x38;
	[tilespmem:$0x18400] =	vst v63  }
0x1d8: {  	_ =	swait.ge [sflag:s21], $0x8000  }
0x1d9: {  	[sflag:s21] =	ssyncset.done $0x0  }
0x1da: {  	s30 =	rddreg [dreg:$0x12];
	[sflag:s21] =	ssyncadd.s32 $0xFFFF8000  }
0x1db: {  	[hbm4b:s30+s2] =	stream.linear.scatter [tilespmem:s23], [sflag:$0x6], $0x8000, $0x38;
	[tilespmem:$0x18400] =	vst v63  }
0x1dc: {  	_ =	swait.ge [sflag:s1], $0x8000  }
0x1dd: {  	[sflag:s1] =	ssyncset.done $0x0  }
0x1de: {  	[sflag:s1] =	ssyncadd.s32 $0xFFFF8000  }
0x1df: {  	p0 =	sne.s32 s7, $0x1;
	_ =	swait.ge [sflag:s20], $0x8000  }
.Ltmp0:
0x1e0: {  	[sflag:s20] =	ssyncset.done $0x0;
	(pc) =	sbr.rel @p0 .LBB2_1-.Ltmp0, $4  }
0x1e1: {  	[sflag:s20] =	ssyncadd.s32 $0xFFFF8000  }
0x1e2: {  	_ =	swait.ge [sflag:s22], $0x8000  }
0x1e3: {  	[sflag:s22] =	ssyncset.done $0x0  }
0x1e4: {  	s7 =	sadd.s32 $0xFFFFFFFF, s7;
	[sflag:s22] =	ssyncadd.s32 $0xFFFF8000  }
0x1e5: {  	_ =	sfence.sel $0x180000  }
0x1e6: {  	[bflag:$0x0] =	sbarrier.arrive $0xFFFF  }
0x1e7: {  	_ =	strace $0x9000004A  }
0x1e8: {  	s0 =	stileid.u32;
	[bflag:$0x2] =	sbarrier.arrive $0xFFFF  }
0x1e9: {  	p0 =	sne.s32 s0, $0x0;
	s0 =	rddreg [dreg:$0x2]  }
0x1ea: {  	s0 =	sadd.s32 @!p0 $0x100000, s0  }
0x1eb: {  	[sflag:s0] =	ssyncadd.tile.s32 @!p0 $0x1;
	_ =	shalt  }
.Lfunc_end2:
_tile_overlayer_lowered:
.L_overlay_start_2:
0x1ec: {  	(tag) =	ssettag $0x2  }
0x1ed: {  	s0 =	rddreg [dreg:$0x0];
	s2 =	stileid.u32  }
0x1ee: {  	s1 =	rddreg [dreg:$0x1];
	p0 =	sne.s32 s2, $0x0  }
0x1ef: {  	s3 =	rddreg [dreg:$0x2];
	[bflag:$0x3] =	sbarrier.arrive $0xFFFF;
	s2 =	simm.s32 @!p0 $0x1C08  }
0x1f0: {  	[timem:s3], [sflag:s2] =	dma.local @!p0 [hbm:s0], s1  }
0x1f1: {  	s0 =	simm.s32 @!p0 $0x8  }
0x1f2: {  	_ =	swait.ge @!p0 [sflag:s0], s1  }
0x1f3: {  	s1 =	ssub.s32 @!p0 $0x0, s1;
	[sflag:s0] =	ssyncset.done @!p0 $0x0  }
0x1f4: {  	[sflag:s0] =	ssyncadd.s32 @!p0 s1  }
0x1f5: {  	[bflag:$0x3] =	sbarrier.arrive $0xFFFF  }
0x1f6: {  	_ =	shalt  }

</sc_bundles>
